<compile_context>
chip_gen: v7x
topology: tpu7x:2x2x1
jax: 0.10.2.dev20260603
libtpu: 0.0.44.dev20260713+nightly
codegen_flags: <defaults>
</compile_context>

<pallas_src>
import functools

import jax
import jax.numpy as jnp
from jax import lax
from jax.experimental import pallas as pl
from jax.experimental.pallas import tpu as pltpu
from jax.experimental.pallas import tpu_sc as plsc

N, L, D1, D2 = 20000, 1024, 512, 256
K_SEL = 8
BLK = 2000
NBLK = N // BLK

_NEG_BIG = float(-3e38)
_POS_BIG = float(3e38)

SC_NW = 16
SC_ROWS_TOT = 1280
SC_ROWS = SC_ROWS_TOT // SC_NW


def _pass1_kernel(h_ref, w1_ref, b1_ref, wa_ref, ba_ref, wb_ref, bb_ref,
                  wc_ref, bc_ref, scores_ref, m_out_ref,
                  macc_ref, mmax_ref, denom_ref):
    i = pl.program_id(0)

    @pl.when(i == 0)
    def _init():
        macc_ref[...] = jnp.zeros_like(macc_ref)
        mmax_ref[...] = jnp.full((1, 1), -1e30, jnp.float32)
        denom_ref[...] = jnp.zeros((1, 1), jnp.float32)

    h1 = jax.nn.relu(
        lax.dot_general(h_ref[...].astype(jnp.bfloat16),
                        w1_ref[...].astype(jnp.bfloat16),
                        (((1,), (0,)), ((), ())),
                        preferred_element_type=jnp.float32)
        + b1_ref[...])
    h1b = h1.astype(jnp.bfloat16)
    a = jnp.tanh(
        lax.dot_general(h1b, wa_ref[...].astype(jnp.bfloat16),
                        (((1,), (0,)), ((), ())),
                        preferred_element_type=jnp.float32) + ba_ref[...])
    g = jax.nn.sigmoid(
        lax.dot_general(h1b, wb_ref[...].astype(jnp.bfloat16),
                        (((1,), (0,)), ((), ())),
                        preferred_element_type=jnp.float32) + bb_ref[...])
    ag = (a * g).astype(jnp.bfloat16)
    s = (lax.dot_general(ag, wc_ref[...].astype(jnp.bfloat16),
                         (((1,), (0,)), ((), ())),
                         preferred_element_type=jnp.float32)
         + bc_ref[0, 0])
    scores_ref[...] = s

    bmax = jnp.max(s, axis=0, keepdims=True)
    old_max = mmax_ref[...]
    new_max = jnp.maximum(old_max, bmax)
    alpha = jnp.exp(old_max - new_max)
    p = jnp.exp(s - new_max)
    denom_ref[...] = denom_ref[...] * alpha + jnp.sum(p, axis=0, keepdims=True)
    pw = jnp.sum(p * h1, axis=0, keepdims=True)
    macc_ref[...] = macc_ref[...] * alpha + pw
    mmax_ref[...] = new_max

    @pl.when(i == NBLK - 1)
    def _finish():
        m_out_ref[...] = macc_ref[...] / denom_ref[...]


def _sc_body(scores_ref, h_ref, rows_ref, tk_ref, ti_ref, bk_ref, bi_ref,
             chunk_ref, pub_ref, g1_ref, g2_ref, sem):
    w = lax.axis_index("s")
    base = w * SC_ROWS
    lane = lax.iota(jnp.int32, 16)

    pltpu.sync_copy(scores_ref.at[pl.ds(base * 16, SC_ROWS * 16)], chunk_ref)

    neg = jnp.full((16,), _NEG_BIG, jnp.float32)
    zid = jnp.zeros((16,), jnp.int32)

    def _scan(j, carry):
        kt, it, kb, ib = carry
        x = chunk_ref[pl.ds(j * 16, 16)]
        pid = (base + j) * 16 + lane
        valid = pid < N
        xt = jnp.where(valid, x, _NEG_BIG)
        xb = jnp.where(valid, -x, _NEG_BIG)
        xs, ps = plsc.sort_key_val(xt, pid)
        m = kt >= xs
        kt, it = plsc.sort_key_val(jnp.where(m, kt, xs),
                                   jnp.where(m, it, ps), descending=True)
        xs2, ps2 = plsc.sort_key_val(xb, pid)
        m2 = kb >= xs2
        kb, ib = plsc.sort_key_val(jnp.where(m2, kb, xs2),
                                   jnp.where(m2, ib, ps2), descending=True)
        return (kt, it, kb, ib)

    kt, it, kb, ib = lax.fori_loop(0, SC_ROWS, _scan, (neg, zid, neg, zid))

    for ref, vec in ((tk_ref, kt), (ti_ref, it.astype(jnp.float32)),
                     (bk_ref, kb), (bi_ref, ib.astype(jnp.float32))):
        pub_ref[...] = vec
        pltpu.sync_copy(pub_ref, ref.at[pl.ds(w * 16, 16)])
    plsc.subcore_barrier()

    @pl.when(w == 0)
    def _merge():
        def _merge2(ka, ia, kb2, ib2):
            kr = lax.rev(kb2, (0,))
            ir = lax.rev(ib2, (0,))
            m = ka >= kr
            return plsc.sort_key_val(jnp.where(m, ka, kr),
                                     jnp.where(m, ia, ir), descending=True)

        def _tree(kref, iref):
            ks, is_ = [], []
            for t in range(SC_NW):
                pltpu.sync_copy(kref.at[pl.ds(t * 16, 16)], pub_ref)
                ks.append(pub_ref[...])
                pltpu.sync_copy(iref.at[pl.ds(t * 16, 16)], pub_ref)
                is_.append(pub_ref[...].astype(jnp.int32))
            while len(ks) > 1:
                nk, ni = [], []
                for t in range(0, len(ks), 2):
                    a, b = _merge2(ks[t], is_[t], ks[t + 1], is_[t + 1])
                    nk.append(a)
                    ni.append(b)
                ks, is_ = nk, ni
            return ks[0], is_[0]

        _, itop = _tree(tk_ref, ti_ref)
        _, ibot = _tree(bk_ref, bi_ref)
        itop = jnp.where(lane < K_SEL, itop, 0)
        ibot = jnp.where(lane < K_SEL, ibot, 0)
        pltpu.async_copy(h_ref.at[itop], g1_ref, sem).wait()
        pltpu.async_copy(h_ref.at[ibot], g2_ref, sem).wait()
        pltpu.sync_copy(g1_ref.at[pl.ds(0, K_SEL)], rows_ref.at[pl.ds(0, K_SEL)])
        pltpu.sync_copy(g2_ref.at[pl.ds(0, K_SEL)],
                        rows_ref.at[pl.ds(K_SEL, K_SEL)])


def _classify_kernel(label_ref, rows_ref, w1_ref, b1_ref, wi0_ref, bi0_ref,
                     wi1_ref, bi1_ref, inst_ref):
    hsel = rows_ref[...].astype(jnp.bfloat16)
    h1s = jax.nn.relu(
        lax.dot_general(hsel, w1_ref[...].astype(jnp.bfloat16),
                        (((1,), (0,)), ((), ())),
                        preferred_element_type=jnp.float32) + b1_ref[...])
    h1sb = h1s.astype(jnp.bfloat16)
    logits0 = lax.dot_general(h1sb, wi0_ref[...].astype(jnp.bfloat16),
                              (((1,), (0,)), ((), ())),
                              preferred_element_type=jnp.float32) + bi0_ref[...]
    logits1 = lax.dot_general(h1sb, wi1_ref[...].astype(jnp.bfloat16),
                              (((1,), (0,)), ((), ())),
                              preferred_element_type=jnp.float32) + bi1_ref[...]
    inst_ref[...] = jnp.where(label_ref[0] == 0, logits0, logits1)


@functools.partial(jax.jit, static_argnames=())
def kernel(h, label, W1, b1, Wa, ba, Wb, bb, Wc, bc, Wi0, bi0, Wi1, bi1):
    b1r = b1.reshape(1, D1)
    bar = ba.reshape(1, D2)
    bbr = bb.reshape(1, D2)
    bcr = bc.reshape(1, 1)
    bi0r = bi0.reshape(1, 2)
    bi1r = bi1.reshape(1, 2)

    scores, M = pl.pallas_call(
        _pass1_kernel,
        grid=(NBLK,),
        in_specs=[
            pl.BlockSpec((BLK, L), lambda i: (i, 0)),
            pl.BlockSpec((L, D1), lambda i: (0, 0)),
            pl.BlockSpec((1, D1), lambda i: (0, 0)),
            pl.BlockSpec((D1, D2), lambda i: (0, 0)),
            pl.BlockSpec((1, D2), lambda i: (0, 0)),
            pl.BlockSpec((D1, D2), lambda i: (0, 0)),
            pl.BlockSpec((1, D2), lambda i: (0, 0)),
            pl.BlockSpec((D2, 1), lambda i: (0, 0)),
            pl.BlockSpec((1, 1), lambda i: (0, 0)),
        ],
        out_specs=[
            pl.BlockSpec((BLK, 1), lambda i: (i, 0)),
            pl.BlockSpec((1, D1), lambda i: (0, 0)),
        ],
        out_shape=[
            jax.ShapeDtypeStruct((N, 1), jnp.float32),
            jax.ShapeDtypeStruct((1, D1), jnp.float32),
        ],
        scratch_shapes=[
            pltpu.VMEM((1, D1), jnp.float32),
            pltpu.VMEM((1, 1), jnp.float32),
            pltpu.VMEM((1, 1), jnp.float32),
        ],
    )(h, W1, b1r, Wa, bar, Wb, bbr, Wc, bcr)

    scores_pad = jnp.concatenate(
        [scores.reshape(-1), jnp.zeros((SC_ROWS_TOT * 16 - N,), jnp.float32)])

    mesh = plsc.VectorSubcoreMesh(core_axis_name="c", subcore_axis_name="s",
                                  num_cores=1)
    sc_call = pl.kernel(
        _sc_body,
        out_type=[
            jax.ShapeDtypeStruct((2 * K_SEL, L), jnp.float32),
            jax.ShapeDtypeStruct((SC_NW * 16,), jnp.float32),
            jax.ShapeDtypeStruct((SC_NW * 16,), jnp.float32),
            jax.ShapeDtypeStruct((SC_NW * 16,), jnp.float32),
            jax.ShapeDtypeStruct((SC_NW * 16,), jnp.float32),
        ],
        mesh=mesh,
        scratch_types=[
            pltpu.VMEM((SC_ROWS * 16,), jnp.float32),
            pltpu.VMEM((16,), jnp.float32),
            pltpu.VMEM((2 * K_SEL, L), jnp.float32),
            pltpu.VMEM((2 * K_SEL, L), jnp.float32),
            pltpu.SemaphoreType.DMA,
        ],
        compiler_params=pltpu.CompilerParams(needs_layout_passes=False),
    )
    rows, _, _, _, _ = sc_call(scores_pad, h)

    inst = pl.pallas_call(
        _classify_kernel,
        in_specs=[
            pl.BlockSpec(memory_space=pltpu.MemorySpace.SMEM),
            pl.BlockSpec((2 * K_SEL, L), lambda: (0, 0)),
            pl.BlockSpec((L, D1), lambda: (0, 0)),
            pl.BlockSpec((1, D1), lambda: (0, 0)),
            pl.BlockSpec((D1, 2), lambda: (0, 0)),
            pl.BlockSpec((1, 2), lambda: (0, 0)),
            pl.BlockSpec((D1, 2), lambda: (0, 0)),
            pl.BlockSpec((1, 2), lambda: (0, 0)),
        ],
        out_specs=pl.BlockSpec((2 * K_SEL, 2), lambda: (0, 0)),
        out_shape=jax.ShapeDtypeStruct((2 * K_SEL, 2), jnp.float32),
    )(label, rows, W1, b1r, Wi0, bi0r, Wi1, bi1r)

    return jnp.concatenate([M.reshape(-1), inst.reshape(-1)])

# --- scband reference (transcript-rebuilt; emitter-appended) ---
"""Pipeline reference for scband-clam-base-29609504539084 (READ-ONLY COPY).

The authoritative reference and input builder live on the scoring server;
editing this copy changes nothing except your own understanding.
"""

import jax, jax.numpy as jnp
import numpy as np

N, L, D1, D2 = 20000, 1024, 512, 256
K_SAMPLE = 8

def setup_inputs(seed: int = 0) -> dict:
    key = jax.random.key(seed)
    ks = jax.random.split(key, 10)
    def lin(k, fan_in, fan_out):
        return jax.random.normal(k, (fan_in, fan_out), dtype=jnp.float32) * (1.0 / np.sqrt(fan_in))
    inp = {}
    inp['h'] = jax.random.normal(ks[0], (N, L), dtype=jnp.float32)
    inp['label'] = jax.random.randint(ks[1], (1,), 0, 2)
    inp['W1'] = lin(ks[2], L, D1); inp['b1'] = jnp.zeros((D1,), jnp.float32)
    inp['Wa'] = lin(ks[3], D1, D2); inp['ba'] = jnp.zeros((D2,), jnp.float32)
    inp['Wb'] = lin(ks[4], D1, D2); inp['bb'] = jnp.zeros((D2,), jnp.float32)
    inp['Wc'] = lin(ks[5], D2, 1); inp['bc'] = jnp.zeros((1,), jnp.float32)
    inp['Wi0'] = lin(ks[6], D1, 2); inp['bi0'] = jnp.zeros((2,), jnp.float32)
    inp['Wi1'] = lin(ks[7], D1, 2); inp['bi1'] = jnp.zeros((2,), jnp.float32)
    return inp

def reference(h, label, W1, b1, Wa, ba, Wb, bb, Wc, bc, Wi0, bi0, Wi1, bi1):
    # fc: Linear(1024,512) + ReLU, then Attn_Net_Gated(L=512, D=256, n_classes=1)
    h1 = jax.nn.relu(h @ W1 + b1)                      # [N, 512] (the 'h' returned by attention_net)
    a = jnp.tanh(h1 @ Wa + ba)                         # [N, 256]
    g = jax.nn.sigmoid(h1 @ Wb + bb)                   # [N, 256]
    A = (a * g) @ Wc + bc                              # [N, 1]
    A = A.T                                            # [1, N]
    A_soft = jax.nn.softmax(A, axis=1)                 # softmax over tiles
    # instance-level eval: in-the-class branch for the positive class (non-subtyping)
    lbl0 = (label[0] == 0)
    Wi = jnp.where(lbl0, Wi0, Wi1)
    bi = jnp.where(lbl0, bi0, bi1)
    row = A_soft[-1]                                   # last row, as in torch topk(...)[1][-1]
    _, top_p_ids = jax.lax.top_k(row, K_SAMPLE)
    _, top_n_ids = jax.lax.top_k(-row, K_SAMPLE)
    top_p = jnp.take(h1, top_p_ids, axis=0)            # [k, 512]
    top_n = jnp.take(h1, top_n_ids, axis=0)            # [k, 512]
    all_instances = jnp.concatenate([top_p, top_n], axis=0)  # [2k, 512]
    inst_logits = all_instances @ Wi + bi              # [2k, 2]
    M = A_soft @ h1                                    # [1, 512] attention-pooled bag embedding
    return jnp.concatenate([M.reshape(-1), inst_logits.reshape(-1)])  # [512 + 32] = [544]

if __name__ == "__main__":
    import jax
    _d = setup_inputs()
    print(jax.jit(kernel)(*tuple(_d.values())))

</pallas_src>

<mosaic_0001>
#map = affine_map<(d0, d1) -> (0)>
#map1 = affine_map<(d0, d1) -> (0, 0)>
module attributes {stable_mosaic.version = 14 : i64} {
  func.func @_sc_body(%arg0: i32, %arg1: i32, %arg2: memref<20480xf32, #tpu.memory_space<hbm>>, %arg3: memref<20000x1024xf32, #tpu.memory_space<hbm>>, %arg4: memref<16x1024xf32, #tpu.memory_space<hbm>>, %arg5: memref<256xf32, #tpu.memory_space<hbm>>, %arg6: memref<256xf32, #tpu.memory_space<hbm>>, %arg7: memref<256xf32, #tpu.memory_space<hbm>>, %arg8: memref<256xf32, #tpu.memory_space<hbm>>, %arg9: memref<1280xf32, #tpu.memory_space<vmem>>, %arg10: memref<16xf32, #tpu.memory_space<vmem>>, %arg11: memref<16x1024xf32, #tpu.memory_space<vmem>>, %arg12: memref<16x1024xf32, #tpu.memory_space<vmem>>, %arg13: memref<!tpu.dma_semaphore, #tpu.memory_space<semaphore_mem>>) attributes {dimension_semantics = [#tpu.dimension_semantics<core_parallel>, #tpu.dimension_semantics<subcore_parallel>], iteration_bounds = array<i64: 1, 16>, scalar_prefetch = 0 : i64, scratch_operands = 5 : i64, tpu.core_type = #tpu.core_type<sc_vector_subcore>, window_params = [{transform_indices = #map}, {transform_indices = #map1}, {transform_indices = #map1}, {transform_indices = #map}, {transform_indices = #map}, {transform_indices = #map}, {transform_indices = #map}]} {
    %mul3A = arith.constant 80 : i32
    %mul3A_0 = arith.muli %arg1, %mul3A : i32
    %iota3A = tpu.iota {dimensions = array<i32: 0>} : vector<16xi32>
    %mul3A_1 = arith.constant 16 : i32
    %mul3A_2 = arith.muli %mul3A_0, %mul3A_1 : i32
    "tpu.region"() ({
      %run_scoped3A = tpu.sem_alloc : memref<!tpu.dma_semaphore, #tpu.memory_space<semaphore_mem>>
      %dma_start3A = tpu.memref_slice %arg2[%mul3A_2] : memref<20480xf32, #tpu.memory_space<hbm>> -> memref<1280xf32, #tpu.memory_space<hbm>>
      %dma_start3A_30 = tpu.memref_slice %arg2[%mul3A_2] : memref<20480xf32, #tpu.memory_space<hbm>> -> memref<1280xf32, #tpu.memory_space<hbm>>
      tpu.enqueue_dma source(%dma_start3A_30 : memref<1280xf32, #tpu.memory_space<hbm>>) target(%arg9 : memref<1280xf32, #tpu.memory_space<vmem>>) target_semaphore(%run_scoped3A : memref<!tpu.dma_semaphore, #tpu.memory_space<semaphore_mem>>)
      %dma_wait3A = tpu.memref_slice %arg2[%mul3A_2] : memref<20480xf32, #tpu.memory_space<hbm>> -> memref<1280xf32, #tpu.memory_space<hbm>>
      %dma_wait3A_31 = tpu.memref_slice %arg2[%mul3A_2] : memref<20480xf32, #tpu.memory_space<hbm>> -> memref<1280xf32, #tpu.memory_space<hbm>>
      tpu.wait_dma2 semaphore(%run_scoped3A : memref<!tpu.dma_semaphore, #tpu.memory_space<semaphore_mem>>) src(%dma_wait3A_31 : memref<1280xf32, #tpu.memory_space<hbm>>) dst(%arg9 : memref<1280xf32, #tpu.memory_space<vmem>>)
      tpu.yield
    }) : () -> ()
    %broadcast_in_dim3A = arith.constant -3.000000e+38 : f32
    %broadcast_in_dim3A_3 = vector.broadcast %broadcast_in_dim3A : f32 to vector<16xf32>
    %broadcast_in_dim3A_4 = arith.constant 0 : i32
    %broadcast_in_dim3A_5 = vector.broadcast %broadcast_in_dim3A_4 : i32 to vector<16xi32>
    %scan3A = arith.constant 0 : i32
    %scan3A_6 = arith.constant 80 : i32
    %scan3A_7 = arith.addi %scan3A, %scan3A_6 : i32
    %scan3A_8 = arith.constant 1 : i32
    %scan3A_9:4 = scf.for %scan3A_30 = %scan3A to %scan3A_7 step %scan3A_8 iter_args(%scan3A_31 = %broadcast_in_dim3A_3, %scan3A_32 = %broadcast_in_dim3A_5, %scan3A_33 = %broadcast_in_dim3A_3, %scan3A_34 = %broadcast_in_dim3A_5) -> (vector<16xf32>, vector<16xi32>, vector<16xf32>, vector<16xi32>)  : i32 {
      %mul3A_35 = arith.constant 16 : i32
      %mul3A_36 = arith.muli %scan3A_30, %mul3A_35 : i32
      %get3A = arith.index_cast %mul3A_36 : i32 to index
      %get3A_37 = tpu.vector_load %arg9[%get3A] {strides = array<i32>} : memref<1280xf32, #tpu.memory_space<vmem>>, vector<16xf32>,
      %add3A = arith.addi %mul3A_0, %scan3A_30 : i32
      %mul3A_38 = arith.constant 16 : i32
      %mul3A_39 = arith.muli %add3A, %mul3A_38 : i32
      %add3A_40 = vector.broadcast %mul3A_39 : i32 to vector<16xi32>
      %add3A_41 = arith.addi %add3A_40, %iota3A : vector<16xi32>
      %lt3A = arith.constant 20000 : i32
      %lt3A_42 = vector.broadcast %lt3A : i32 to vector<16xi32>
      %lt3A_43 = arith.cmpi slt, %add3A_41, %lt3A_42 : vector<16xi32>
      %jit3A = arith.constant -3.000000e+38 : f32
      %broadcast_in_dim3A_44 = vector.broadcast %jit3A : f32 to vector<16xf32>
      %select_n3A = arith.select %lt3A_43, %get3A_37, %broadcast_in_dim3A_44 : vector<16xi1>, vector<16xf32>
      %neg3A = arith.constant 0.000000e+00 : f32
      %neg3A_45 = vector.broadcast %neg3A : f32 to vector<16xf32>
      %neg3A_46 = arith.subf %neg3A_45, %get3A_37 : vector<16xf32>
      %jit3A_47 = arith.constant -3.000000e+38 : f32
      %broadcast_in_dim3A_48 = vector.broadcast %jit3A_47 : f32 to vector<16xf32>
      %select_n3A_49 = arith.select %lt3A_43, %neg3A_46, %broadcast_in_dim3A_48 : vector<16xi1>, vector<16xf32>
      %masked_sort3A = arith.constant dense<true> : vector<16xi1>
      %masked_sort3A_50, %masked_sort3A_51, %masked_sort3A_52 = tpu.sort %select_n3A, %add3A_41 masked %masked_sort3A : (vector<16xf32>, vector<16xi32>, vector<16xi1>) -> (vector<16xi1>, vector<16xf32>, vector<16xi32>)
      %ge3A = arith.cmpf oge, %scan3A_31, %masked_sort3A_51 : vector<16xf32>
      %select_n3A_53 = arith.select %ge3A, %scan3A_31, %masked_sort3A_51 : vector<16xi1>, vector<16xf32>
      %select_n3A_54 = arith.select %ge3A, %scan3A_32, %masked_sort3A_52 : vector<16xi1>, vector<16xi32>
      %masked_sort3A_55 = arith.constant dense<true> : vector<16xi1>
      %masked_sort3A_56, %masked_sort3A_57, %masked_sort3A_58 = tpu.sort %select_n3A_53, %select_n3A_54 masked %masked_sort3A_55 {descending = true} : (vector<16xf32>, vector<16xi32>, vector<16xi1>) -> (vector<16xi1>, vector<16xf32>, vector<16xi32>)
      %masked_sort3A_59 = arith.constant dense<true> : vector<16xi1>
      %masked_sort3A_60, %masked_sort3A_61, %masked_sort3A_62 = tpu.sort %select_n3A_49, %add3A_41 masked %masked_sort3A_59 : (vector<16xf32>, vector<16xi32>, vector<16xi1>) -> (vector<16xi1>, vector<16xf32>, vector<16xi32>)
      %ge3A_63 = arith.cmpf oge, %scan3A_33, %masked_sort3A_61 : vector<16xf32>
      %select_n3A_64 = arith.select %ge3A_63, %scan3A_33, %masked_sort3A_61 : vector<16xi1>, vector<16xf32>
      %select_n3A_65 = arith.select %ge3A_63, %scan3A_34, %masked_sort3A_62 : vector<16xi1>, vector<16xi32>
      %masked_sort3A_66 = arith.constant dense<true> : vector<16xi1>
      %masked_sort3A_67, %masked_sort3A_68, %masked_sort3A_69 = tpu.sort %select_n3A_64, %select_n3A_65 masked %masked_sort3A_66 {descending = true} : (vector<16xf32>, vector<16xi32>, vector<16xi1>) -> (vector<16xi1>, vector<16xf32>, vector<16xi32>)
      scf.yield %masked_sort3A_57, %masked_sort3A_58, %masked_sort3A_68, %masked_sort3A_69 : vector<16xf32>, vector<16xi32>, vector<16xf32>, vector<16xi32>
    }
    %scan3A_10 = arith.constant 80 : i32
    %convert_element_type3A = arith.sitofp %scan3A_9#1 : vector<16xi32> to vector<16xf32>
    %convert_element_type3A_11 = arith.sitofp %scan3A_9#3 : vector<16xi32> to vector<16xf32>
    %swap3A = arith.constant 0 : index
    %swap3A_12 = tpu.vector_load %arg10[%swap3A] {strides = array<i32>} : memref<16xf32, #tpu.memory_space<vmem>>, vector<16xf32>,
    tpu.vector_store %arg10[%swap3A], %scan3A_9#0 {strides = array<i32>} : memref<16xf32, #tpu.memory_space<vmem>>, vector<16xf32>,
    %mul3A_13 = arith.constant 16 : i32
    %mul3A_14 = arith.muli %arg1, %mul3A_13 : i32
    "tpu.region"() ({
      %run_scoped3A = tpu.sem_alloc : memref<!tpu.dma_semaphore, #tpu.memory_space<semaphore_mem>>
      %dma_start3A = tpu.memref_slice %arg5[%mul3A_14] : memref<256xf32, #tpu.memory_space<hbm>> -> memref<16xf32, #tpu.memory_space<hbm>>
      %dma_start3A_30 = tpu.memref_slice %arg5[%mul3A_14] : memref<256xf32, #tpu.memory_space<hbm>> -> memref<16xf32, #tpu.memory_space<hbm>>
      tpu.enqueue_dma source(%arg10 : memref<16xf32, #tpu.memory_space<vmem>>) target(%dma_start3A_30 : memref<16xf32, #tpu.memory_space<hbm>>) target_semaphore(%run_scoped3A : memref<!tpu.dma_semaphore, #tpu.memory_space<semaphore_mem>>)
      %dma_wait3A = tpu.memref_slice %arg5[%mul3A_14] : memref<256xf32, #tpu.memory_space<hbm>> -> memref<16xf32, #tpu.memory_space<hbm>>
      %dma_wait3A_31 = tpu.memref_slice %arg5[%mul3A_14] : memref<256xf32, #tpu.memory_space<hbm>> -> memref<16xf32, #tpu.memory_space<hbm>>
      tpu.wait_dma2 semaphore(%run_scoped3A : memref<!tpu.dma_semaphore, #tpu.memory_space<semaphore_mem>>) src(%arg10 : memref<16xf32, #tpu.memory_space<vmem>>) dst(%dma_wait3A_31 : memref<16xf32, #tpu.memory_space<hbm>>)
      tpu.yield
    }) : () -> ()
    %swap3A_15 = arith.constant 0 : index
    %swap3A_16 = tpu.vector_load %arg10[%swap3A_15] {strides = array<i32>} : memref<16xf32, #tpu.memory_space<vmem>>, vector<16xf32>,
    tpu.vector_store %arg10[%swap3A_15], %convert_element_type3A {strides = array<i32>} : memref<16xf32, #tpu.memory_space<vmem>>, vector<16xf32>,
    %mul3A_17 = arith.constant 16 : i32
    %mul3A_18 = arith.muli %arg1, %mul3A_17 : i32
    "tpu.region"() ({
      %run_scoped3A = tpu.sem_alloc : memref<!tpu.dma_semaphore, #tpu.memory_space<semaphore_mem>>
      %dma_start3A = tpu.memref_slice %arg6[%mul3A_18] : memref<256xf32, #tpu.memory_space<hbm>> -> memref<16xf32, #tpu.memory_space<hbm>>
      %dma_start3A_30 = tpu.memref_slice %arg6[%mul3A_18] : memref<256xf32, #tpu.memory_space<hbm>> -> memref<16xf32, #tpu.memory_space<hbm>>
      tpu.enqueue_dma source(%arg10 : memref<16xf32, #tpu.memory_space<vmem>>) target(%dma_start3A_30 : memref<16xf32, #tpu.memory_space<hbm>>) target_semaphore(%run_scoped3A : memref<!tpu.dma_semaphore, #tpu.memory_space<semaphore_mem>>)
      %dma_wait3A = tpu.memref_slice %arg6[%mul3A_18] : memref<256xf32, #tpu.memory_space<hbm>> -> memref<16xf32, #tpu.memory_space<hbm>>
      %dma_wait3A_31 = tpu.memref_slice %arg6[%mul3A_18] : memref<256xf32, #tpu.memory_space<hbm>> -> memref<16xf32, #tpu.memory_space<hbm>>
      tpu.wait_dma2 semaphore(%run_scoped3A : memref<!tpu.dma_semaphore, #tpu.memory_space<semaphore_mem>>) src(%arg10 : memref<16xf32, #tpu.memory_space<vmem>>) dst(%dma_wait3A_31 : memref<16xf32, #tpu.memory_space<hbm>>)
      tpu.yield
    }) : () -> ()
    %swap3A_19 = arith.constant 0 : index
    %swap3A_20 = tpu.vector_load %arg10[%swap3A_19] {strides = array<i32>} : memref<16xf32, #tpu.memory_space<vmem>>, vector<16xf32>,
    tpu.vector_store %arg10[%swap3A_19], %scan3A_9#2 {strides = array<i32>} : memref<16xf32, #tpu.memory_space<vmem>>, vector<16xf32>,
    %mul3A_21 = arith.constant 16 : i32
    %mul3A_22 = arith.muli %arg1, %mul3A_21 : i32
    "tpu.region"() ({
      %run_scoped3A = tpu.sem_alloc : memref<!tpu.dma_semaphore, #tpu.memory_space<semaphore_mem>>
      %dma_start3A = tpu.memref_slice %arg7[%mul3A_22] : memref<256xf32, #tpu.memory_space<hbm>> -> memref<16xf32, #tpu.memory_space<hbm>>
      %dma_start3A_30 = tpu.memref_slice %arg7[%mul3A_22] : memref<256xf32, #tpu.memory_space<hbm>> -> memref<16xf32, #tpu.memory_space<hbm>>
      tpu.enqueue_dma source(%arg10 : memref<16xf32, #tpu.memory_space<vmem>>) target(%dma_start3A_30 : memref<16xf32, #tpu.memory_space<hbm>>) target_semaphore(%run_scoped3A : memref<!tpu.dma_semaphore, #tpu.memory_space<semaphore_mem>>)
      %dma_wait3A = tpu.memref_slice %arg7[%mul3A_22] : memref<256xf32, #tpu.memory_space<hbm>> -> memref<16xf32, #tpu.memory_space<hbm>>
      %dma_wait3A_31 = tpu.memref_slice %arg7[%mul3A_22] : memref<256xf32, #tpu.memory_space<hbm>> -> memref<16xf32, #tpu.memory_space<hbm>>
      tpu.wait_dma2 semaphore(%run_scoped3A : memref<!tpu.dma_semaphore, #tpu.memory_space<semaphore_mem>>) src(%arg10 : memref<16xf32, #tpu.memory_space<vmem>>) dst(%dma_wait3A_31 : memref<16xf32, #tpu.memory_space<hbm>>)
      tpu.yield
    }) : () -> ()
    %swap3A_23 = arith.constant 0 : index
    %swap3A_24 = tpu.vector_load %arg10[%swap3A_23] {strides = array<i32>} : memref<16xf32, #tpu.memory_space<vmem>>, vector<16xf32>,
    tpu.vector_store %arg10[%swap3A_23], %convert_element_type3A_11 {strides = array<i32>} : memref<16xf32, #tpu.memory_space<vmem>>, vector<16xf32>,
    %mul3A_25 = arith.constant 16 : i32
    %mul3A_26 = arith.muli %arg1, %mul3A_25 : i32
    "tpu.region"() ({
      %run_scoped3A = tpu.sem_alloc : memref<!tpu.dma_semaphore, #tpu.memory_space<semaphore_mem>>
      %dma_start3A = tpu.memref_slice %arg8[%mul3A_26] : memref<256xf32, #tpu.memory_space<hbm>> -> memref<16xf32, #tpu.memory_space<hbm>>
      %dma_start3A_30 = tpu.memref_slice %arg8[%mul3A_26] : memref<256xf32, #tpu.memory_space<hbm>> -> memref<16xf32, #tpu.memory_space<hbm>>
      tpu.enqueue_dma source(%arg10 : memref<16xf32, #tpu.memory_space<vmem>>) target(%dma_start3A_30 : memref<16xf32, #tpu.memory_space<hbm>>) target_semaphore(%run_scoped3A : memref<!tpu.dma_semaphore, #tpu.memory_space<semaphore_mem>>)
      %dma_wait3A = tpu.memref_slice %arg8[%mul3A_26] : memref<256xf32, #tpu.memory_space<hbm>> -> memref<16xf32, #tpu.memory_space<hbm>>
      %dma_wait3A_31 = tpu.memref_slice %arg8[%mul3A_26] : memref<256xf32, #tpu.memory_space<hbm>> -> memref<16xf32, #tpu.memory_space<hbm>>
      tpu.wait_dma2 semaphore(%run_scoped3A : memref<!tpu.dma_semaphore, #tpu.memory_space<semaphore_mem>>) src(%arg10 : memref<16xf32, #tpu.memory_space<vmem>>) dst(%dma_wait3A_31 : memref<16xf32, #tpu.memory_space<hbm>>)
      tpu.yield
    }) : () -> ()
    %barrier3A = arith.constant 0 : index
    tpu.barrier barrier_id(%barrier3A)
    %eq3A = arith.constant 0 : i32
    %eq3A_27 = arith.cmpi eq, %arg1, %eq3A : i32
    %convert_element_type3A_28 = arith.extui %eq3A_27 : i1 to i32
    %cond3A = arith.constant 0 : i32
    %cond3A_29 = arith.cmpi ne, %convert_element_type3A_28, %cond3A : i32
    scf.if %cond3A_29 {
      "tpu.region"() ({
        %run_scoped3A = tpu.sem_alloc : memref<!tpu.dma_semaphore, #tpu.memory_space<semaphore_mem>>
        %dma_start3A_715 = arith.constant 0 : i32
        %dma_start3A_716 = tpu.memref_slice %arg5[%dma_start3A_715] : memref<256xf32, #tpu.memory_space<hbm>> -> memref<16xf32, #tpu.memory_space<hbm>>
        %dma_start3A_717 = arith.constant 0 : i32
        %dma_start3A_718 = tpu.memref_slice %arg5[%dma_start3A_717] : memref<256xf32, #tpu.memory_space<hbm>> -> memref<16xf32, #tpu.memory_space<hbm>>
        tpu.enqueue_dma source(%dma_start3A_718 : memref<16xf32, #tpu.memory_space<hbm>>) target(%arg10 : memref<16xf32, #tpu.memory_space<vmem>>) target_semaphore(%run_scoped3A : memref<!tpu.dma_semaphore, #tpu.memory_space<semaphore_mem>>)
        %dma_wait3A_719 = arith.constant 0 : i32
        %dma_wait3A_720 = tpu.memref_slice %arg5[%dma_wait3A_719] : memref<256xf32, #tpu.memory_space<hbm>> -> memref<16xf32, #tpu.memory_space<hbm>>
        %dma_wait3A_721 = arith.constant 0 : i32
        %dma_wait3A_722 = tpu.memref_slice %arg5[%dma_wait3A_721] : memref<256xf32, #tpu.memory_space<hbm>> -> memref<16xf32, #tpu.memory_space<hbm>>
        tpu.wait_dma2 semaphore(%run_scoped3A : memref<!tpu.dma_semaphore, #tpu.memory_space<semaphore_mem>>) src(%dma_wait3A_722 : memref<16xf32, #tpu.memory_space<hbm>>) dst(%arg10 : memref<16xf32, #tpu.memory_space<vmem>>)
        tpu.yield
      }) : () -> ()
      %get3A = arith.constant 0 : index
      %get3A_30 = tpu.vector_load %arg10[%get3A] {strides = array<i32>} : memref<16xf32, #tpu.memory_space<vmem>>, vector<16xf32>,
      "tpu.region"() ({
        %run_scoped3A = tpu.sem_alloc : memref<!tpu.dma_semaphore, #tpu.memory_space<semaphore_mem>>
        %dma_start3A_715 = arith.constant 0 : i32
        %dma_start3A_716 = tpu.memref_slice %arg6[%dma_start3A_715] : memref<256xf32, #tpu.memory_space<hbm>> -> memref<16xf32, #tpu.memory_space<hbm>>
        %dma_start3A_717 = arith.constant 0 : i32
        %dma_start3A_718 = tpu.memref_slice %arg6[%dma_start3A_717] : memref<256xf32, #tpu.memory_space<hbm>> -> memref<16xf32, #tpu.memory_space<hbm>>
        tpu.enqueue_dma source(%dma_start3A_718 : memref<16xf32, #tpu.memory_space<hbm>>) target(%arg10 : memref<16xf32, #tpu.memory_space<vmem>>) target_semaphore(%run_scoped3A : memref<!tpu.dma_semaphore, #tpu.memory_space<semaphore_mem>>)
        %dma_wait3A_719 = arith.constant 0 : i32
        %dma_wait3A_720 = tpu.memref_slice %arg6[%dma_wait3A_719] : memref<256xf32, #tpu.memory_space<hbm>> -> memref<16xf32, #tpu.memory_space<hbm>>
        %dma_wait3A_721 = arith.constant 0 : i32
        %dma_wait3A_722 = tpu.memref_slice %arg6[%dma_wait3A_721] : memref<256xf32, #tpu.memory_space<hbm>> -> memref<16xf32, #tpu.memory_space<hbm>>
        tpu.wait_dma2 semaphore(%run_scoped3A : memref<!tpu.dma_semaphore, #tpu.memory_space<semaphore_mem>>) src(%dma_wait3A_722 : memref<16xf32, #tpu.memory_space<hbm>>) dst(%arg10 : memref<16xf32, #tpu.memory_space<vmem>>)
        tpu.yield
      }) : () -> ()
      %get3A_31 = arith.constant 0 : index
      %get3A_32 = tpu.vector_load %arg10[%get3A_31] {strides = array<i32>} : memref<16xf32, #tpu.memory_space<vmem>>, vector<16xf32>,
      %convert_element_type3A_33 = arith.fptosi %get3A_32 : vector<16xf32> to vector<16xi32>
      "tpu.region"() ({
        %run_scoped3A = tpu.sem_alloc : memref<!tpu.dma_semaphore, #tpu.memory_space<semaphore_mem>>
        %dma_start3A_715 = arith.constant 16 : i32
        %dma_start3A_716 = tpu.memref_slice %arg5[%dma_start3A_715] : memref<256xf32, #tpu.memory_space<hbm>> -> memref<16xf32, #tpu.memory_space<hbm>>
        %dma_start3A_717 = arith.constant 16 : i32
        %dma_start3A_718 = tpu.memref_slice %arg5[%dma_start3A_717] : memref<256xf32, #tpu.memory_space<hbm>> -> memref<16xf32, #tpu.memory_space<hbm>>
        tpu.enqueue_dma source(%dma_start3A_718 : memref<16xf32, #tpu.memory_space<hbm>>) target(%arg10 : memref<16xf32, #tpu.memory_space<vmem>>) target_semaphore(%run_scoped3A : memref<!tpu.dma_semaphore, #tpu.memory_space<semaphore_mem>>)
        %dma_wait3A_719 = arith.constant 16 : i32
        %dma_wait3A_720 = tpu.memref_slice %arg5[%dma_wait3A_719] : memref<256xf32, #tpu.memory_space<hbm>> -> memref<16xf32, #tpu.memory_space<hbm>>
        %dma_wait3A_721 = arith.constant 16 : i32
        %dma_wait3A_722 = tpu.memref_slice %arg5[%dma_wait3A_721] : memref<256xf32, #tpu.memory_space<hbm>> -> memref<16xf32, #tpu.memory_space<hbm>>
        tpu.wait_dma2 semaphore(%run_scoped3A : memref<!tpu.dma_semaphore, #tpu.memory_space<semaphore_mem>>) src(%dma_wait3A_722 : memref<16xf32, #tpu.memory_space<hbm>>) dst(%arg10 : memref<16xf32, #tpu.memory_space<vmem>>)
        tpu.yield
      }) : () -> ()
      %get3A_34 = arith.constant 0 : index
      %get3A_35 = tpu.vector_load %arg10[%get3A_34] {strides = array<i32>} : memref<16xf32, #tpu.memory_space<vmem>>, vector<16xf32>,
      "tpu.region"() ({
        %run_scoped3A = tpu.sem_alloc : memref<!tpu.dma_semaphore, #tpu.memory_space<semaphore_mem>>
        %dma_start3A_715 = arith.constant 16 : i32
        %dma_start3A_716 = tpu.memref_slice %arg6[%dma_start3A_715] : memref<256xf32, #tpu.memory_space<hbm>> -> memref<16xf32, #tpu.memory_space<hbm>>
        %dma_start3A_717 = arith.constant 16 : i32
        %dma_start3A_718 = tpu.memref_slice %arg6[%dma_start3A_717] : memref<256xf32, #tpu.memory_space<hbm>> -> memref<16xf32, #tpu.memory_space<hbm>>
        tpu.enqueue_dma source(%dma_start3A_718 : memref<16xf32, #tpu.memory_space<hbm>>) target(%arg10 : memref<16xf32, #tpu.memory_space<vmem>>) target_semaphore(%run_scoped3A : memref<!tpu.dma_semaphore, #tpu.memory_space<semaphore_mem>>)
        %dma_wait3A_719 = arith.constant 16 : i32
        %dma_wait3A_720 = tpu.memref_slice %arg6[%dma_wait3A_719] : memref<256xf32, #tpu.memory_space<hbm>> -> memref<16xf32, #tpu.memory_space<hbm>>
        %dma_wait3A_721 = arith.constant 16 : i32
        %dma_wait3A_722 = tpu.memref_slice %arg6[%dma_wait3A_721] : memref<256xf32, #tpu.memory_space<hbm>> -> memref<16xf32, #tpu.memory_space<hbm>>
        tpu.wait_dma2 semaphore(%run_scoped3A : memref<!tpu.dma_semaphore, #tpu.memory_space<semaphore_mem>>) src(%dma_wait3A_722 : memref<16xf32, #tpu.memory_space<hbm>>) dst(%arg10 : memref<16xf32, #tpu.memory_space<vmem>>)
        tpu.yield
      }) : () -> ()
      %get3A_36 = arith.constant 0 : index
      %get3A_37 = tpu.vector_load %arg10[%get3A_36] {strides = array<i32>} : memref<16xf32, #tpu.memory_space<vmem>>, vector<16xf32>,
      %convert_element_type3A_38 = arith.fptosi %get3A_37 : vector<16xf32> to vector<16xi32>
      "tpu.region"() ({
        %run_scoped3A = tpu.sem_alloc : memref<!tpu.dma_semaphore, #tpu.memory_space<semaphore_mem>>
        %dma_start3A_715 = arith.constant 32 : i32
        %dma_start3A_716 = tpu.memref_slice %arg5[%dma_start3A_715] : memref<256xf32, #tpu.memory_space<hbm>> -> memref<16xf32, #tpu.memory_space<hbm>>
        %dma_start3A_717 = arith.constant 32 : i32
        %dma_start3A_718 = tpu.memref_slice %arg5[%dma_start3A_717] : memref<256xf32, #tpu.memory_space<hbm>> -> memref<16xf32, #tpu.memory_space<hbm>>
        tpu.enqueue_dma source(%dma_start3A_718 : memref<16xf32, #tpu.memory_space<hbm>>) target(%arg10 : memref<16xf32, #tpu.memory_space<vmem>>) target_semaphore(%run_scoped3A : memref<!tpu.dma_semaphore, #tpu.memory_space<semaphore_mem>>)
        %dma_wait3A_719 = arith.constant 32 : i32
        %dma_wait3A_720 = tpu.memref_slice %arg5[%dma_wait3A_719] : memref<256xf32, #tpu.memory_space<hbm>> -> memref<16xf32, #tpu.memory_space<hbm>>
        %dma_wait3A_721 = arith.constant 32 : i32
        %dma_wait3A_722 = tpu.memref_slice %arg5[%dma_wait3A_721] : memref<256xf32, #tpu.memory_space<hbm>> -> memref<16xf32, #tpu.memory_space<hbm>>
        tpu.wait_dma2 semaphore(%run_scoped3A : memref<!tpu.dma_semaphore, #tpu.memory_space<semaphore_mem>>) src(%dma_wait3A_722 : memref<16xf32, #tpu.memory_space<hbm>>) dst(%arg10 : memref<16xf32, #tpu.memory_space<vmem>>)
        tpu.yield
      }) : () -> ()
      %get3A_39 = arith.constant 0 : index
      %get3A_40 = tpu.vector_load %arg10[%get3A_39] {strides = array<i32>} : memref<16xf32, #tpu.memory_space<vmem>>, vector<16xf32>,
      "tpu.region"() ({
        %run_scoped3A = tpu.sem_alloc : memref<!tpu.dma_semaphore, #tpu.memory_space<semaphore_mem>>
        %dma_start3A_715 = arith.constant 32 : i32
        %dma_start3A_716 = tpu.memref_slice %arg6[%dma_start3A_715] : memref<256xf32, #tpu.memory_space<hbm>> -> memref<16xf32, #tpu.memory_space<hbm>>
        %dma_start3A_717 = arith.constant 32 : i32
        %dma_start3A_718 = tpu.memref_slice %arg6[%dma_start3A_717] : memref<256xf32, #tpu.memory_space<hbm>> -> memref<16xf32, #tpu.memory_space<hbm>>
        tpu.enqueue_dma source(%dma_start3A_718 : memref<16xf32, #tpu.memory_space<hbm>>) target(%arg10 : memref<16xf32, #tpu.memory_space<vmem>>) target_semaphore(%run_scoped3A : memref<!tpu.dma_semaphore, #tpu.memory_space<semaphore_mem>>)
        %dma_wait3A_719 = arith.constant 32 : i32
        %dma_wait3A_720 = tpu.memref_slice %arg6[%dma_wait3A_719] : memref<256xf32, #tpu.memory_space<hbm>> -> memref<16xf32, #tpu.memory_space<hbm>>
        %dma_wait3A_721 = arith.constant 32 : i32
        %dma_wait3A_722 = tpu.memref_slice %arg6[%dma_wait3A_721] : memref<256xf32, #tpu.memory_space<hbm>> -> memref<16xf32, #tpu.memory_space<hbm>>
        tpu.wait_dma2 semaphore(%run_scoped3A : memref<!tpu.dma_semaphore, #tpu.memory_space<semaphore_mem>>) src(%dma_wait3A_722 : memref<16xf32, #tpu.memory_space<hbm>>) dst(%arg10 : memref<16xf32, #tpu.memory_space<vmem>>)
        tpu.yield
      }) : () -> ()
      %get3A_41 = arith.constant 0 : index
      %get3A_42 = tpu.vector_load %arg10[%get3A_41] {strides = array<i32>} : memref<16xf32, #tpu.memory_space<vmem>>, vector<16xf32>,
      %convert_element_type3A_43 = arith.fptosi %get3A_42 : vector<16xf32> to vector<16xi32>
      "tpu.region"() ({
        %run_scoped3A = tpu.sem_alloc : memref<!tpu.dma_semaphore, #tpu.memory_space<semaphore_mem>>
        %dma_start3A_715 = arith.constant 48 : i32
        %dma_start3A_716 = tpu.memref_slice %arg5[%dma_start3A_715] : memref<256xf32, #tpu.memory_space<hbm>> -> memref<16xf32, #tpu.memory_space<hbm>>
        %dma_start3A_717 = arith.constant 48 : i32
        %dma_start3A_718 = tpu.memref_slice %arg5[%dma_start3A_717] : memref<256xf32, #tpu.memory_space<hbm>> -> memref<16xf32, #tpu.memory_space<hbm>>
        tpu.enqueue_dma source(%dma_start3A_718 : memref<16xf32, #tpu.memory_space<hbm>>) target(%arg10 : memref<16xf32, #tpu.memory_space<vmem>>) target_semaphore(%run_scoped3A : memref<!tpu.dma_semaphore, #tpu.memory_space<semaphore_mem>>)
        %dma_wait3A_719 = arith.constant 48 : i32
        %dma_wait3A_720 = tpu.memref_slice %arg5[%dma_wait3A_719] : memref<256xf32, #tpu.memory_space<hbm>> -> memref<16xf32, #tpu.memory_space<hbm>>
        %dma_wait3A_721 = arith.constant 48 : i32
        %dma_wait3A_722 = tpu.memref_slice %arg5[%dma_wait3A_721] : memref<256xf32, #tpu.memory_space<hbm>> -> memref<16xf32, #tpu.memory_space<hbm>>
        tpu.wait_dma2 semaphore(%run_scoped3A : memref<!tpu.dma_semaphore, #tpu.memory_space<semaphore_mem>>) src(%dma_wait3A_722 : memref<16xf32, #tpu.memory_space<hbm>>) dst(%arg10 : memref<16xf32, #tpu.memory_space<vmem>>)
        tpu.yield
      }) : () -> ()
      %get3A_44 = arith.constant 0 : index
      %get3A_45 = tpu.vector_load %arg10[%get3A_44] {strides = array<i32>} : memref<16xf32, #tpu.memory_space<vmem>>, vector<16xf32>,
      "tpu.region"() ({
        %run_scoped3A = tpu.sem_alloc : memref<!tpu.dma_semaphore, #tpu.memory_space<semaphore_mem>>
        %dma_start3A_715 = arith.constant 48 : i32
        %dma_start3A_716 = tpu.memref_slice %arg6[%dma_start3A_715] : memref<256xf32, #tpu.memory_space<hbm>> -> memref<16xf32, #tpu.memory_space<hbm>>
        %dma_start3A_717 = arith.constant 48 : i32
        %dma_start3A_718 = tpu.memref_slice %arg6[%dma_start3A_717] : memref<256xf32, #tpu.memory_space<hbm>> -> memref<16xf32, #tpu.memory_space<hbm>>
        tpu.enqueue_dma source(%dma_start3A_718 : memref<16xf32, #tpu.memory_space<hbm>>) target(%arg10 : memref<16xf32, #tpu.memory_space<vmem>>) target_semaphore(%run_scoped3A : memref<!tpu.dma_semaphore, #tpu.memory_space<semaphore_mem>>)
        %dma_wait3A_719 = arith.constant 48 : i32
        %dma_wait3A_720 = tpu.memref_slice %arg6[%dma_wait3A_719] : memref<256xf32, #tpu.memory_space<hbm>> -> memref<16xf32, #tpu.memory_space<hbm>>
        %dma_wait3A_721 = arith.constant 48 : i32
        %dma_wait3A_722 = tpu.memref_slice %arg6[%dma_wait3A_721] : memref<256xf32, #tpu.memory_space<hbm>> -> memref<16xf32, #tpu.memory_space<hbm>>
        tpu.wait_dma2 semaphore(%run_scoped3A : memref<!tpu.dma_semaphore, #tpu.memory_space<semaphore_mem>>) src(%dma_wait3A_722 : memref<16xf32, #tpu.memory_space<hbm>>) dst(%arg10 : memref<16xf32, #tpu.memory_space<vmem>>)
        tpu.yield
      }) : () -> ()
      %get3A_46 = arith.constant 0 : index
      %get3A_47 = tpu.vector_load %arg10[%get3A_46] {strides = array<i32>} : memref<16xf32, #tpu.memory_space<vmem>>, vector<16xf32>,
      %convert_element_type3A_48 = arith.fptosi %get3A_47 : vector<16xf32> to vector<16xi32>
      "tpu.region"() ({
        %run_scoped3A = tpu.sem_alloc : memref<!tpu.dma_semaphore, #tpu.memory_space<semaphore_mem>>
        %dma_start3A_715 = arith.constant 64 : i32
        %dma_start3A_716 = tpu.memref_slice %arg5[%dma_start3A_715] : memref<256xf32, #tpu.memory_space<hbm>> -> memref<16xf32, #tpu.memory_space<hbm>>
        %dma_start3A_717 = arith.constant 64 : i32
        %dma_start3A_718 = tpu.memref_slice %arg5[%dma_start3A_717] : memref<256xf32, #tpu.memory_space<hbm>> -> memref<16xf32, #tpu.memory_space<hbm>>
        tpu.enqueue_dma source(%dma_start3A_718 : memref<16xf32, #tpu.memory_space<hbm>>) target(%arg10 : memref<16xf32, #tpu.memory_space<vmem>>) target_semaphore(%run_scoped3A : memref<!tpu.dma_semaphore, #tpu.memory_space<semaphore_mem>>)
        %dma_wait3A_719 = arith.constant 64 : i32
        %dma_wait3A_720 = tpu.memref_slice %arg5[%dma_wait3A_719] : memref<256xf32, #tpu.memory_space<hbm>> -> memref<16xf32, #tpu.memory_space<hbm>>
        %dma_wait3A_721 = arith.constant 64 : i32
        %dma_wait3A_722 = tpu.memref_slice %arg5[%dma_wait3A_721] : memref<256xf32, #tpu.memory_space<hbm>> -> memref<16xf32, #tpu.memory_space<hbm>>
        tpu.wait_dma2 semaphore(%run_scoped3A : memref<!tpu.dma_semaphore, #tpu.memory_space<semaphore_mem>>) src(%dma_wait3A_722 : memref<16xf32, #tpu.memory_space<hbm>>) dst(%arg10 : memref<16xf32, #tpu.memory_space<vmem>>)
        tpu.yield
      }) : () -> ()
      %get3A_49 = arith.constant 0 : index
      %get3A_50 = tpu.vector_load %arg10[%get3A_49] {strides = array<i32>} : memref<16xf32, #tpu.memory_space<vmem>>, vector<16xf32>,
      "tpu.region"() ({
        %run_scoped3A = tpu.sem_alloc : memref<!tpu.dma_semaphore, #tpu.memory_space<semaphore_mem>>
        %dma_start3A_715 = arith.constant 64 : i32
        %dma_start3A_716 = tpu.memref_slice %arg6[%dma_start3A_715] : memref<256xf32, #tpu.memory_space<hbm>> -> memref<16xf32, #tpu.memory_space<hbm>>
        %dma_start3A_717 = arith.constant 64 : i32
        %dma_start3A_718 = tpu.memref_slice %arg6[%dma_start3A_717] : memref<256xf32, #tpu.memory_space<hbm>> -> memref<16xf32, #tpu.memory_space<hbm>>
        tpu.enqueue_dma source(%dma_start3A_718 : memref<16xf32, #tpu.memory_space<hbm>>) target(%arg10 : memref<16xf32, #tpu.memory_space<vmem>>) target_semaphore(%run_scoped3A : memref<!tpu.dma_semaphore, #tpu.memory_space<semaphore_mem>>)
        %dma_wait3A_719 = arith.constant 64 : i32
        %dma_wait3A_720 = tpu.memref_slice %arg6[%dma_wait3A_719] : memref<256xf32, #tpu.memory_space<hbm>> -> memref<16xf32, #tpu.memory_space<hbm>>
        %dma_wait3A_721 = arith.constant 64 : i32
        %dma_wait3A_722 = tpu.memref_slice %arg6[%dma_wait3A_721] : memref<256xf32, #tpu.memory_space<hbm>> -> memref<16xf32, #tpu.memory_space<hbm>>
        tpu.wait_dma2 semaphore(%run_scoped3A : memref<!tpu.dma_semaphore, #tpu.memory_space<semaphore_mem>>) src(%dma_wait3A_722 : memref<16xf32, #tpu.memory_space<hbm>>) dst(%arg10 : memref<16xf32, #tpu.memory_space<vmem>>)
        tpu.yield
      }) : () -> ()
      %get3A_51 = arith.constant 0 : index
      %get3A_52 = tpu.vector_load %arg10[%get3A_51] {strides = array<i32>} : memref<16xf32, #tpu.memory_space<vmem>>, vector<16xf32>,
      %convert_element_type3A_53 = arith.fptosi %get3A_52 : vector<16xf32> to vector<16xi32>
      "tpu.region"() ({
        %run_scoped3A = tpu.sem_alloc : memref<!tpu.dma_semaphore, #tpu.memory_space<semaphore_mem>>
        %dma_start3A_715 = arith.constant 80 : i32
        %dma_start3A_716 = tpu.memref_slice %arg5[%dma_start3A_715] : memref<256xf32, #tpu.memory_space<hbm>> -> memref<16xf32, #tpu.memory_space<hbm>>
        %dma_start3A_717 = arith.constant 80 : i32
        %dma_start3A_718 = tpu.memref_slice %arg5[%dma_start3A_717] : memref<256xf32, #tpu.memory_space<hbm>> -> memref<16xf32, #tpu.memory_space<hbm>>
        tpu.enqueue_dma source(%dma_start3A_718 : memref<16xf32, #tpu.memory_space<hbm>>) target(%arg10 : memref<16xf32, #tpu.memory_space<vmem>>) target_semaphore(%run_scoped3A : memref<!tpu.dma_semaphore, #tpu.memory_space<semaphore_mem>>)
        %dma_wait3A_719 = arith.constant 80 : i32
        %dma_wait3A_720 = tpu.memref_slice %arg5[%dma_wait3A_719] : memref<256xf32, #tpu.memory_space<hbm>> -> memref<16xf32, #tpu.memory_space<hbm>>
        %dma_wait3A_721 = arith.constant 80 : i32
        %dma_wait3A_722 = tpu.memref_slice %arg5[%dma_wait3A_721] : memref<256xf32, #tpu.memory_space<hbm>> -> memref<16xf32, #tpu.memory_space<hbm>>
        tpu.wait_dma2 semaphore(%run_scoped3A : memref<!tpu.dma_semaphore, #tpu.memory_space<semaphore_mem>>) src(%dma_wait3A_722 : memref<16xf32, #tpu.memory_space<hbm>>) dst(%arg10 : memref<16xf32, #tpu.memory_space<vmem>>)
        tpu.yield
      }) : () -> ()
      %get3A_54 = arith.constant 0 : index
      %get3A_55 = tpu.vector_load %arg10[%get3A_54] {strides = array<i32>} : memref<16xf32, #tpu.memory_space<vmem>>, vector<16xf32>,
      "tpu.region"() ({
        %run_scoped3A = tpu.sem_alloc : memref<!tpu.dma_semaphore, #tpu.memory_space<semaphore_mem>>
        %dma_start3A_715 = arith.constant 80 : i32
        %dma_start3A_716 = tpu.memref_slice %arg6[%dma_start3A_715] : memref<256xf32, #tpu.memory_space<hbm>> -> memref<16xf32, #tpu.memory_space<hbm>>
        %dma_start3A_717 = arith.constant 80 : i32
        %dma_start3A_718 = tpu.memref_slice %arg6[%dma_start3A_717] : memref<256xf32, #tpu.memory_space<hbm>> -> memref<16xf32, #tpu.memory_space<hbm>>
        tpu.enqueue_dma source(%dma_start3A_718 : memref<16xf32, #tpu.memory_space<hbm>>) target(%arg10 : memref<16xf32, #tpu.memory_space<vmem>>) target_semaphore(%run_scoped3A : memref<!tpu.dma_semaphore, #tpu.memory_space<semaphore_mem>>)
        %dma_wait3A_719 = arith.constant 80 : i32
        %dma_wait3A_720 = tpu.memref_slice %arg6[%dma_wait3A_719] : memref<256xf32, #tpu.memory_space<hbm>> -> memref<16xf32, #tpu.memory_space<hbm>>
        %dma_wait3A_721 = arith.constant 80 : i32
        %dma_wait3A_722 = tpu.memref_slice %arg6[%dma_wait3A_721] : memref<256xf32, #tpu.memory_space<hbm>> -> memref<16xf32, #tpu.memory_space<hbm>>
        tpu.wait_dma2 semaphore(%run_scoped3A : memref<!tpu.dma_semaphore, #tpu.memory_space<semaphore_mem>>) src(%dma_wait3A_722 : memref<16xf32, #tpu.memory_space<hbm>>) dst(%arg10 : memref<16xf32, #tpu.memory_space<vmem>>)
        tpu.yield
      }) : () -> ()
      %get3A_56 = arith.constant 0 : index
      %get3A_57 = tpu.vector_load %arg10[%get3A_56] {strides = array<i32>} : memref<16xf32, #tpu.memory_space<vmem>>, vector<16xf32>,
      %convert_element_type3A_58 = arith.fptosi %get3A_57 : vector<16xf32> to vector<16xi32>
      "tpu.region"() ({
        %run_scoped3A = tpu.sem_alloc : memref<!tpu.dma_semaphore, #tpu.memory_space<semaphore_mem>>
        %dma_start3A_715 = arith.constant 96 : i32
        %dma_start3A_716 = tpu.memref_slice %arg5[%dma_start3A_715] : memref<256xf32, #tpu.memory_space<hbm>> -> memref<16xf32, #tpu.memory_space<hbm>>
        %dma_start3A_717 = arith.constant 96 : i32
        %dma_start3A_718 = tpu.memref_slice %arg5[%dma_start3A_717] : memref<256xf32, #tpu.memory_space<hbm>> -> memref<16xf32, #tpu.memory_space<hbm>>
        tpu.enqueue_dma source(%dma_start3A_718 : memref<16xf32, #tpu.memory_space<hbm>>) target(%arg10 : memref<16xf32, #tpu.memory_space<vmem>>) target_semaphore(%run_scoped3A : memref<!tpu.dma_semaphore, #tpu.memory_space<semaphore_mem>>)
        %dma_wait3A_719 = arith.constant 96 : i32
        %dma_wait3A_720 = tpu.memref_slice %arg5[%dma_wait3A_719] : memref<256xf32, #tpu.memory_space<hbm>> -> memref<16xf32, #tpu.memory_space<hbm>>
        %dma_wait3A_721 = arith.constant 96 : i32
        %dma_wait3A_722 = tpu.memref_slice %arg5[%dma_wait3A_721] : memref<256xf32, #tpu.memory_space<hbm>> -> memref<16xf32, #tpu.memory_space<hbm>>
        tpu.wait_dma2 semaphore(%run_scoped3A : memref<!tpu.dma_semaphore, #tpu.memory_space<semaphore_mem>>) src(%dma_wait3A_722 : memref<16xf32, #tpu.memory_space<hbm>>) dst(%arg10 : memref<16xf32, #tpu.memory_space<vmem>>)
        tpu.yield
      }) : () -> ()
      %get3A_59 = arith.constant 0 : index
      %get3A_60 = tpu.vector_load %arg10[%get3A_59] {strides = array<i32>} : memref<16xf32, #tpu.memory_space<vmem>>, vector<16xf32>,
      "tpu.region"() ({
        %run_scoped3A = tpu.sem_alloc : memref<!tpu.dma_semaphore, #tpu.memory_space<semaphore_mem>>
        %dma_start3A_715 = arith.constant 96 : i32
        %dma_start3A_716 = tpu.memref_slice %arg6[%dma_start3A_715] : memref<256xf32, #tpu.memory_space<hbm>> -> memref<16xf32, #tpu.memory_space<hbm>>
        %dma_start3A_717 = arith.constant 96 : i32
        %dma_start3A_718 = tpu.memref_slice %arg6[%dma_start3A_717] : memref<256xf32, #tpu.memory_space<hbm>> -> memref<16xf32, #tpu.memory_space<hbm>>
        tpu.enqueue_dma source(%dma_start3A_718 : memref<16xf32, #tpu.memory_space<hbm>>) target(%arg10 : memref<16xf32, #tpu.memory_space<vmem>>) target_semaphore(%run_scoped3A : memref<!tpu.dma_semaphore, #tpu.memory_space<semaphore_mem>>)
        %dma_wait3A_719 = arith.constant 96 : i32
        %dma_wait3A_720 = tpu.memref_slice %arg6[%dma_wait3A_719] : memref<256xf32, #tpu.memory_space<hbm>> -> memref<16xf32, #tpu.memory_space<hbm>>
        %dma_wait3A_721 = arith.constant 96 : i32
        %dma_wait3A_722 = tpu.memref_slice %arg6[%dma_wait3A_721] : memref<256xf32, #tpu.memory_space<hbm>> -> memref<16xf32, #tpu.memory_space<hbm>>
        tpu.wait_dma2 semaphore(%run_scoped3A : memref<!tpu.dma_semaphore, #tpu.memory_space<semaphore_mem>>) src(%dma_wait3A_722 : memref<16xf32, #tpu.memory_space<hbm>>) dst(%arg10 : memref<16xf32, #tpu.memory_space<vmem>>)
        tpu.yield
      }) : () -> ()
      %get3A_61 = arith.constant 0 : index
      %get3A_62 = tpu.vector_load %arg10[%get3A_61] {strides = array<i32>} : memref<16xf32, #tpu.memory_space<vmem>>, vector<16xf32>,
      %convert_element_type3A_63 = arith.fptosi %get3A_62 : vector<16xf32> to vector<16xi32>
      "tpu.region"() ({
        %run_scoped3A = tpu.sem_alloc : memref<!tpu.dma_semaphore, #tpu.memory_space<semaphore_mem>>
        %dma_start3A_715 = arith.constant 112 : i32
        %dma_start3A_716 = tpu.memref_slice %arg5[%dma_start3A_715] : memref<256xf32, #tpu.memory_space<hbm>> -> memref<16xf32, #tpu.memory_space<hbm>>
        %dma_start3A_717 = arith.constant 112 : i32
        %dma_start3A_718 = tpu.memref_slice %arg5[%dma_start3A_717] : memref<256xf32, #tpu.memory_space<hbm>> -> memref<16xf32, #tpu.memory_space<hbm>>
        tpu.enqueue_dma source(%dma_start3A_718 : memref<16xf32, #tpu.memory_space<hbm>>) target(%arg10 : memref<16xf32, #tpu.memory_space<vmem>>) target_semaphore(%run_scoped3A : memref<!tpu.dma_semaphore, #tpu.memory_space<semaphore_mem>>)
        %dma_wait3A_719 = arith.constant 112 : i32
        %dma_wait3A_720 = tpu.memref_slice %arg5[%dma_wait3A_719] : memref<256xf32, #tpu.memory_space<hbm>> -> memref<16xf32, #tpu.memory_space<hbm>>
        %dma_wait3A_721 = arith.constant 112 : i32
        %dma_wait3A_722 = tpu.memref_slice %arg5[%dma_wait3A_721] : memref<256xf32, #tpu.memory_space<hbm>> -> memref<16xf32, #tpu.memory_space<hbm>>
        tpu.wait_dma2 semaphore(%run_scoped3A : memref<!tpu.dma_semaphore, #tpu.memory_space<semaphore_mem>>) src(%dma_wait3A_722 : memref<16xf32, #tpu.memory_space<hbm>>) dst(%arg10 : memref<16xf32, #tpu.memory_space<vmem>>)
        tpu.yield
      }) : () -> ()
      %get3A_64 = arith.constant 0 : index
      %get3A_65 = tpu.vector_load %arg10[%get3A_64] {strides = array<i32>} : memref<16xf32, #tpu.memory_space<vmem>>, vector<16xf32>,
      "tpu.region"() ({
        %run_scoped3A = tpu.sem_alloc : memref<!tpu.dma_semaphore, #tpu.memory_space<semaphore_mem>>
        %dma_start3A_715 = arith.constant 112 : i32
        %dma_start3A_716 = tpu.memref_slice %arg6[%dma_start3A_715] : memref<256xf32, #tpu.memory_space<hbm>> -> memref<16xf32, #tpu.memory_space<hbm>>
        %dma_start3A_717 = arith.constant 112 : i32
        %dma_start3A_718 = tpu.memref_slice %arg6[%dma_start3A_717] : memref<256xf32, #tpu.memory_space<hbm>> -> memref<16xf32, #tpu.memory_space<hbm>>
        tpu.enqueue_dma source(%dma_start3A_718 : memref<16xf32, #tpu.memory_space<hbm>>) target(%arg10 : memref<16xf32, #tpu.memory_space<vmem>>) target_semaphore(%run_scoped3A : memref<!tpu.dma_semaphore, #tpu.memory_space<semaphore_mem>>)
        %dma_wait3A_719 = arith.constant 112 : i32
        %dma_wait3A_720 = tpu.memref_slice %arg6[%dma_wait3A_719] : memref<256xf32, #tpu.memory_space<hbm>> -> memref<16xf32, #tpu.memory_space<hbm>>
        %dma_wait3A_721 = arith.constant 112 : i32
        %dma_wait3A_722 = tpu.memref_slice %arg6[%dma_wait3A_721] : memref<256xf32, #tpu.memory_space<hbm>> -> memref<16xf32, #tpu.memory_space<hbm>>
        tpu.wait_dma2 semaphore(%run_scoped3A : memref<!tpu.dma_semaphore, #tpu.memory_space<semaphore_mem>>) src(%dma_wait3A_722 : memref<16xf32, #tpu.memory_space<hbm>>) dst(%arg10 : memref<16xf32, #tpu.memory_space<vmem>>)
        tpu.yield
      }) : () -> ()
      %get3A_66 = arith.constant 0 : index
      %get3A_67 = tpu.vector_load %arg10[%get3A_66] {strides = array<i32>} : memref<16xf32, #tpu.memory_space<vmem>>, vector<16xf32>,
      %convert_element_type3A_68 = arith.fptosi %get3A_67 : vector<16xf32> to vector<16xi32>
      "tpu.region"() ({
        %run_scoped3A = tpu.sem_alloc : memref<!tpu.dma_semaphore, #tpu.memory_space<semaphore_mem>>
        %dma_start3A_715 = arith.constant 128 : i32
        %dma_start3A_716 = tpu.memref_slice %arg5[%dma_start3A_715] : memref<256xf32, #tpu.memory_space<hbm>> -> memref<16xf32, #tpu.memory_space<hbm>>
        %dma_start3A_717 = arith.constant 128 : i32
        %dma_start3A_718 = tpu.memref_slice %arg5[%dma_start3A_717] : memref<256xf32, #tpu.memory_space<hbm>> -> memref<16xf32, #tpu.memory_space<hbm>>
        tpu.enqueue_dma source(%dma_start3A_718 : memref<16xf32, #tpu.memory_space<hbm>>) target(%arg10 : memref<16xf32, #tpu.memory_space<vmem>>) target_semaphore(%run_scoped3A : memref<!tpu.dma_semaphore, #tpu.memory_space<semaphore_mem>>)
        %dma_wait3A_719 = arith.constant 128 : i32
        %dma_wait3A_720 = tpu.memref_slice %arg5[%dma_wait3A_719] : memref<256xf32, #tpu.memory_space<hbm>> -> memref<16xf32, #tpu.memory_space<hbm>>
        %dma_wait3A_721 = arith.constant 128 : i32
        %dma_wait3A_722 = tpu.memref_slice %arg5[%dma_wait3A_721] : memref<256xf32, #tpu.memory_space<hbm>> -> memref<16xf32, #tpu.memory_space<hbm>>
        tpu.wait_dma2 semaphore(%run_scoped3A : memref<!tpu.dma_semaphore, #tpu.memory_space<semaphore_mem>>) src(%dma_wait3A_722 : memref<16xf32, #tpu.memory_space<hbm>>) dst(%arg10 : memref<16xf32, #tpu.memory_space<vmem>>)
        tpu.yield
      }) : () -> ()
      %get3A_69 = arith.constant 0 : index
      %get3A_70 = tpu.vector_load %arg10[%get3A_69] {strides = array<i32>} : memref<16xf32, #tpu.memory_space<vmem>>, vector<16xf32>,
      "tpu.region"() ({
        %run_scoped3A = tpu.sem_alloc : memref<!tpu.dma_semaphore, #tpu.memory_space<semaphore_mem>>
        %dma_start3A_715 = arith.constant 128 : i32
        %dma_start3A_716 = tpu.memref_slice %arg6[%dma_start3A_715] : memref<256xf32, #tpu.memory_space<hbm>> -> memref<16xf32, #tpu.memory_space<hbm>>
        %dma_start3A_717 = arith.constant 128 : i32
        %dma_start3A_718 = tpu.memref_slice %arg6[%dma_start3A_717] : memref<256xf32, #tpu.memory_space<hbm>> -> memref<16xf32, #tpu.memory_space<hbm>>
        tpu.enqueue_dma source(%dma_start3A_718 : memref<16xf32, #tpu.memory_space<hbm>>) target(%arg10 : memref<16xf32, #tpu.memory_space<vmem>>) target_semaphore(%run_scoped3A : memref<!tpu.dma_semaphore, #tpu.memory_space<semaphore_mem>>)
        %dma_wait3A_719 = arith.constant 128 : i32
        %dma_wait3A_720 = tpu.memref_slice %arg6[%dma_wait3A_719] : memref<256xf32, #tpu.memory_space<hbm>> -> memref<16xf32, #tpu.memory_space<hbm>>
        %dma_wait3A_721 = arith.constant 128 : i32
        %dma_wait3A_722 = tpu.memref_slice %arg6[%dma_wait3A_721] : memref<256xf32, #tpu.memory_space<hbm>> -> memref<16xf32, #tpu.memory_space<hbm>>
        tpu.wait_dma2 semaphore(%run_scoped3A : memref<!tpu.dma_semaphore, #tpu.memory_space<semaphore_mem>>) src(%dma_wait3A_722 : memref<16xf32, #tpu.memory_space<hbm>>) dst(%arg10 : memref<16xf32, #tpu.memory_space<vmem>>)
        tpu.yield
      }) : () -> ()
      %get3A_71 = arith.constant 0 : index
      %get3A_72 = tpu.vector_load %arg10[%get3A_71] {strides = array<i32>} : memref<16xf32, #tpu.memory_space<vmem>>, vector<16xf32>,
      %convert_element_type3A_73 = arith.fptosi %get3A_72 : vector<16xf32> to vector<16xi32>
      "tpu.region"() ({
        %run_scoped3A = tpu.sem_alloc : memref<!tpu.dma_semaphore, #tpu.memory_space<semaphore_mem>>
        %dma_start3A_715 = arith.constant 144 : i32
        %dma_start3A_716 = tpu.memref_slice %arg5[%dma_start3A_715] : memref<256xf32, #tpu.memory_space<hbm>> -> memref<16xf32, #tpu.memory_space<hbm>>
        %dma_start3A_717 = arith.constant 144 : i32
        %dma_start3A_718 = tpu.memref_slice %arg5[%dma_start3A_717] : memref<256xf32, #tpu.memory_space<hbm>> -> memref<16xf32, #tpu.memory_space<hbm>>
        tpu.enqueue_dma source(%dma_start3A_718 : memref<16xf32, #tpu.memory_space<hbm>>) target(%arg10 : memref<16xf32, #tpu.memory_space<vmem>>) target_semaphore(%run_scoped3A : memref<!tpu.dma_semaphore, #tpu.memory_space<semaphore_mem>>)
        %dma_wait3A_719 = arith.constant 144 : i32
        %dma_wait3A_720 = tpu.memref_slice %arg5[%dma_wait3A_719] : memref<256xf32, #tpu.memory_space<hbm>> -> memref<16xf32, #tpu.memory_space<hbm>>
        %dma_wait3A_721 = arith.constant 144 : i32
        %dma_wait3A_722 = tpu.memref_slice %arg5[%dma_wait3A_721] : memref<256xf32, #tpu.memory_space<hbm>> -> memref<16xf32, #tpu.memory_space<hbm>>
        tpu.wait_dma2 semaphore(%run_scoped3A : memref<!tpu.dma_semaphore, #tpu.memory_space<semaphore_mem>>) src(%dma_wait3A_722 : memref<16xf32, #tpu.memory_space<hbm>>) dst(%arg10 : memref<16xf32, #tpu.memory_space<vmem>>)
        tpu.yield
      }) : () -> ()
      %get3A_74 = arith.constant 0 : index
      %get3A_75 = tpu.vector_load %arg10[%get3A_74] {strides = array<i32>} : memref<16xf32, #tpu.memory_space<vmem>>, vector<16xf32>,
      "tpu.region"() ({
        %run_scoped3A = tpu.sem_alloc : memref<!tpu.dma_semaphore, #tpu.memory_space<semaphore_mem>>
        %dma_start3A_715 = arith.constant 144 : i32
        %dma_start3A_716 = tpu.memref_slice %arg6[%dma_start3A_715] : memref<256xf32, #tpu.memory_space<hbm>> -> memref<16xf32, #tpu.memory_space<hbm>>
        %dma_start3A_717 = arith.constant 144 : i32
        %dma_start3A_718 = tpu.memref_slice %arg6[%dma_start3A_717] : memref<256xf32, #tpu.memory_space<hbm>> -> memref<16xf32, #tpu.memory_space<hbm>>
        tpu.enqueue_dma source(%dma_start3A_718 : memref<16xf32, #tpu.memory_space<hbm>>) target(%arg10 : memref<16xf32, #tpu.memory_space<vmem>>) target_semaphore(%run_scoped3A : memref<!tpu.dma_semaphore, #tpu.memory_space<semaphore_mem>>)
        %dma_wait3A_719 = arith.constant 144 : i32
        %dma_wait3A_720 = tpu.memref_slice %arg6[%dma_wait3A_719] : memref<256xf32, #tpu.memory_space<hbm>> -> memref<16xf32, #tpu.memory_space<hbm>>
        %dma_wait3A_721 = arith.constant 144 : i32
        %dma_wait3A_722 = tpu.memref_slice %arg6[%dma_wait3A_721] : memref<256xf32, #tpu.memory_space<hbm>> -> memref<16xf32, #tpu.memory_space<hbm>>
        tpu.wait_dma2 semaphore(%run_scoped3A : memref<!tpu.dma_semaphore, #tpu.memory_space<semaphore_mem>>) src(%dma_wait3A_722 : memref<16xf32, #tpu.memory_space<hbm>>) dst(%arg10 : memref<16xf32, #tpu.memory_space<vmem>>)
        tpu.yield
      }) : () -> ()
      %get3A_76 = arith.constant 0 : index
      %get3A_77 = tpu.vector_load %arg10[%get3A_76] {strides = array<i32>} : memref<16xf32, #tpu.memory_space<vmem>>, vector<16xf32>,
      %convert_element_type3A_78 = arith.fptosi %get3A_77 : vector<16xf32> to vector<16xi32>
      "tpu.region"() ({
        %run_scoped3A = tpu.sem_alloc : memref<!tpu.dma_semaphore, #tpu.memory_space<semaphore_mem>>
        %dma_start3A_715 = arith.constant 160 : i32
        %dma_start3A_716 = tpu.memref_slice %arg5[%dma_start3A_715] : memref<256xf32, #tpu.memory_space<hbm>> -> memref<16xf32, #tpu.memory_space<hbm>>
        %dma_start3A_717 = arith.constant 160 : i32
        %dma_start3A_718 = tpu.memref_slice %arg5[%dma_start3A_717] : memref<256xf32, #tpu.memory_space<hbm>> -> memref<16xf32, #tpu.memory_space<hbm>>
        tpu.enqueue_dma source(%dma_start3A_718 : memref<16xf32, #tpu.memory_space<hbm>>) target(%arg10 : memref<16xf32, #tpu.memory_space<vmem>>) target_semaphore(%run_scoped3A : memref<!tpu.dma_semaphore, #tpu.memory_space<semaphore_mem>>)
        %dma_wait3A_719 = arith.constant 160 : i32
        %dma_wait3A_720 = tpu.memref_slice %arg5[%dma_wait3A_719] : memref<256xf32, #tpu.memory_space<hbm>> -> memref<16xf32, #tpu.memory_space<hbm>>
        %dma_wait3A_721 = arith.constant 160 : i32
        %dma_wait3A_722 = tpu.memref_slice %arg5[%dma_wait3A_721] : memref<256xf32, #tpu.memory_space<hbm>> -> memref<16xf32, #tpu.memory_space<hbm>>
        tpu.wait_dma2 semaphore(%run_scoped3A : memref<!tpu.dma_semaphore, #tpu.memory_space<semaphore_mem>>) src(%dma_wait3A_722 : memref<16xf32, #tpu.memory_space<hbm>>) dst(%arg10 : memref<16xf32, #tpu.memory_space<vmem>>)
        tpu.yield
      }) : () -> ()
      %get3A_79 = arith.constant 0 : index
      %get3A_80 = tpu.vector_load %arg10[%get3A_79] {strides = array<i32>} : memref<16xf32, #tpu.memory_space<vmem>>, vector<16xf32>,
      "tpu.region"() ({
        %run_scoped3A = tpu.sem_alloc : memref<!tpu.dma_semaphore, #tpu.memory_space<semaphore_mem>>
        %dma_start3A_715 = arith.constant 160 : i32
        %dma_start3A_716 = tpu.memref_slice %arg6[%dma_start3A_715] : memref<256xf32, #tpu.memory_space<hbm>> -> memref<16xf32, #tpu.memory_space<hbm>>
        %dma_start3A_717 = arith.constant 160 : i32
        %dma_start3A_718 = tpu.memref_slice %arg6[%dma_start3A_717] : memref<256xf32, #tpu.memory_space<hbm>> -> memref<16xf32, #tpu.memory_space<hbm>>
        tpu.enqueue_dma source(%dma_start3A_718 : memref<16xf32, #tpu.memory_space<hbm>>) target(%arg10 : memref<16xf32, #tpu.memory_space<vmem>>) target_semaphore(%run_scoped3A : memref<!tpu.dma_semaphore, #tpu.memory_space<semaphore_mem>>)
        %dma_wait3A_719 = arith.constant 160 : i32
        %dma_wait3A_720 = tpu.memref_slice %arg6[%dma_wait3A_719] : memref<256xf32, #tpu.memory_space<hbm>> -> memref<16xf32, #tpu.memory_space<hbm>>
        %dma_wait3A_721 = arith.constant 160 : i32
        %dma_wait3A_722 = tpu.memref_slice %arg6[%dma_wait3A_721] : memref<256xf32, #tpu.memory_space<hbm>> -> memref<16xf32, #tpu.memory_space<hbm>>
        tpu.wait_dma2 semaphore(%run_scoped3A : memref<!tpu.dma_semaphore, #tpu.memory_space<semaphore_mem>>) src(%dma_wait3A_722 : memref<16xf32, #tpu.memory_space<hbm>>) dst(%arg10 : memref<16xf32, #tpu.memory_space<vmem>>)
        tpu.yield
      }) : () -> ()
      %get3A_81 = arith.constant 0 : index
      %get3A_82 = tpu.vector_load %arg10[%get3A_81] {strides = array<i32>} : memref<16xf32, #tpu.memory_space<vmem>>, vector<16xf32>,
      %convert_element_type3A_83 = arith.fptosi %get3A_82 : vector<16xf32> to vector<16xi32>
      "tpu.region"() ({
        %run_scoped3A = tpu.sem_alloc : memref<!tpu.dma_semaphore, #tpu.memory_space<semaphore_mem>>
        %dma_start3A_715 = arith.constant 176 : i32
        %dma_start3A_716 = tpu.memref_slice %arg5[%dma_start3A_715] : memref<256xf32, #tpu.memory_space<hbm>> -> memref<16xf32, #tpu.memory_space<hbm>>
        %dma_start3A_717 = arith.constant 176 : i32
        %dma_start3A_718 = tpu.memref_slice %arg5[%dma_start3A_717] : memref<256xf32, #tpu.memory_space<hbm>> -> memref<16xf32, #tpu.memory_space<hbm>>
        tpu.enqueue_dma source(%dma_start3A_718 : memref<16xf32, #tpu.memory_space<hbm>>) target(%arg10 : memref<16xf32, #tpu.memory_space<vmem>>) target_semaphore(%run_scoped3A : memref<!tpu.dma_semaphore, #tpu.memory_space<semaphore_mem>>)
        %dma_wait3A_719 = arith.constant 176 : i32
        %dma_wait3A_720 = tpu.memref_slice %arg5[%dma_wait3A_719] : memref<256xf32, #tpu.memory_space<hbm>> -> memref<16xf32, #tpu.memory_space<hbm>>
        %dma_wait3A_721 = arith.constant 176 : i32
        %dma_wait3A_722 = tpu.memref_slice %arg5[%dma_wait3A_721] : memref<256xf32, #tpu.memory_space<hbm>> -> memref<16xf32, #tpu.memory_space<hbm>>
        tpu.wait_dma2 semaphore(%run_scoped3A : memref<!tpu.dma_semaphore, #tpu.memory_space<semaphore_mem>>) src(%dma_wait3A_722 : memref<16xf32, #tpu.memory_space<hbm>>) dst(%arg10 : memref<16xf32, #tpu.memory_space<vmem>>)
        tpu.yield
      }) : () -> ()
      %get3A_84 = arith.constant 0 : index
      %get3A_85 = tpu.vector_load %arg10[%get3A_84] {strides = array<i32>} : memref<16xf32, #tpu.memory_space<vmem>>, vector<16xf32>,
      "tpu.region"() ({
        %run_scoped3A = tpu.sem_alloc : memref<!tpu.dma_semaphore, #tpu.memory_space<semaphore_mem>>
        %dma_start3A_715 = arith.constant 176 : i32
        %dma_start3A_716 = tpu.memref_slice %arg6[%dma_start3A_715] : memref<256xf32, #tpu.memory_space<hbm>> -> memref<16xf32, #tpu.memory_space<hbm>>
        %dma_start3A_717 = arith.constant 176 : i32
        %dma_start3A_718 = tpu.memref_slice %arg6[%dma_start3A_717] : memref<256xf32, #tpu.memory_space<hbm>> -> memref<16xf32, #tpu.memory_space<hbm>>
        tpu.enqueue_dma source(%dma_start3A_718 : memref<16xf32, #tpu.memory_space<hbm>>) target(%arg10 : memref<16xf32, #tpu.memory_space<vmem>>) target_semaphore(%run_scoped3A : memref<!tpu.dma_semaphore, #tpu.memory_space<semaphore_mem>>)
        %dma_wait3A_719 = arith.constant 176 : i32
        %dma_wait3A_720 = tpu.memref_slice %arg6[%dma_wait3A_719] : memref<256xf32, #tpu.memory_space<hbm>> -> memref<16xf32, #tpu.memory_space<hbm>>
        %dma_wait3A_721 = arith.constant 176 : i32
        %dma_wait3A_722 = tpu.memref_slice %arg6[%dma_wait3A_721] : memref<256xf32, #tpu.memory_space<hbm>> -> memref<16xf32, #tpu.memory_space<hbm>>
        tpu.wait_dma2 semaphore(%run_scoped3A : memref<!tpu.dma_semaphore, #tpu.memory_space<semaphore_mem>>) src(%dma_wait3A_722 : memref<16xf32, #tpu.memory_space<hbm>>) dst(%arg10 : memref<16xf32, #tpu.memory_space<vmem>>)
        tpu.yield
      }) : () -> ()
      %get3A_86 = arith.constant 0 : index
      %get3A_87 = tpu.vector_load %arg10[%get3A_86] {strides = array<i32>} : memref<16xf32, #tpu.memory_space<vmem>>, vector<16xf32>,
      %convert_element_type3A_88 = arith.fptosi %get3A_87 : vector<16xf32> to vector<16xi32>
      "tpu.region"() ({
        %run_scoped3A = tpu.sem_alloc : memref<!tpu.dma_semaphore, #tpu.memory_space<semaphore_mem>>
        %dma_start3A_715 = arith.constant 192 : i32
        %dma_start3A_716 = tpu.memref_slice %arg5[%dma_start3A_715] : memref<256xf32, #tpu.memory_space<hbm>> -> memref<16xf32, #tpu.memory_space<hbm>>
        %dma_start3A_717 = arith.constant 192 : i32
        %dma_start3A_718 = tpu.memref_slice %arg5[%dma_start3A_717] : memref<256xf32, #tpu.memory_space<hbm>> -> memref<16xf32, #tpu.memory_space<hbm>>
        tpu.enqueue_dma source(%dma_start3A_718 : memref<16xf32, #tpu.memory_space<hbm>>) target(%arg10 : memref<16xf32, #tpu.memory_space<vmem>>) target_semaphore(%run_scoped3A : memref<!tpu.dma_semaphore, #tpu.memory_space<semaphore_mem>>)
        %dma_wait3A_719 = arith.constant 192 : i32
        %dma_wait3A_720 = tpu.memref_slice %arg5[%dma_wait3A_719] : memref<256xf32, #tpu.memory_space<hbm>> -> memref<16xf32, #tpu.memory_space<hbm>>
        %dma_wait3A_721 = arith.constant 192 : i32
        %dma_wait3A_722 = tpu.memref_slice %arg5[%dma_wait3A_721] : memref<256xf32, #tpu.memory_space<hbm>> -> memref<16xf32, #tpu.memory_space<hbm>>
        tpu.wait_dma2 semaphore(%run_scoped3A : memref<!tpu.dma_semaphore, #tpu.memory_space<semaphore_mem>>) src(%dma_wait3A_722 : memref<16xf32, #tpu.memory_space<hbm>>) dst(%arg10 : memref<16xf32, #tpu.memory_space<vmem>>)
        tpu.yield
      }) : () -> ()
      %get3A_89 = arith.constant 0 : index
      %get3A_90 = tpu.vector_load %arg10[%get3A_89] {strides = array<i32>} : memref<16xf32, #tpu.memory_space<vmem>>, vector<16xf32>,
      "tpu.region"() ({
        %run_scoped3A = tpu.sem_alloc : memref<!tpu.dma_semaphore, #tpu.memory_space<semaphore_mem>>
        %dma_start3A_715 = arith.constant 192 : i32
        %dma_start3A_716 = tpu.memref_slice %arg6[%dma_start3A_715] : memref<256xf32, #tpu.memory_space<hbm>> -> memref<16xf32, #tpu.memory_space<hbm>>
        %dma_start3A_717 = arith.constant 192 : i32
        %dma_start3A_718 = tpu.memref_slice %arg6[%dma_start3A_717] : memref<256xf32, #tpu.memory_space<hbm>> -> memref<16xf32, #tpu.memory_space<hbm>>
        tpu.enqueue_dma source(%dma_start3A_718 : memref<16xf32, #tpu.memory_space<hbm>>) target(%arg10 : memref<16xf32, #tpu.memory_space<vmem>>) target_semaphore(%run_scoped3A : memref<!tpu.dma_semaphore, #tpu.memory_space<semaphore_mem>>)
        %dma_wait3A_719 = arith.constant 192 : i32
        %dma_wait3A_720 = tpu.memref_slice %arg6[%dma_wait3A_719] : memref<256xf32, #tpu.memory_space<hbm>> -> memref<16xf32, #tpu.memory_space<hbm>>
        %dma_wait3A_721 = arith.constant 192 : i32
        %dma_wait3A_722 = tpu.memref_slice %arg6[%dma_wait3A_721] : memref<256xf32, #tpu.memory_space<hbm>> -> memref<16xf32, #tpu.memory_space<hbm>>
        tpu.wait_dma2 semaphore(%run_scoped3A : memref<!tpu.dma_semaphore, #tpu.memory_space<semaphore_mem>>) src(%dma_wait3A_722 : memref<16xf32, #tpu.memory_space<hbm>>) dst(%arg10 : memref<16xf32, #tpu.memory_space<vmem>>)
        tpu.yield
      }) : () -> ()
      %get3A_91 = arith.constant 0 : index
      %get3A_92 = tpu.vector_load %arg10[%get3A_91] {strides = array<i32>} : memref<16xf32, #tpu.memory_space<vmem>>, vector<16xf32>,
      %convert_element_type3A_93 = arith.fptosi %get3A_92 : vector<16xf32> to vector<16xi32>
      "tpu.region"() ({
        %run_scoped3A = tpu.sem_alloc : memref<!tpu.dma_semaphore, #tpu.memory_space<semaphore_mem>>
        %dma_start3A_715 = arith.constant 208 : i32
        %dma_start3A_716 = tpu.memref_slice %arg5[%dma_start3A_715] : memref<256xf32, #tpu.memory_space<hbm>> -> memref<16xf32, #tpu.memory_space<hbm>>
        %dma_start3A_717 = arith.constant 208 : i32
        %dma_start3A_718 = tpu.memref_slice %arg5[%dma_start3A_717] : memref<256xf32, #tpu.memory_space<hbm>> -> memref<16xf32, #tpu.memory_space<hbm>>
        tpu.enqueue_dma source(%dma_start3A_718 : memref<16xf32, #tpu.memory_space<hbm>>) target(%arg10 : memref<16xf32, #tpu.memory_space<vmem>>) target_semaphore(%run_scoped3A : memref<!tpu.dma_semaphore, #tpu.memory_space<semaphore_mem>>)
        %dma_wait3A_719 = arith.constant 208 : i32
        %dma_wait3A_720 = tpu.memref_slice %arg5[%dma_wait3A_719] : memref<256xf32, #tpu.memory_space<hbm>> -> memref<16xf32, #tpu.memory_space<hbm>>
        %dma_wait3A_721 = arith.constant 208 : i32
        %dma_wait3A_722 = tpu.memref_slice %arg5[%dma_wait3A_721] : memref<256xf32, #tpu.memory_space<hbm>> -> memref<16xf32, #tpu.memory_space<hbm>>
        tpu.wait_dma2 semaphore(%run_scoped3A : memref<!tpu.dma_semaphore, #tpu.memory_space<semaphore_mem>>) src(%dma_wait3A_722 : memref<16xf32, #tpu.memory_space<hbm>>) dst(%arg10 : memref<16xf32, #tpu.memory_space<vmem>>)
        tpu.yield
      }) : () -> ()
      %get3A_94 = arith.constant 0 : index
      %get3A_95 = tpu.vector_load %arg10[%get3A_94] {strides = array<i32>} : memref<16xf32, #tpu.memory_space<vmem>>, vector<16xf32>,
      "tpu.region"() ({
        %run_scoped3A = tpu.sem_alloc : memref<!tpu.dma_semaphore, #tpu.memory_space<semaphore_mem>>
        %dma_start3A_715 = arith.constant 208 : i32
        %dma_start3A_716 = tpu.memref_slice %arg6[%dma_start3A_715] : memref<256xf32, #tpu.memory_space<hbm>> -> memref<16xf32, #tpu.memory_space<hbm>>
        %dma_start3A_717 = arith.constant 208 : i32
        %dma_start3A_718 = tpu.memref_slice %arg6[%dma_start3A_717] : memref<256xf32, #tpu.memory_space<hbm>> -> memref<16xf32, #tpu.memory_space<hbm>>
        tpu.enqueue_dma source(%dma_start3A_718 : memref<16xf32, #tpu.memory_space<hbm>>) target(%arg10 : memref<16xf32, #tpu.memory_space<vmem>>) target_semaphore(%run_scoped3A : memref<!tpu.dma_semaphore, #tpu.memory_space<semaphore_mem>>)
        %dma_wait3A_719 = arith.constant 208 : i32
        %dma_wait3A_720 = tpu.memref_slice %arg6[%dma_wait3A_719] : memref<256xf32, #tpu.memory_space<hbm>> -> memref<16xf32, #tpu.memory_space<hbm>>
        %dma_wait3A_721 = arith.constant 208 : i32
        %dma_wait3A_722 = tpu.memref_slice %arg6[%dma_wait3A_721] : memref<256xf32, #tpu.memory_space<hbm>> -> memref<16xf32, #tpu.memory_space<hbm>>
        tpu.wait_dma2 semaphore(%run_scoped3A : memref<!tpu.dma_semaphore, #tpu.memory_space<semaphore_mem>>) src(%dma_wait3A_722 : memref<16xf32, #tpu.memory_space<hbm>>) dst(%arg10 : memref<16xf32, #tpu.memory_space<vmem>>)
        tpu.yield
      }) : () -> ()
      %get3A_96 = arith.constant 0 : index
      %get3A_97 = tpu.vector_load %arg10[%get3A_96] {strides = array<i32>} : memref<16xf32, #tpu.memory_space<vmem>>, vector<16xf32>,
      %convert_element_type3A_98 = arith.fptosi %get3A_97 : vector<16xf32> to vector<16xi32>
      "tpu.region"() ({
        %run_scoped3A = tpu.sem_alloc : memref<!tpu.dma_semaphore, #tpu.memory_space<semaphore_mem>>
        %dma_start3A_715 = arith.constant 224 : i32
        %dma_start3A_716 = tpu.memref_slice %arg5[%dma_start3A_715] : memref<256xf32, #tpu.memory_space<hbm>> -> memref<16xf32, #tpu.memory_space<hbm>>
        %dma_start3A_717 = arith.constant 224 : i32
        %dma_start3A_718 = tpu.memref_slice %arg5[%dma_start3A_717] : memref<256xf32, #tpu.memory_space<hbm>> -> memref<16xf32, #tpu.memory_space<hbm>>
        tpu.enqueue_dma source(%dma_start3A_718 : memref<16xf32, #tpu.memory_space<hbm>>) target(%arg10 : memref<16xf32, #tpu.memory_space<vmem>>) target_semaphore(%run_scoped3A : memref<!tpu.dma_semaphore, #tpu.memory_space<semaphore_mem>>)
        %dma_wait3A_719 = arith.constant 224 : i32
        %dma_wait3A_720 = tpu.memref_slice %arg5[%dma_wait3A_719] : memref<256xf32, #tpu.memory_space<hbm>> -> memref<16xf32, #tpu.memory_space<hbm>>
        %dma_wait3A_721 = arith.constant 224 : i32
        %dma_wait3A_722 = tpu.memref_slice %arg5[%dma_wait3A_721] : memref<256xf32, #tpu.memory_space<hbm>> -> memref<16xf32, #tpu.memory_space<hbm>>
        tpu.wait_dma2 semaphore(%run_scoped3A : memref<!tpu.dma_semaphore, #tpu.memory_space<semaphore_mem>>) src(%dma_wait3A_722 : memref<16xf32, #tpu.memory_space<hbm>>) dst(%arg10 : memref<16xf32, #tpu.memory_space<vmem>>)
        tpu.yield
      }) : () -> ()
      %get3A_99 = arith.constant 0 : index
      %get3A_100 = tpu.vector_load %arg10[%get3A_99] {strides = array<i32>} : memref<16xf32, #tpu.memory_space<vmem>>, vector<16xf32>,
      "tpu.region"() ({
        %run_scoped3A = tpu.sem_alloc : memref<!tpu.dma_semaphore, #tpu.memory_space<semaphore_mem>>
        %dma_start3A_715 = arith.constant 224 : i32
        %dma_start3A_716 = tpu.memref_slice %arg6[%dma_start3A_715] : memref<256xf32, #tpu.memory_space<hbm>> -> memref<16xf32, #tpu.memory_space<hbm>>
        %dma_start3A_717 = arith.constant 224 : i32
        %dma_start3A_718 = tpu.memref_slice %arg6[%dma_start3A_717] : memref<256xf32, #tpu.memory_space<hbm>> -> memref<16xf32, #tpu.memory_space<hbm>>
        tpu.enqueue_dma source(%dma_start3A_718 : memref<16xf32, #tpu.memory_space<hbm>>) target(%arg10 : memref<16xf32, #tpu.memory_space<vmem>>) target_semaphore(%run_scoped3A : memref<!tpu.dma_semaphore, #tpu.memory_space<semaphore_mem>>)
        %dma_wait3A_719 = arith.constant 224 : i32
        %dma_wait3A_720 = tpu.memref_slice %arg6[%dma_wait3A_719] : memref<256xf32, #tpu.memory_space<hbm>> -> memref<16xf32, #tpu.memory_space<hbm>>
        %dma_wait3A_721 = arith.constant 224 : i32
        %dma_wait3A_722 = tpu.memref_slice %arg6[%dma_wait3A_721] : memref<256xf32, #tpu.memory_space<hbm>> -> memref<16xf32, #tpu.memory_space<hbm>>
        tpu.wait_dma2 semaphore(%run_scoped3A : memref<!tpu.dma_semaphore, #tpu.memory_space<semaphore_mem>>) src(%dma_wait3A_722 : memref<16xf32, #tpu.memory_space<hbm>>) dst(%arg10 : memref<16xf32, #tpu.memory_space<vmem>>)
        tpu.yield
      }) : () -> ()
      %get3A_101 = arith.constant 0 : index
      %get3A_102 = tpu.vector_load %arg10[%get3A_101] {strides = array<i32>} : memref<16xf32, #tpu.memory_space<vmem>>, vector<16xf32>,
      %convert_element_type3A_103 = arith.fptosi %get3A_102 : vector<16xf32> to vector<16xi32>
      "tpu.region"() ({
        %run_scoped3A = tpu.sem_alloc : memref<!tpu.dma_semaphore, #tpu.memory_space<semaphore_mem>>
        %dma_start3A_715 = arith.constant 240 : i32
        %dma_start3A_716 = tpu.memref_slice %arg5[%dma_start3A_715] : memref<256xf32, #tpu.memory_space<hbm>> -> memref<16xf32, #tpu.memory_space<hbm>>
        %dma_start3A_717 = arith.constant 240 : i32
        %dma_start3A_718 = tpu.memref_slice %arg5[%dma_start3A_717] : memref<256xf32, #tpu.memory_space<hbm>> -> memref<16xf32, #tpu.memory_space<hbm>>
        tpu.enqueue_dma source(%dma_start3A_718 : memref<16xf32, #tpu.memory_space<hbm>>) target(%arg10 : memref<16xf32, #tpu.memory_space<vmem>>) target_semaphore(%run_scoped3A : memref<!tpu.dma_semaphore, #tpu.memory_space<semaphore_mem>>)
        %dma_wait3A_719 = arith.constant 240 : i32
        %dma_wait3A_720 = tpu.memref_slice %arg5[%dma_wait3A_719] : memref<256xf32, #tpu.memory_space<hbm>> -> memref<16xf32, #tpu.memory_space<hbm>>
        %dma_wait3A_721 = arith.constant 240 : i32
        %dma_wait3A_722 = tpu.memref_slice %arg5[%dma_wait3A_721] : memref<256xf32, #tpu.memory_space<hbm>> -> memref<16xf32, #tpu.memory_space<hbm>>
        tpu.wait_dma2 semaphore(%run_scoped3A : memref<!tpu.dma_semaphore, #tpu.memory_space<semaphore_mem>>) src(%dma_wait3A_722 : memref<16xf32, #tpu.memory_space<hbm>>) dst(%arg10 : memref<16xf32, #tpu.memory_space<vmem>>)
        tpu.yield
      }) : () -> ()
      %get3A_104 = arith.constant 0 : index
      %get3A_105 = tpu.vector_load %arg10[%get3A_104] {strides = array<i32>} : memref<16xf32, #tpu.memory_space<vmem>>, vector<16xf32>,
      "tpu.region"() ({
        %run_scoped3A = tpu.sem_alloc : memref<!tpu.dma_semaphore, #tpu.memory_space<semaphore_mem>>
        %dma_start3A_715 = arith.constant 240 : i32
        %dma_start3A_716 = tpu.memref_slice %arg6[%dma_start3A_715] : memref<256xf32, #tpu.memory_space<hbm>> -> memref<16xf32, #tpu.memory_space<hbm>>
        %dma_start3A_717 = arith.constant 240 : i32
        %dma_start3A_718 = tpu.memref_slice %arg6[%dma_start3A_717] : memref<256xf32, #tpu.memory_space<hbm>> -> memref<16xf32, #tpu.memory_space<hbm>>
        tpu.enqueue_dma source(%dma_start3A_718 : memref<16xf32, #tpu.memory_space<hbm>>) target(%arg10 : memref<16xf32, #tpu.memory_space<vmem>>) target_semaphore(%run_scoped3A : memref<!tpu.dma_semaphore, #tpu.memory_space<semaphore_mem>>)
        %dma_wait3A_719 = arith.constant 240 : i32
        %dma_wait3A_720 = tpu.memref_slice %arg6[%dma_wait3A_719] : memref<256xf32, #tpu.memory_space<hbm>> -> memref<16xf32, #tpu.memory_space<hbm>>
        %dma_wait3A_721 = arith.constant 240 : i32
        %dma_wait3A_722 = tpu.memref_slice %arg6[%dma_wait3A_721] : memref<256xf32, #tpu.memory_space<hbm>> -> memref<16xf32, #tpu.memory_space<hbm>>
        tpu.wait_dma2 semaphore(%run_scoped3A : memref<!tpu.dma_semaphore, #tpu.memory_space<semaphore_mem>>) src(%dma_wait3A_722 : memref<16xf32, #tpu.memory_space<hbm>>) dst(%arg10 : memref<16xf32, #tpu.memory_space<vmem>>)
        tpu.yield
      }) : () -> ()
      %get3A_106 = arith.constant 0 : index
      %get3A_107 = tpu.vector_load %arg10[%get3A_106] {strides = array<i32>} : memref<16xf32, #tpu.memory_space<vmem>>, vector<16xf32>,
      %convert_element_type3A_108 = arith.fptosi %get3A_107 : vector<16xf32> to vector<16xi32>
      %rev3A = arith.constant 15 : i32
      %rev3A_109 = vector.broadcast %rev3A : i32 to vector<16xi32>
      %rev3A_110 = tpu.iota {dimensions = array<i32: 0>} : vector<16xi32>
      %rev3A_111 = arith.subi %rev3A_109, %rev3A_110 : vector<16xi32>
      %rev3A_112 = tpu.dynamic_gather %get3A_35[%rev3A_111] in [0] : vector<16xf32>, vector<16xi32> -> vector<16xf32>
      %rev3A_113 = arith.constant 15 : i32
      %rev3A_114 = vector.broadcast %rev3A_113 : i32 to vector<16xi32>
      %rev3A_115 = tpu.iota {dimensions = array<i32: 0>} : vector<16xi32>
      %rev3A_116 = arith.subi %rev3A_114, %rev3A_115 : vector<16xi32>
      %rev3A_117 = tpu.dynamic_gather %convert_element_type3A_38[%rev3A_116] in [0] : vector<16xi32>, vector<16xi32> -> vector<16xi32>
      %ge3A = arith.cmpf oge, %get3A_30, %rev3A_112 : vector<16xf32>
      %select_n3A = arith.select %ge3A, %get3A_30, %rev3A_112 : vector<16xi1>, vector<16xf32>
      %select_n3A_118 = arith.select %ge3A, %convert_element_type3A_33, %rev3A_117 : vector<16xi1>, vector<16xi32>
      %masked_sort3A = arith.constant dense<true> : vector<16xi1>
      %masked_sort3A_119, %masked_sort3A_120, %masked_sort3A_121 = tpu.sort %select_n3A, %select_n3A_118 masked %masked_sort3A {descending = true} : (vector<16xf32>, vector<16xi32>, vector<16xi1>) -> (vector<16xi1>, vector<16xf32>, vector<16xi32>)
      %rev3A_122 = arith.constant 15 : i32
      %rev3A_123 = vector.broadcast %rev3A_122 : i32 to vector<16xi32>
      %rev3A_124 = tpu.iota {dimensions = array<i32: 0>} : vector<16xi32>
      %rev3A_125 = arith.subi %rev3A_123, %rev3A_124 : vector<16xi32>
      %rev3A_126 = tpu.dynamic_gather %get3A_45[%rev3A_125] in [0] : vector<16xf32>, vector<16xi32> -> vector<16xf32>
      %rev3A_127 = arith.constant 15 : i32
      %rev3A_128 = vector.broadcast %rev3A_127 : i32 to vector<16xi32>
      %rev3A_129 = tpu.iota {dimensions = array<i32: 0>} : vector<16xi32>
      %rev3A_130 = arith.subi %rev3A_128, %rev3A_129 : vector<16xi32>
      %rev3A_131 = tpu.dynamic_gather %convert_element_type3A_48[%rev3A_130] in [0] : vector<16xi32>, vector<16xi32> -> vector<16xi32>
      %ge3A_132 = arith.cmpf oge, %get3A_40, %rev3A_126 : vector<16xf32>
      %select_n3A_133 = arith.select %ge3A_132, %get3A_40, %rev3A_126 : vector<16xi1>, vector<16xf32>
      %select_n3A_134 = arith.select %ge3A_132, %convert_element_type3A_43, %rev3A_131 : vector<16xi1>, vector<16xi32>
      %masked_sort3A_135 = arith.constant dense<true> : vector<16xi1>
      %masked_sort3A_136, %masked_sort3A_137, %masked_sort3A_138 = tpu.sort %select_n3A_133, %select_n3A_134 masked %masked_sort3A_135 {descending = true} : (vector<16xf32>, vector<16xi32>, vector<16xi1>) -> (vector<16xi1>, vector<16xf32>, vector<16xi32>)
      %rev3A_139 = arith.constant 15 : i32
      %rev3A_140 = vector.broadcast %rev3A_139 : i32 to vector<16xi32>
      %rev3A_141 = tpu.iota {dimensions = array<i32: 0>} : vector<16xi32>
      %rev3A_142 = arith.subi %rev3A_140, %rev3A_141 : vector<16xi32>
      %rev3A_143 = tpu.dynamic_gather %get3A_55[%rev3A_142] in [0] : vector<16xf32>, vector<16xi32> -> vector<16xf32>
      %rev3A_144 = arith.constant 15 : i32
      %rev3A_145 = vector.broadcast %rev3A_144 : i32 to vector<16xi32>
      %rev3A_146 = tpu.iota {dimensions = array<i32: 0>} : vector<16xi32>
      %rev3A_147 = arith.subi %rev3A_145, %rev3A_146 : vector<16xi32>
      %rev3A_148 = tpu.dynamic_gather %convert_element_type3A_58[%rev3A_147] in [0] : vector<16xi32>, vector<16xi32> -> vector<16xi32>
      %ge3A_149 = arith.cmpf oge, %get3A_50, %rev3A_143 : vector<16xf32>
      %select_n3A_150 = arith.select %ge3A_149, %get3A_50, %rev3A_143 : vector<16xi1>, vector<16xf32>
      %select_n3A_151 = arith.select %ge3A_149, %convert_element_type3A_53, %rev3A_148 : vector<16xi1>, vector<16xi32>
      %masked_sort3A_152 = arith.constant dense<true> : vector<16xi1>
      %masked_sort3A_153, %masked_sort3A_154, %masked_sort3A_155 = tpu.sort %select_n3A_150, %select_n3A_151 masked %masked_sort3A_152 {descending = true} : (vector<16xf32>, vector<16xi32>, vector<16xi1>) -> (vector<16xi1>, vector<16xf32>, vector<16xi32>)
      %rev3A_156 = arith.constant 15 : i32
      %rev3A_157 = vector.broadcast %rev3A_156 : i32 to vector<16xi32>
      %rev3A_158 = tpu.iota {dimensions = array<i32: 0>} : vector<16xi32>
      %rev3A_159 = arith.subi %rev3A_157, %rev3A_158 : vector<16xi32>
      %rev3A_160 = tpu.dynamic_gather %get3A_65[%rev3A_159] in [0] : vector<16xf32>, vector<16xi32> -> vector<16xf32>
      %rev3A_161 = arith.constant 15 : i32
      %rev3A_162 = vector.broadcast %rev3A_161 : i32 to vector<16xi32>
      %rev3A_163 = tpu.iota {dimensions = array<i32: 0>} : vector<16xi32>
      %rev3A_164 = arith.subi %rev3A_162, %rev3A_163 : vector<16xi32>
      %rev3A_165 = tpu.dynamic_gather %convert_element_type3A_68[%rev3A_164] in [0] : vector<16xi32>, vector<16xi32> -> vector<16xi32>
      %ge3A_166 = arith.cmpf oge, %get3A_60, %rev3A_160 : vector<16xf32>
      %select_n3A_167 = arith.select %ge3A_166, %get3A_60, %rev3A_160 : vector<16xi1>, vector<16xf32>
      %select_n3A_168 = arith.select %ge3A_166, %convert_element_type3A_63, %rev3A_165 : vector<16xi1>, vector<16xi32>
      %masked_sort3A_169 = arith.constant dense<true> : vector<16xi1>
      %masked_sort3A_170, %masked_sort3A_171, %masked_sort3A_172 = tpu.sort %select_n3A_167, %select_n3A_168 masked %masked_sort3A_169 {descending = true} : (vector<16xf32>, vector<16xi32>, vector<16xi1>) -> (vector<16xi1>, vector<16xf32>, vector<16xi32>)
      %rev3A_173 = arith.constant 15 : i32
      %rev3A_174 = vector.broadcast %rev3A_173 : i32 to vector<16xi32>
      %rev3A_175 = tpu.iota {dimensions = array<i32: 0>} : vector<16xi32>
      %rev3A_176 = arith.subi %rev3A_174, %rev3A_175 : vector<16xi32>
      %rev3A_177 = tpu.dynamic_gather %get3A_75[%rev3A_176] in [0] : vector<16xf32>, vector<16xi32> -> vector<16xf32>
      %rev3A_178 = arith.constant 15 : i32
      %rev3A_179 = vector.broadcast %rev3A_178 : i32 to vector<16xi32>
      %rev3A_180 = tpu.iota {dimensions = array<i32: 0>} : vector<16xi32>
      %rev3A_181 = arith.subi %rev3A_179, %rev3A_180 : vector<16xi32>
      %rev3A_182 = tpu.dynamic_gather %convert_element_type3A_78[%rev3A_181] in [0] : vector<16xi32>, vector<16xi32> -> vector<16xi32>
      %ge3A_183 = arith.cmpf oge, %get3A_70, %rev3A_177 : vector<16xf32>
      %select_n3A_184 = arith.select %ge3A_183, %get3A_70, %rev3A_177 : vector<16xi1>, vector<16xf32>
      %select_n3A_185 = arith.select %ge3A_183, %convert_element_type3A_73, %rev3A_182 : vector<16xi1>, vector<16xi32>
      %masked_sort3A_186 = arith.constant dense<true> : vector<16xi1>
      %masked_sort3A_187, %masked_sort3A_188, %masked_sort3A_189 = tpu.sort %select_n3A_184, %select_n3A_185 masked %masked_sort3A_186 {descending = true} : (vector<16xf32>, vector<16xi32>, vector<16xi1>) -> (vector<16xi1>, vector<16xf32>, vector<16xi32>)
      %rev3A_190 = arith.constant 15 : i32
      %rev3A_191 = vector.broadcast %rev3A_190 : i32 to vector<16xi32>
      %rev3A_192 = tpu.iota {dimensions = array<i32: 0>} : vector<16xi32>
      %rev3A_193 = arith.subi %rev3A_191, %rev3A_192 : vector<16xi32>
      %rev3A_194 = tpu.dynamic_gather %get3A_85[%rev3A_193] in [0] : vector<16xf32>, vector<16xi32> -> vector<16xf32>
      %rev3A_195 = arith.constant 15 : i32
      %rev3A_196 = vector.broadcast %rev3A_195 : i32 to vector<16xi32>
      %rev3A_197 = tpu.iota {dimensions = array<i32: 0>} : vector<16xi32>
      %rev3A_198 = arith.subi %rev3A_196, %rev3A_197 : vector<16xi32>
      %rev3A_199 = tpu.dynamic_gather %convert_element_type3A_88[%rev3A_198] in [0] : vector<16xi32>, vector<16xi32> -> vector<16xi32>
      %ge3A_200 = arith.cmpf oge, %get3A_80, %rev3A_194 : vector<16xf32>
      %select_n3A_201 = arith.select %ge3A_200, %get3A_80, %rev3A_194 : vector<16xi1>, vector<16xf32>
      %select_n3A_202 = arith.select %ge3A_200, %convert_element_type3A_83, %rev3A_199 : vector<16xi1>, vector<16xi32>
      %masked_sort3A_203 = arith.constant dense<true> : vector<16xi1>
      %masked_sort3A_204, %masked_sort3A_205, %masked_sort3A_206 = tpu.sort %select_n3A_201, %select_n3A_202 masked %masked_sort3A_203 {descending = true} : (vector<16xf32>, vector<16xi32>, vector<16xi1>) -> (vector<16xi1>, vector<16xf32>, vector<16xi32>)
      %rev3A_207 = arith.constant 15 : i32
      %rev3A_208 = vector.broadcast %rev3A_207 : i32 to vector<16xi32>
      %rev3A_209 = tpu.iota {dimensions = array<i32: 0>} : vector<16xi32>
      %rev3A_210 = arith.subi %rev3A_208, %rev3A_209 : vector<16xi32>
      %rev3A_211 = tpu.dynamic_gather %get3A_95[%rev3A_210] in [0] : vector<16xf32>, vector<16xi32> -> vector<16xf32>
      %rev3A_212 = arith.constant 15 : i32
      %rev3A_213 = vector.broadcast %rev3A_212 : i32 to vector<16xi32>
      %rev3A_214 = tpu.iota {dimensions = array<i32: 0>} : vector<16xi32>
      %rev3A_215 = arith.subi %rev3A_213, %rev3A_214 : vector<16xi32>
      %rev3A_216 = tpu.dynamic_gather %convert_element_type3A_98[%rev3A_215] in [0] : vector<16xi32>, vector<16xi32> -> vector<16xi32>
      %ge3A_217 = arith.cmpf oge, %get3A_90, %rev3A_211 : vector<16xf32>
      %select_n3A_218 = arith.select %ge3A_217, %get3A_90, %rev3A_211 : vector<16xi1>, vector<16xf32>
      %select_n3A_219 = arith.select %ge3A_217, %convert_element_type3A_93, %rev3A_216 : vector<16xi1>, vector<16xi32>
      %masked_sort3A_220 = arith.constant dense<true> : vector<16xi1>
      %masked_sort3A_221, %masked_sort3A_222, %masked_sort3A_223 = tpu.sort %select_n3A_218, %select_n3A_219 masked %masked_sort3A_220 {descending = true} : (vector<16xf32>, vector<16xi32>, vector<16xi1>) -> (vector<16xi1>, vector<16xf32>, vector<16xi32>)
      %rev3A_224 = arith.constant 15 : i32
      %rev3A_225 = vector.broadcast %rev3A_224 : i32 to vector<16xi32>
      %rev3A_226 = tpu.iota {dimensions = array<i32: 0>} : vector<16xi32>
      %rev3A_227 = arith.subi %rev3A_225, %rev3A_226 : vector<16xi32>
      %rev3A_228 = tpu.dynamic_gather %get3A_105[%rev3A_227] in [0] : vector<16xf32>, vector<16xi32> -> vector<16xf32>
      %rev3A_229 = arith.constant 15 : i32
      %rev3A_230 = vector.broadcast %rev3A_229 : i32 to vector<16xi32>
      %rev3A_231 = tpu.iota {dimensions = array<i32: 0>} : vector<16xi32>
      %rev3A_232 = arith.subi %rev3A_230, %rev3A_231 : vector<16xi32>
      %rev3A_233 = tpu.dynamic_gather %convert_element_type3A_108[%rev3A_232] in [0] : vector<16xi32>, vector<16xi32> -> vector<16xi32>
      %ge3A_234 = arith.cmpf oge, %get3A_100, %rev3A_228 : vector<16xf32>
      %select_n3A_235 = arith.select %ge3A_234, %get3A_100, %rev3A_228 : vector<16xi1>, vector<16xf32>
      %select_n3A_236 = arith.select %ge3A_234, %convert_element_type3A_103, %rev3A_233 : vector<16xi1>, vector<16xi32>
      %masked_sort3A_237 = arith.constant dense<true> : vector<16xi1>
      %masked_sort3A_238, %masked_sort3A_239, %masked_sort3A_240 = tpu.sort %select_n3A_235, %select_n3A_236 masked %masked_sort3A_237 {descending = true} : (vector<16xf32>, vector<16xi32>, vector<16xi1>) -> (vector<16xi1>, vector<16xf32>, vector<16xi32>)
      %rev3A_241 = arith.constant 15 : i32
      %rev3A_242 = vector.broadcast %rev3A_241 : i32 to vector<16xi32>
      %rev3A_243 = tpu.iota {dimensions = array<i32: 0>} : vector<16xi32>
      %rev3A_244 = arith.subi %rev3A_242, %rev3A_243 : vector<16xi32>
      %rev3A_245 = tpu.dynamic_gather %masked_sort3A_137[%rev3A_244] in [0] : vector<16xf32>, vector<16xi32> -> vector<16xf32>
      %rev3A_246 = arith.constant 15 : i32
      %rev3A_247 = vector.broadcast %rev3A_246 : i32 to vector<16xi32>
      %rev3A_248 = tpu.iota {dimensions = array<i32: 0>} : vector<16xi32>
      %rev3A_249 = arith.subi %rev3A_247, %rev3A_248 : vector<16xi32>
      %rev3A_250 = tpu.dynamic_gather %masked_sort3A_138[%rev3A_249] in [0] : vector<16xi32>, vector<16xi32> -> vector<16xi32>
      %ge3A_251 = arith.cmpf oge, %masked_sort3A_120, %rev3A_245 : vector<16xf32>
      %select_n3A_252 = arith.select %ge3A_251, %masked_sort3A_120, %rev3A_245 : vector<16xi1>, vector<16xf32>
      %select_n3A_253 = arith.select %ge3A_251, %masked_sort3A_121, %rev3A_250 : vector<16xi1>, vector<16xi32>
      %masked_sort3A_254 = arith.constant dense<true> : vector<16xi1>
      %masked_sort3A_255, %masked_sort3A_256, %masked_sort3A_257 = tpu.sort %select_n3A_252, %select_n3A_253 masked %masked_sort3A_254 {descending = true} : (vector<16xf32>, vector<16xi32>, vector<16xi1>) -> (vector<16xi1>, vector<16xf32>, vector<16xi32>)
      %rev3A_258 = arith.constant 15 : i32
      %rev3A_259 = vector.broadcast %rev3A_258 : i32 to vector<16xi32>
      %rev3A_260 = tpu.iota {dimensions = array<i32: 0>} : vector<16xi32>
      %rev3A_261 = arith.subi %rev3A_259, %rev3A_260 : vector<16xi32>
      %rev3A_262 = tpu.dynamic_gather %masked_sort3A_171[%rev3A_261] in [0] : vector<16xf32>, vector<16xi32> -> vector<16xf32>
      %rev3A_263 = arith.constant 15 : i32
      %rev3A_264 = vector.broadcast %rev3A_263 : i32 to vector<16xi32>
      %rev3A_265 = tpu.iota {dimensions = array<i32: 0>} : vector<16xi32>
      %rev3A_266 = arith.subi %rev3A_264, %rev3A_265 : vector<16xi32>
      %rev3A_267 = tpu.dynamic_gather %masked_sort3A_172[%rev3A_266] in [0] : vector<16xi32>, vector<16xi32> -> vector<16xi32>
      %ge3A_268 = arith.cmpf oge, %masked_sort3A_154, %rev3A_262 : vector<16xf32>
      %select_n3A_269 = arith.select %ge3A_268, %masked_sort3A_154, %rev3A_262 : vector<16xi1>, vector<16xf32>
      %select_n3A_270 = arith.select %ge3A_268, %masked_sort3A_155, %rev3A_267 : vector<16xi1>, vector<16xi32>
      %masked_sort3A_271 = arith.constant dense<true> : vector<16xi1>
      %masked_sort3A_272, %masked_sort3A_273, %masked_sort3A_274 = tpu.sort %select_n3A_269, %select_n3A_270 masked %masked_sort3A_271 {descending = true} : (vector<16xf32>, vector<16xi32>, vector<16xi1>) -> (vector<16xi1>, vector<16xf32>, vector<16xi32>)
      %rev3A_275 = arith.constant 15 : i32
      %rev3A_276 = vector.broadcast %rev3A_275 : i32 to vector<16xi32>
      %rev3A_277 = tpu.iota {dimensions = array<i32: 0>} : vector<16xi32>
      %rev3A_278 = arith.subi %rev3A_276, %rev3A_277 : vector<16xi32>
      %rev3A_279 = tpu.dynamic_gather %masked_sort3A_205[%rev3A_278] in [0] : vector<16xf32>, vector<16xi32> -> vector<16xf32>
      %rev3A_280 = arith.constant 15 : i32
      %rev3A_281 = vector.broadcast %rev3A_280 : i32 to vector<16xi32>
      %rev3A_282 = tpu.iota {dimensions = array<i32: 0>} : vector<16xi32>
      %rev3A_283 = arith.subi %rev3A_281, %rev3A_282 : vector<16xi32>
      %rev3A_284 = tpu.dynamic_gather %masked_sort3A_206[%rev3A_283] in [0] : vector<16xi32>, vector<16xi32> -> vector<16xi32>
      %ge3A_285 = arith.cmpf oge, %masked_sort3A_188, %rev3A_279 : vector<16xf32>
      %select_n3A_286 = arith.select %ge3A_285, %masked_sort3A_188, %rev3A_279 : vector<16xi1>, vector<16xf32>
      %select_n3A_287 = arith.select %ge3A_285, %masked_sort3A_189, %rev3A_284 : vector<16xi1>, vector<16xi32>
      %masked_sort3A_288 = arith.constant dense<true> : vector<16xi1>
      %masked_sort3A_289, %masked_sort3A_290, %masked_sort3A_291 = tpu.sort %select_n3A_286, %select_n3A_287 masked %masked_sort3A_288 {descending = true} : (vector<16xf32>, vector<16xi32>, vector<16xi1>) -> (vector<16xi1>, vector<16xf32>, vector<16xi32>)
      %rev3A_292 = arith.constant 15 : i32
      %rev3A_293 = vector.broadcast %rev3A_292 : i32 to vector<16xi32>
      %rev3A_294 = tpu.iota {dimensions = array<i32: 0>} : vector<16xi32>
      %rev3A_295 = arith.subi %rev3A_293, %rev3A_294 : vector<16xi32>
      %rev3A_296 = tpu.dynamic_gather %masked_sort3A_239[%rev3A_295] in [0] : vector<16xf32>, vector<16xi32> -> vector<16xf32>
      %rev3A_297 = arith.constant 15 : i32
      %rev3A_298 = vector.broadcast %rev3A_297 : i32 to vector<16xi32>
      %rev3A_299 = tpu.iota {dimensions = array<i32: 0>} : vector<16xi32>
      %rev3A_300 = arith.subi %rev3A_298, %rev3A_299 : vector<16xi32>
      %rev3A_301 = tpu.dynamic_gather %masked_sort3A_240[%rev3A_300] in [0] : vector<16xi32>, vector<16xi32> -> vector<16xi32>
      %ge3A_302 = arith.cmpf oge, %masked_sort3A_222, %rev3A_296 : vector<16xf32>
      %select_n3A_303 = arith.select %ge3A_302, %masked_sort3A_222, %rev3A_296 : vector<16xi1>, vector<16xf32>
      %select_n3A_304 = arith.select %ge3A_302, %masked_sort3A_223, %rev3A_301 : vector<16xi1>, vector<16xi32>
      %masked_sort3A_305 = arith.constant dense<true> : vector<16xi1>
      %masked_sort3A_306, %masked_sort3A_307, %masked_sort3A_308 = tpu.sort %select_n3A_303, %select_n3A_304 masked %masked_sort3A_305 {descending = true} : (vector<16xf32>, vector<16xi32>, vector<16xi1>) -> (vector<16xi1>, vector<16xf32>, vector<16xi32>)
      %rev3A_309 = arith.constant 15 : i32
      %rev3A_310 = vector.broadcast %rev3A_309 : i32 to vector<16xi32>
      %rev3A_311 = tpu.iota {dimensions = array<i32: 0>} : vector<16xi32>
      %rev3A_312 = arith.subi %rev3A_310, %rev3A_311 : vector<16xi32>
      %rev3A_313 = tpu.dynamic_gather %masked_sort3A_273[%rev3A_312] in [0] : vector<16xf32>, vector<16xi32> -> vector<16xf32>
      %rev3A_314 = arith.constant 15 : i32
      %rev3A_315 = vector.broadcast %rev3A_314 : i32 to vector<16xi32>
      %rev3A_316 = tpu.iota {dimensions = array<i32: 0>} : vector<16xi32>
      %rev3A_317 = arith.subi %rev3A_315, %rev3A_316 : vector<16xi32>
      %rev3A_318 = tpu.dynamic_gather %masked_sort3A_274[%rev3A_317] in [0] : vector<16xi32>, vector<16xi32> -> vector<16xi32>
      %ge3A_319 = arith.cmpf oge, %masked_sort3A_256, %rev3A_313 : vector<16xf32>
      %select_n3A_320 = arith.select %ge3A_319, %masked_sort3A_256, %rev3A_313 : vector<16xi1>, vector<16xf32>
      %select_n3A_321 = arith.select %ge3A_319, %masked_sort3A_257, %rev3A_318 : vector<16xi1>, vector<16xi32>
      %masked_sort3A_322 = arith.constant dense<true> : vector<16xi1>
      %masked_sort3A_323, %masked_sort3A_324, %masked_sort3A_325 = tpu.sort %select_n3A_320, %select_n3A_321 masked %masked_sort3A_322 {descending = true} : (vector<16xf32>, vector<16xi32>, vector<16xi1>) -> (vector<16xi1>, vector<16xf32>, vector<16xi32>)
      %rev3A_326 = arith.constant 15 : i32
      %rev3A_327 = vector.broadcast %rev3A_326 : i32 to vector<16xi32>
      %rev3A_328 = tpu.iota {dimensions = array<i32: 0>} : vector<16xi32>
      %rev3A_329 = arith.subi %rev3A_327, %rev3A_328 : vector<16xi32>
      %rev3A_330 = tpu.dynamic_gather %masked_sort3A_307[%rev3A_329] in [0] : vector<16xf32>, vector<16xi32> -> vector<16xf32>
      %rev3A_331 = arith.constant 15 : i32
      %rev3A_332 = vector.broadcast %rev3A_331 : i32 to vector<16xi32>
      %rev3A_333 = tpu.iota {dimensions = array<i32: 0>} : vector<16xi32>
      %rev3A_334 = arith.subi %rev3A_332, %rev3A_333 : vector<16xi32>
      %rev3A_335 = tpu.dynamic_gather %masked_sort3A_308[%rev3A_334] in [0] : vector<16xi32>, vector<16xi32> -> vector<16xi32>
      %ge3A_336 = arith.cmpf oge, %masked_sort3A_290, %rev3A_330 : vector<16xf32>
      %select_n3A_337 = arith.select %ge3A_336, %masked_sort3A_290, %rev3A_330 : vector<16xi1>, vector<16xf32>
      %select_n3A_338 = arith.select %ge3A_336, %masked_sort3A_291, %rev3A_335 : vector<16xi1>, vector<16xi32>
      %masked_sort3A_339 = arith.constant dense<true> : vector<16xi1>
      %masked_sort3A_340, %masked_sort3A_341, %masked_sort3A_342 = tpu.sort %select_n3A_337, %select_n3A_338 masked %masked_sort3A_339 {descending = true} : (vector<16xf32>, vector<16xi32>, vector<16xi1>) -> (vector<16xi1>, vector<16xf32>, vector<16xi32>)
      %rev3A_343 = arith.constant 15 : i32
      %rev3A_344 = vector.broadcast %rev3A_343 : i32 to vector<16xi32>
      %rev3A_345 = tpu.iota {dimensions = array<i32: 0>} : vector<16xi32>
      %rev3A_346 = arith.subi %rev3A_344, %rev3A_345 : vector<16xi32>
      %rev3A_347 = tpu.dynamic_gather %masked_sort3A_341[%rev3A_346] in [0] : vector<16xf32>, vector<16xi32> -> vector<16xf32>
      %rev3A_348 = arith.constant 15 : i32
      %rev3A_349 = vector.broadcast %rev3A_348 : i32 to vector<16xi32>
      %rev3A_350 = tpu.iota {dimensions = array<i32: 0>} : vector<16xi32>
      %rev3A_351 = arith.subi %rev3A_349, %rev3A_350 : vector<16xi32>
      %rev3A_352 = tpu.dynamic_gather %masked_sort3A_342[%rev3A_351] in [0] : vector<16xi32>, vector<16xi32> -> vector<16xi32>
      %ge3A_353 = arith.cmpf oge, %masked_sort3A_324, %rev3A_347 : vector<16xf32>
      %select_n3A_354 = arith.select %ge3A_353, %masked_sort3A_324, %rev3A_347 : vector<16xi1>, vector<16xf32>
      %select_n3A_355 = arith.select %ge3A_353, %masked_sort3A_325, %rev3A_352 : vector<16xi1>, vector<16xi32>
      %masked_sort3A_356 = arith.constant dense<true> : vector<16xi1>
      %masked_sort3A_357, %masked_sort3A_358, %masked_sort3A_359 = tpu.sort %select_n3A_354, %select_n3A_355 masked %masked_sort3A_356 {descending = true} : (vector<16xf32>, vector<16xi32>, vector<16xi1>) -> (vector<16xi1>, vector<16xf32>, vector<16xi32>)
      "tpu.region"() ({
        %run_scoped3A = tpu.sem_alloc : memref<!tpu.dma_semaphore, #tpu.memory_space<semaphore_mem>>
        %dma_start3A_715 = arith.constant 0 : i32
        %dma_start3A_716 = tpu.memref_slice %arg7[%dma_start3A_715] : memref<256xf32, #tpu.memory_space<hbm>> -> memref<16xf32, #tpu.memory_space<hbm>>
        %dma_start3A_717 = arith.constant 0 : i32
        %dma_start3A_718 = tpu.memref_slice %arg7[%dma_start3A_717] : memref<256xf32, #tpu.memory_space<hbm>> -> memref<16xf32, #tpu.memory_space<hbm>>
        tpu.enqueue_dma source(%dma_start3A_718 : memref<16xf32, #tpu.memory_space<hbm>>) target(%arg10 : memref<16xf32, #tpu.memory_space<vmem>>) target_semaphore(%run_scoped3A : memref<!tpu.dma_semaphore, #tpu.memory_space<semaphore_mem>>)
        %dma_wait3A_719 = arith.constant 0 : i32
        %dma_wait3A_720 = tpu.memref_slice %arg7[%dma_wait3A_719] : memref<256xf32, #tpu.memory_space<hbm>> -> memref<16xf32, #tpu.memory_space<hbm>>
        %dma_wait3A_721 = arith.constant 0 : i32
        %dma_wait3A_722 = tpu.memref_slice %arg7[%dma_wait3A_721] : memref<256xf32, #tpu.memory_space<hbm>> -> memref<16xf32, #tpu.memory_space<hbm>>
        tpu.wait_dma2 semaphore(%run_scoped3A : memref<!tpu.dma_semaphore, #tpu.memory_space<semaphore_mem>>) src(%dma_wait3A_722 : memref<16xf32, #tpu.memory_space<hbm>>) dst(%arg10 : memref<16xf32, #tpu.memory_space<vmem>>)
        tpu.yield
      }) : () -> ()
      %get3A_360 = arith.constant 0 : index
      %get3A_361 = tpu.vector_load %arg10[%get3A_360] {strides = array<i32>} : memref<16xf32, #tpu.memory_space<vmem>>, vector<16xf32>,
      "tpu.region"() ({
        %run_scoped3A = tpu.sem_alloc : memref<!tpu.dma_semaphore, #tpu.memory_space<semaphore_mem>>
        %dma_start3A_715 = arith.constant 0 : i32
        %dma_start3A_716 = tpu.memref_slice %arg8[%dma_start3A_715] : memref<256xf32, #tpu.memory_space<hbm>> -> memref<16xf32, #tpu.memory_space<hbm>>
        %dma_start3A_717 = arith.constant 0 : i32
        %dma_start3A_718 = tpu.memref_slice %arg8[%dma_start3A_717] : memref<256xf32, #tpu.memory_space<hbm>> -> memref<16xf32, #tpu.memory_space<hbm>>
        tpu.enqueue_dma source(%dma_start3A_718 : memref<16xf32, #tpu.memory_space<hbm>>) target(%arg10 : memref<16xf32, #tpu.memory_space<vmem>>) target_semaphore(%run_scoped3A : memref<!tpu.dma_semaphore, #tpu.memory_space<semaphore_mem>>)
        %dma_wait3A_719 = arith.constant 0 : i32
        %dma_wait3A_720 = tpu.memref_slice %arg8[%dma_wait3A_719] : memref<256xf32, #tpu.memory_space<hbm>> -> memref<16xf32, #tpu.memory_space<hbm>>
        %dma_wait3A_721 = arith.constant 0 : i32
        %dma_wait3A_722 = tpu.memref_slice %arg8[%dma_wait3A_721] : memref<256xf32, #tpu.memory_space<hbm>> -> memref<16xf32, #tpu.memory_space<hbm>>
        tpu.wait_dma2 semaphore(%run_scoped3A : memref<!tpu.dma_semaphore, #tpu.memory_space<semaphore_mem>>) src(%dma_wait3A_722 : memref<16xf32, #tpu.memory_space<hbm>>) dst(%arg10 : memref<16xf32, #tpu.memory_space<vmem>>)
        tpu.yield
      }) : () -> ()
      %get3A_362 = arith.constant 0 : index
      %get3A_363 = tpu.vector_load %arg10[%get3A_362] {strides = array<i32>} : memref<16xf32, #tpu.memory_space<vmem>>, vector<16xf32>,
      %convert_element_type3A_364 = arith.fptosi %get3A_363 : vector<16xf32> to vector<16xi32>
      "tpu.region"() ({
        %run_scoped3A = tpu.sem_alloc : memref<!tpu.dma_semaphore, #tpu.memory_space<semaphore_mem>>
        %dma_start3A_715 = arith.constant 16 : i32
        %dma_start3A_716 = tpu.memref_slice %arg7[%dma_start3A_715] : memref<256xf32, #tpu.memory_space<hbm>> -> memref<16xf32, #tpu.memory_space<hbm>>
        %dma_start3A_717 = arith.constant 16 : i32
        %dma_start3A_718 = tpu.memref_slice %arg7[%dma_start3A_717] : memref<256xf32, #tpu.memory_space<hbm>> -> memref<16xf32, #tpu.memory_space<hbm>>
        tpu.enqueue_dma source(%dma_start3A_718 : memref<16xf32, #tpu.memory_space<hbm>>) target(%arg10 : memref<16xf32, #tpu.memory_space<vmem>>) target_semaphore(%run_scoped3A : memref<!tpu.dma_semaphore, #tpu.memory_space<semaphore_mem>>)
        %dma_wait3A_719 = arith.constant 16 : i32
        %dma_wait3A_720 = tpu.memref_slice %arg7[%dma_wait3A_719] : memref<256xf32, #tpu.memory_space<hbm>> -> memref<16xf32, #tpu.memory_space<hbm>>
        %dma_wait3A_721 = arith.constant 16 : i32
        %dma_wait3A_722 = tpu.memref_slice %arg7[%dma_wait3A_721] : memref<256xf32, #tpu.memory_space<hbm>> -> memref<16xf32, #tpu.memory_space<hbm>>
        tpu.wait_dma2 semaphore(%run_scoped3A : memref<!tpu.dma_semaphore, #tpu.memory_space<semaphore_mem>>) src(%dma_wait3A_722 : memref<16xf32, #tpu.memory_space<hbm>>) dst(%arg10 : memref<16xf32, #tpu.memory_space<vmem>>)
        tpu.yield
      }) : () -> ()
      %get3A_365 = arith.constant 0 : index
      %get3A_366 = tpu.vector_load %arg10[%get3A_365] {strides = array<i32>} : memref<16xf32, #tpu.memory_space<vmem>>, vector<16xf32>,
      "tpu.region"() ({
        %run_scoped3A = tpu.sem_alloc : memref<!tpu.dma_semaphore, #tpu.memory_space<semaphore_mem>>
        %dma_start3A_715 = arith.constant 16 : i32
        %dma_start3A_716 = tpu.memref_slice %arg8[%dma_start3A_715] : memref<256xf32, #tpu.memory_space<hbm>> -> memref<16xf32, #tpu.memory_space<hbm>>
        %dma_start3A_717 = arith.constant 16 : i32
        %dma_start3A_718 = tpu.memref_slice %arg8[%dma_start3A_717] : memref<256xf32, #tpu.memory_space<hbm>> -> memref<16xf32, #tpu.memory_space<hbm>>
        tpu.enqueue_dma source(%dma_start3A_718 : memref<16xf32, #tpu.memory_space<hbm>>) target(%arg10 : memref<16xf32, #tpu.memory_space<vmem>>) target_semaphore(%run_scoped3A : memref<!tpu.dma_semaphore, #tpu.memory_space<semaphore_mem>>)
        %dma_wait3A_719 = arith.constant 16 : i32
        %dma_wait3A_720 = tpu.memref_slice %arg8[%dma_wait3A_719] : memref<256xf32, #tpu.memory_space<hbm>> -> memref<16xf32, #tpu.memory_space<hbm>>
        %dma_wait3A_721 = arith.constant 16 : i32
        %dma_wait3A_722 = tpu.memref_slice %arg8[%dma_wait3A_721] : memref<256xf32, #tpu.memory_space<hbm>> -> memref<16xf32, #tpu.memory_space<hbm>>
        tpu.wait_dma2 semaphore(%run_scoped3A : memref<!tpu.dma_semaphore, #tpu.memory_space<semaphore_mem>>) src(%dma_wait3A_722 : memref<16xf32, #tpu.memory_space<hbm>>) dst(%arg10 : memref<16xf32, #tpu.memory_space<vmem>>)
        tpu.yield
      }) : () -> ()
      %get3A_367 = arith.constant 0 : index
      %get3A_368 = tpu.vector_load %arg10[%get3A_367] {strides = array<i32>} : memref<16xf32, #tpu.memory_space<vmem>>, vector<16xf32>,
      %convert_element_type3A_369 = arith.fptosi %get3A_368 : vector<16xf32> to vector<16xi32>
      "tpu.region"() ({
        %run_scoped3A = tpu.sem_alloc : memref<!tpu.dma_semaphore, #tpu.memory_space<semaphore_mem>>
        %dma_start3A_715 = arith.constant 32 : i32
        %dma_start3A_716 = tpu.memref_slice %arg7[%dma_start3A_715] : memref<256xf32, #tpu.memory_space<hbm>> -> memref<16xf32, #tpu.memory_space<hbm>>
        %dma_start3A_717 = arith.constant 32 : i32
        %dma_start3A_718 = tpu.memref_slice %arg7[%dma_start3A_717] : memref<256xf32, #tpu.memory_space<hbm>> -> memref<16xf32, #tpu.memory_space<hbm>>
        tpu.enqueue_dma source(%dma_start3A_718 : memref<16xf32, #tpu.memory_space<hbm>>) target(%arg10 : memref<16xf32, #tpu.memory_space<vmem>>) target_semaphore(%run_scoped3A : memref<!tpu.dma_semaphore, #tpu.memory_space<semaphore_mem>>)
        %dma_wait3A_719 = arith.constant 32 : i32
        %dma_wait3A_720 = tpu.memref_slice %arg7[%dma_wait3A_719] : memref<256xf32, #tpu.memory_space<hbm>> -> memref<16xf32, #tpu.memory_space<hbm>>
        %dma_wait3A_721 = arith.constant 32 : i32
        %dma_wait3A_722 = tpu.memref_slice %arg7[%dma_wait3A_721] : memref<256xf32, #tpu.memory_space<hbm>> -> memref<16xf32, #tpu.memory_space<hbm>>
        tpu.wait_dma2 semaphore(%run_scoped3A : memref<!tpu.dma_semaphore, #tpu.memory_space<semaphore_mem>>) src(%dma_wait3A_722 : memref<16xf32, #tpu.memory_space<hbm>>) dst(%arg10 : memref<16xf32, #tpu.memory_space<vmem>>)
        tpu.yield
      }) : () -> ()
      %get3A_370 = arith.constant 0 : index
      %get3A_371 = tpu.vector_load %arg10[%get3A_370] {strides = array<i32>} : memref<16xf32, #tpu.memory_space<vmem>>, vector<16xf32>,
      "tpu.region"() ({
        %run_scoped3A = tpu.sem_alloc : memref<!tpu.dma_semaphore, #tpu.memory_space<semaphore_mem>>
        %dma_start3A_715 = arith.constant 32 : i32
        %dma_start3A_716 = tpu.memref_slice %arg8[%dma_start3A_715] : memref<256xf32, #tpu.memory_space<hbm>> -> memref<16xf32, #tpu.memory_space<hbm>>
        %dma_start3A_717 = arith.constant 32 : i32
        %dma_start3A_718 = tpu.memref_slice %arg8[%dma_start3A_717] : memref<256xf32, #tpu.memory_space<hbm>> -> memref<16xf32, #tpu.memory_space<hbm>>
        tpu.enqueue_dma source(%dma_start3A_718 : memref<16xf32, #tpu.memory_space<hbm>>) target(%arg10 : memref<16xf32, #tpu.memory_space<vmem>>) target_semaphore(%run_scoped3A : memref<!tpu.dma_semaphore, #tpu.memory_space<semaphore_mem>>)
        %dma_wait3A_719 = arith.constant 32 : i32
        %dma_wait3A_720 = tpu.memref_slice %arg8[%dma_wait3A_719] : memref<256xf32, #tpu.memory_space<hbm>> -> memref<16xf32, #tpu.memory_space<hbm>>
        %dma_wait3A_721 = arith.constant 32 : i32
        %dma_wait3A_722 = tpu.memref_slice %arg8[%dma_wait3A_721] : memref<256xf32, #tpu.memory_space<hbm>> -> memref<16xf32, #tpu.memory_space<hbm>>
        tpu.wait_dma2 semaphore(%run_scoped3A : memref<!tpu.dma_semaphore, #tpu.memory_space<semaphore_mem>>) src(%dma_wait3A_722 : memref<16xf32, #tpu.memory_space<hbm>>) dst(%arg10 : memref<16xf32, #tpu.memory_space<vmem>>)
        tpu.yield
      }) : () -> ()
      %get3A_372 = arith.constant 0 : index
      %get3A_373 = tpu.vector_load %arg10[%get3A_372] {strides = array<i32>} : memref<16xf32, #tpu.memory_space<vmem>>, vector<16xf32>,
      %convert_element_type3A_374 = arith.fptosi %get3A_373 : vector<16xf32> to vector<16xi32>
      "tpu.region"() ({
        %run_scoped3A = tpu.sem_alloc : memref<!tpu.dma_semaphore, #tpu.memory_space<semaphore_mem>>
        %dma_start3A_715 = arith.constant 48 : i32
        %dma_start3A_716 = tpu.memref_slice %arg7[%dma_start3A_715] : memref<256xf32, #tpu.memory_space<hbm>> -> memref<16xf32, #tpu.memory_space<hbm>>
        %dma_start3A_717 = arith.constant 48 : i32
        %dma_start3A_718 = tpu.memref_slice %arg7[%dma_start3A_717] : memref<256xf32, #tpu.memory_space<hbm>> -> memref<16xf32, #tpu.memory_space<hbm>>
        tpu.enqueue_dma source(%dma_start3A_718 : memref<16xf32, #tpu.memory_space<hbm>>) target(%arg10 : memref<16xf32, #tpu.memory_space<vmem>>) target_semaphore(%run_scoped3A : memref<!tpu.dma_semaphore, #tpu.memory_space<semaphore_mem>>)
        %dma_wait3A_719 = arith.constant 48 : i32
        %dma_wait3A_720 = tpu.memref_slice %arg7[%dma_wait3A_719] : memref<256xf32, #tpu.memory_space<hbm>> -> memref<16xf32, #tpu.memory_space<hbm>>
        %dma_wait3A_721 = arith.constant 48 : i32
        %dma_wait3A_722 = tpu.memref_slice %arg7[%dma_wait3A_721] : memref<256xf32, #tpu.memory_space<hbm>> -> memref<16xf32, #tpu.memory_space<hbm>>
        tpu.wait_dma2 semaphore(%run_scoped3A : memref<!tpu.dma_semaphore, #tpu.memory_space<semaphore_mem>>) src(%dma_wait3A_722 : memref<16xf32, #tpu.memory_space<hbm>>) dst(%arg10 : memref<16xf32, #tpu.memory_space<vmem>>)
        tpu.yield
      }) : () -> ()
      %get3A_375 = arith.constant 0 : index
      %get3A_376 = tpu.vector_load %arg10[%get3A_375] {strides = array<i32>} : memref<16xf32, #tpu.memory_space<vmem>>, vector<16xf32>,
      "tpu.region"() ({
        %run_scoped3A = tpu.sem_alloc : memref<!tpu.dma_semaphore, #tpu.memory_space<semaphore_mem>>
        %dma_start3A_715 = arith.constant 48 : i32
        %dma_start3A_716 = tpu.memref_slice %arg8[%dma_start3A_715] : memref<256xf32, #tpu.memory_space<hbm>> -> memref<16xf32, #tpu.memory_space<hbm>>
        %dma_start3A_717 = arith.constant 48 : i32
        %dma_start3A_718 = tpu.memref_slice %arg8[%dma_start3A_717] : memref<256xf32, #tpu.memory_space<hbm>> -> memref<16xf32, #tpu.memory_space<hbm>>
        tpu.enqueue_dma source(%dma_start3A_718 : memref<16xf32, #tpu.memory_space<hbm>>) target(%arg10 : memref<16xf32, #tpu.memory_space<vmem>>) target_semaphore(%run_scoped3A : memref<!tpu.dma_semaphore, #tpu.memory_space<semaphore_mem>>)
        %dma_wait3A_719 = arith.constant 48 : i32
        %dma_wait3A_720 = tpu.memref_slice %arg8[%dma_wait3A_719] : memref<256xf32, #tpu.memory_space<hbm>> -> memref<16xf32, #tpu.memory_space<hbm>>
        %dma_wait3A_721 = arith.constant 48 : i32
        %dma_wait3A_722 = tpu.memref_slice %arg8[%dma_wait3A_721] : memref<256xf32, #tpu.memory_space<hbm>> -> memref<16xf32, #tpu.memory_space<hbm>>
        tpu.wait_dma2 semaphore(%run_scoped3A : memref<!tpu.dma_semaphore, #tpu.memory_space<semaphore_mem>>) src(%dma_wait3A_722 : memref<16xf32, #tpu.memory_space<hbm>>) dst(%arg10 : memref<16xf32, #tpu.memory_space<vmem>>)
        tpu.yield
      }) : () -> ()
      %get3A_377 = arith.constant 0 : index
      %get3A_378 = tpu.vector_load %arg10[%get3A_377] {strides = array<i32>} : memref<16xf32, #tpu.memory_space<vmem>>, vector<16xf32>,
      %convert_element_type3A_379 = arith.fptosi %get3A_378 : vector<16xf32> to vector<16xi32>
      "tpu.region"() ({
        %run_scoped3A = tpu.sem_alloc : memref<!tpu.dma_semaphore, #tpu.memory_space<semaphore_mem>>
        %dma_start3A_715 = arith.constant 64 : i32
        %dma_start3A_716 = tpu.memref_slice %arg7[%dma_start3A_715] : memref<256xf32, #tpu.memory_space<hbm>> -> memref<16xf32, #tpu.memory_space<hbm>>
        %dma_start3A_717 = arith.constant 64 : i32
        %dma_start3A_718 = tpu.memref_slice %arg7[%dma_start3A_717] : memref<256xf32, #tpu.memory_space<hbm>> -> memref<16xf32, #tpu.memory_space<hbm>>
        tpu.enqueue_dma source(%dma_start3A_718 : memref<16xf32, #tpu.memory_space<hbm>>) target(%arg10 : memref<16xf32, #tpu.memory_space<vmem>>) target_semaphore(%run_scoped3A : memref<!tpu.dma_semaphore, #tpu.memory_space<semaphore_mem>>)
        %dma_wait3A_719 = arith.constant 64 : i32
        %dma_wait3A_720 = tpu.memref_slice %arg7[%dma_wait3A_719] : memref<256xf32, #tpu.memory_space<hbm>> -> memref<16xf32, #tpu.memory_space<hbm>>
        %dma_wait3A_721 = arith.constant 64 : i32
        %dma_wait3A_722 = tpu.memref_slice %arg7[%dma_wait3A_721] : memref<256xf32, #tpu.memory_space<hbm>> -> memref<16xf32, #tpu.memory_space<hbm>>
        tpu.wait_dma2 semaphore(%run_scoped3A : memref<!tpu.dma_semaphore, #tpu.memory_space<semaphore_mem>>) src(%dma_wait3A_722 : memref<16xf32, #tpu.memory_space<hbm>>) dst(%arg10 : memref<16xf32, #tpu.memory_space<vmem>>)
        tpu.yield
      }) : () -> ()
      %get3A_380 = arith.constant 0 : index
      %get3A_381 = tpu.vector_load %arg10[%get3A_380] {strides = array<i32>} : memref<16xf32, #tpu.memory_space<vmem>>, vector<16xf32>,
      "tpu.region"() ({
        %run_scoped3A = tpu.sem_alloc : memref<!tpu.dma_semaphore, #tpu.memory_space<semaphore_mem>>
        %dma_start3A_715 = arith.constant 64 : i32
        %dma_start3A_716 = tpu.memref_slice %arg8[%dma_start3A_715] : memref<256xf32, #tpu.memory_space<hbm>> -> memref<16xf32, #tpu.memory_space<hbm>>
        %dma_start3A_717 = arith.constant 64 : i32
        %dma_start3A_718 = tpu.memref_slice %arg8[%dma_start3A_717] : memref<256xf32, #tpu.memory_space<hbm>> -> memref<16xf32, #tpu.memory_space<hbm>>
        tpu.enqueue_dma source(%dma_start3A_718 : memref<16xf32, #tpu.memory_space<hbm>>) target(%arg10 : memref<16xf32, #tpu.memory_space<vmem>>) target_semaphore(%run_scoped3A : memref<!tpu.dma_semaphore, #tpu.memory_space<semaphore_mem>>)
        %dma_wait3A_719 = arith.constant 64 : i32
        %dma_wait3A_720 = tpu.memref_slice %arg8[%dma_wait3A_719] : memref<256xf32, #tpu.memory_space<hbm>> -> memref<16xf32, #tpu.memory_space<hbm>>
        %dma_wait3A_721 = arith.constant 64 : i32
        %dma_wait3A_722 = tpu.memref_slice %arg8[%dma_wait3A_721] : memref<256xf32, #tpu.memory_space<hbm>> -> memref<16xf32, #tpu.memory_space<hbm>>
        tpu.wait_dma2 semaphore(%run_scoped3A : memref<!tpu.dma_semaphore, #tpu.memory_space<semaphore_mem>>) src(%dma_wait3A_722 : memref<16xf32, #tpu.memory_space<hbm>>) dst(%arg10 : memref<16xf32, #tpu.memory_space<vmem>>)
        tpu.yield
      }) : () -> ()
      %get3A_382 = arith.constant 0 : index
      %get3A_383 = tpu.vector_load %arg10[%get3A_382] {strides = array<i32>} : memref<16xf32, #tpu.memory_space<vmem>>, vector<16xf32>,
      %convert_element_type3A_384 = arith.fptosi %get3A_383 : vector<16xf32> to vector<16xi32>
      "tpu.region"() ({
        %run_scoped3A = tpu.sem_alloc : memref<!tpu.dma_semaphore, #tpu.memory_space<semaphore_mem>>
        %dma_start3A_715 = arith.constant 80 : i32
        %dma_start3A_716 = tpu.memref_slice %arg7[%dma_start3A_715] : memref<256xf32, #tpu.memory_space<hbm>> -> memref<16xf32, #tpu.memory_space<hbm>>
        %dma_start3A_717 = arith.constant 80 : i32
        %dma_start3A_718 = tpu.memref_slice %arg7[%dma_start3A_717] : memref<256xf32, #tpu.memory_space<hbm>> -> memref<16xf32, #tpu.memory_space<hbm>>
        tpu.enqueue_dma source(%dma_start3A_718 : memref<16xf32, #tpu.memory_space<hbm>>) target(%arg10 : memref<16xf32, #tpu.memory_space<vmem>>) target_semaphore(%run_scoped3A : memref<!tpu.dma_semaphore, #tpu.memory_space<semaphore_mem>>)
        %dma_wait3A_719 = arith.constant 80 : i32
        %dma_wait3A_720 = tpu.memref_slice %arg7[%dma_wait3A_719] : memref<256xf32, #tpu.memory_space<hbm>> -> memref<16xf32, #tpu.memory_space<hbm>>
        %dma_wait3A_721 = arith.constant 80 : i32
        %dma_wait3A_722 = tpu.memref_slice %arg7[%dma_wait3A_721] : memref<256xf32, #tpu.memory_space<hbm>> -> memref<16xf32, #tpu.memory_space<hbm>>
        tpu.wait_dma2 semaphore(%run_scoped3A : memref<!tpu.dma_semaphore, #tpu.memory_space<semaphore_mem>>) src(%dma_wait3A_722 : memref<16xf32, #tpu.memory_space<hbm>>) dst(%arg10 : memref<16xf32, #tpu.memory_space<vmem>>)
        tpu.yield
      }) : () -> ()
      %get3A_385 = arith.constant 0 : index
      %get3A_386 = tpu.vector_load %arg10[%get3A_385] {strides = array<i32>} : memref<16xf32, #tpu.memory_space<vmem>>, vector<16xf32>,
      "tpu.region"() ({
        %run_scoped3A = tpu.sem_alloc : memref<!tpu.dma_semaphore, #tpu.memory_space<semaphore_mem>>
        %dma_start3A_715 = arith.constant 80 : i32
        %dma_start3A_716 = tpu.memref_slice %arg8[%dma_start3A_715] : memref<256xf32, #tpu.memory_space<hbm>> -> memref<16xf32, #tpu.memory_space<hbm>>
        %dma_start3A_717 = arith.constant 80 : i32
        %dma_start3A_718 = tpu.memref_slice %arg8[%dma_start3A_717] : memref<256xf32, #tpu.memory_space<hbm>> -> memref<16xf32, #tpu.memory_space<hbm>>
        tpu.enqueue_dma source(%dma_start3A_718 : memref<16xf32, #tpu.memory_space<hbm>>) target(%arg10 : memref<16xf32, #tpu.memory_space<vmem>>) target_semaphore(%run_scoped3A : memref<!tpu.dma_semaphore, #tpu.memory_space<semaphore_mem>>)
        %dma_wait3A_719 = arith.constant 80 : i32
        %dma_wait3A_720 = tpu.memref_slice %arg8[%dma_wait3A_719] : memref<256xf32, #tpu.memory_space<hbm>> -> memref<16xf32, #tpu.memory_space<hbm>>
        %dma_wait3A_721 = arith.constant 80 : i32
        %dma_wait3A_722 = tpu.memref_slice %arg8[%dma_wait3A_721] : memref<256xf32, #tpu.memory_space<hbm>> -> memref<16xf32, #tpu.memory_space<hbm>>
        tpu.wait_dma2 semaphore(%run_scoped3A : memref<!tpu.dma_semaphore, #tpu.memory_space<semaphore_mem>>) src(%dma_wait3A_722 : memref<16xf32, #tpu.memory_space<hbm>>) dst(%arg10 : memref<16xf32, #tpu.memory_space<vmem>>)
        tpu.yield
      }) : () -> ()
      %get3A_387 = arith.constant 0 : index
      %get3A_388 = tpu.vector_load %arg10[%get3A_387] {strides = array<i32>} : memref<16xf32, #tpu.memory_space<vmem>>, vector<16xf32>,
      %convert_element_type3A_389 = arith.fptosi %get3A_388 : vector<16xf32> to vector<16xi32>
      "tpu.region"() ({
        %run_scoped3A = tpu.sem_alloc : memref<!tpu.dma_semaphore, #tpu.memory_space<semaphore_mem>>
        %dma_start3A_715 = arith.constant 96 : i32
        %dma_start3A_716 = tpu.memref_slice %arg7[%dma_start3A_715] : memref<256xf32, #tpu.memory_space<hbm>> -> memref<16xf32, #tpu.memory_space<hbm>>
        %dma_start3A_717 = arith.constant 96 : i32
        %dma_start3A_718 = tpu.memref_slice %arg7[%dma_start3A_717] : memref<256xf32, #tpu.memory_space<hbm>> -> memref<16xf32, #tpu.memory_space<hbm>>
        tpu.enqueue_dma source(%dma_start3A_718 : memref<16xf32, #tpu.memory_space<hbm>>) target(%arg10 : memref<16xf32, #tpu.memory_space<vmem>>) target_semaphore(%run_scoped3A : memref<!tpu.dma_semaphore, #tpu.memory_space<semaphore_mem>>)
        %dma_wait3A_719 = arith.constant 96 : i32
        %dma_wait3A_720 = tpu.memref_slice %arg7[%dma_wait3A_719] : memref<256xf32, #tpu.memory_space<hbm>> -> memref<16xf32, #tpu.memory_space<hbm>>
        %dma_wait3A_721 = arith.constant 96 : i32
        %dma_wait3A_722 = tpu.memref_slice %arg7[%dma_wait3A_721] : memref<256xf32, #tpu.memory_space<hbm>> -> memref<16xf32, #tpu.memory_space<hbm>>
        tpu.wait_dma2 semaphore(%run_scoped3A : memref<!tpu.dma_semaphore, #tpu.memory_space<semaphore_mem>>) src(%dma_wait3A_722 : memref<16xf32, #tpu.memory_space<hbm>>) dst(%arg10 : memref<16xf32, #tpu.memory_space<vmem>>)
        tpu.yield
      }) : () -> ()
      %get3A_390 = arith.constant 0 : index
      %get3A_391 = tpu.vector_load %arg10[%get3A_390] {strides = array<i32>} : memref<16xf32, #tpu.memory_space<vmem>>, vector<16xf32>,
      "tpu.region"() ({
        %run_scoped3A = tpu.sem_alloc : memref<!tpu.dma_semaphore, #tpu.memory_space<semaphore_mem>>
        %dma_start3A_715 = arith.constant 96 : i32
        %dma_start3A_716 = tpu.memref_slice %arg8[%dma_start3A_715] : memref<256xf32, #tpu.memory_space<hbm>> -> memref<16xf32, #tpu.memory_space<hbm>>
        %dma_start3A_717 = arith.constant 96 : i32
        %dma_start3A_718 = tpu.memref_slice %arg8[%dma_start3A_717] : memref<256xf32, #tpu.memory_space<hbm>> -> memref<16xf32, #tpu.memory_space<hbm>>
        tpu.enqueue_dma source(%dma_start3A_718 : memref<16xf32, #tpu.memory_space<hbm>>) target(%arg10 : memref<16xf32, #tpu.memory_space<vmem>>) target_semaphore(%run_scoped3A : memref<!tpu.dma_semaphore, #tpu.memory_space<semaphore_mem>>)
        %dma_wait3A_719 = arith.constant 96 : i32
        %dma_wait3A_720 = tpu.memref_slice %arg8[%dma_wait3A_719] : memref<256xf32, #tpu.memory_space<hbm>> -> memref<16xf32, #tpu.memory_space<hbm>>
        %dma_wait3A_721 = arith.constant 96 : i32
        %dma_wait3A_722 = tpu.memref_slice %arg8[%dma_wait3A_721] : memref<256xf32, #tpu.memory_space<hbm>> -> memref<16xf32, #tpu.memory_space<hbm>>
        tpu.wait_dma2 semaphore(%run_scoped3A : memref<!tpu.dma_semaphore, #tpu.memory_space<semaphore_mem>>) src(%dma_wait3A_722 : memref<16xf32, #tpu.memory_space<hbm>>) dst(%arg10 : memref<16xf32, #tpu.memory_space<vmem>>)
        tpu.yield
      }) : () -> ()
      %get3A_392 = arith.constant 0 : index
      %get3A_393 = tpu.vector_load %arg10[%get3A_392] {strides = array<i32>} : memref<16xf32, #tpu.memory_space<vmem>>, vector<16xf32>,
      %convert_element_type3A_394 = arith.fptosi %get3A_393 : vector<16xf32> to vector<16xi32>
      "tpu.region"() ({
        %run_scoped3A = tpu.sem_alloc : memref<!tpu.dma_semaphore, #tpu.memory_space<semaphore_mem>>
        %dma_start3A_715 = arith.constant 112 : i32
        %dma_start3A_716 = tpu.memref_slice %arg7[%dma_start3A_715] : memref<256xf32, #tpu.memory_space<hbm>> -> memref<16xf32, #tpu.memory_space<hbm>>
        %dma_start3A_717 = arith.constant 112 : i32
        %dma_start3A_718 = tpu.memref_slice %arg7[%dma_start3A_717] : memref<256xf32, #tpu.memory_space<hbm>> -> memref<16xf32, #tpu.memory_space<hbm>>
        tpu.enqueue_dma source(%dma_start3A_718 : memref<16xf32, #tpu.memory_space<hbm>>) target(%arg10 : memref<16xf32, #tpu.memory_space<vmem>>) target_semaphore(%run_scoped3A : memref<!tpu.dma_semaphore, #tpu.memory_space<semaphore_mem>>)
        %dma_wait3A_719 = arith.constant 112 : i32
        %dma_wait3A_720 = tpu.memref_slice %arg7[%dma_wait3A_719] : memref<256xf32, #tpu.memory_space<hbm>> -> memref<16xf32, #tpu.memory_space<hbm>>
        %dma_wait3A_721 = arith.constant 112 : i32
        %dma_wait3A_722 = tpu.memref_slice %arg7[%dma_wait3A_721] : memref<256xf32, #tpu.memory_space<hbm>> -> memref<16xf32, #tpu.memory_space<hbm>>
        tpu.wait_dma2 semaphore(%run_scoped3A : memref<!tpu.dma_semaphore, #tpu.memory_space<semaphore_mem>>) src(%dma_wait3A_722 : memref<16xf32, #tpu.memory_space<hbm>>) dst(%arg10 : memref<16xf32, #tpu.memory_space<vmem>>)
        tpu.yield
      }) : () -> ()
      %get3A_395 = arith.constant 0 : index
      %get3A_396 = tpu.vector_load %arg10[%get3A_395] {strides = array<i32>} : memref<16xf32, #tpu.memory_space<vmem>>, vector<16xf32>,
      "tpu.region"() ({
        %run_scoped3A = tpu.sem_alloc : memref<!tpu.dma_semaphore, #tpu.memory_space<semaphore_mem>>
        %dma_start3A_715 = arith.constant 112 : i32
        %dma_start3A_716 = tpu.memref_slice %arg8[%dma_start3A_715] : memref<256xf32, #tpu.memory_space<hbm>> -> memref<16xf32, #tpu.memory_space<hbm>>
        %dma_start3A_717 = arith.constant 112 : i32
        %dma_start3A_718 = tpu.memref_slice %arg8[%dma_start3A_717] : memref<256xf32, #tpu.memory_space<hbm>> -> memref<16xf32, #tpu.memory_space<hbm>>
        tpu.enqueue_dma source(%dma_start3A_718 : memref<16xf32, #tpu.memory_space<hbm>>) target(%arg10 : memref<16xf32, #tpu.memory_space<vmem>>) target_semaphore(%run_scoped3A : memref<!tpu.dma_semaphore, #tpu.memory_space<semaphore_mem>>)
        %dma_wait3A_719 = arith.constant 112 : i32
        %dma_wait3A_720 = tpu.memref_slice %arg8[%dma_wait3A_719] : memref<256xf32, #tpu.memory_space<hbm>> -> memref<16xf32, #tpu.memory_space<hbm>>
        %dma_wait3A_721 = arith.constant 112 : i32
        %dma_wait3A_722 = tpu.memref_slice %arg8[%dma_wait3A_721] : memref<256xf32, #tpu.memory_space<hbm>> -> memref<16xf32, #tpu.memory_space<hbm>>
        tpu.wait_dma2 semaphore(%run_scoped3A : memref<!tpu.dma_semaphore, #tpu.memory_space<semaphore_mem>>) src(%dma_wait3A_722 : memref<16xf32, #tpu.memory_space<hbm>>) dst(%arg10 : memref<16xf32, #tpu.memory_space<vmem>>)
        tpu.yield
      }) : () -> ()
      %get3A_397 = arith.constant 0 : index
      %get3A_398 = tpu.vector_load %arg10[%get3A_397] {strides = array<i32>} : memref<16xf32, #tpu.memory_space<vmem>>, vector<16xf32>,
      %convert_element_type3A_399 = arith.fptosi %get3A_398 : vector<16xf32> to vector<16xi32>
      "tpu.region"() ({
        %run_scoped3A = tpu.sem_alloc : memref<!tpu.dma_semaphore, #tpu.memory_space<semaphore_mem>>
        %dma_start3A_715 = arith.constant 128 : i32
        %dma_start3A_716 = tpu.memref_slice %arg7[%dma_start3A_715] : memref<256xf32, #tpu.memory_space<hbm>> -> memref<16xf32, #tpu.memory_space<hbm>>
        %dma_start3A_717 = arith.constant 128 : i32
        %dma_start3A_718 = tpu.memref_slice %arg7[%dma_start3A_717] : memref<256xf32, #tpu.memory_space<hbm>> -> memref<16xf32, #tpu.memory_space<hbm>>
        tpu.enqueue_dma source(%dma_start3A_718 : memref<16xf32, #tpu.memory_space<hbm>>) target(%arg10 : memref<16xf32, #tpu.memory_space<vmem>>) target_semaphore(%run_scoped3A : memref<!tpu.dma_semaphore, #tpu.memory_space<semaphore_mem>>)
        %dma_wait3A_719 = arith.constant 128 : i32
        %dma_wait3A_720 = tpu.memref_slice %arg7[%dma_wait3A_719] : memref<256xf32, #tpu.memory_space<hbm>> -> memref<16xf32, #tpu.memory_space<hbm>>
        %dma_wait3A_721 = arith.constant 128 : i32
        %dma_wait3A_722 = tpu.memref_slice %arg7[%dma_wait3A_721] : memref<256xf32, #tpu.memory_space<hbm>> -> memref<16xf32, #tpu.memory_space<hbm>>
        tpu.wait_dma2 semaphore(%run_scoped3A : memref<!tpu.dma_semaphore, #tpu.memory_space<semaphore_mem>>) src(%dma_wait3A_722 : memref<16xf32, #tpu.memory_space<hbm>>) dst(%arg10 : memref<16xf32, #tpu.memory_space<vmem>>)
        tpu.yield
      }) : () -> ()
      %get3A_400 = arith.constant 0 : index
      %get3A_401 = tpu.vector_load %arg10[%get3A_400] {strides = array<i32>} : memref<16xf32, #tpu.memory_space<vmem>>, vector<16xf32>,
      "tpu.region"() ({
        %run_scoped3A = tpu.sem_alloc : memref<!tpu.dma_semaphore, #tpu.memory_space<semaphore_mem>>
        %dma_start3A_715 = arith.constant 128 : i32
        %dma_start3A_716 = tpu.memref_slice %arg8[%dma_start3A_715] : memref<256xf32, #tpu.memory_space<hbm>> -> memref<16xf32, #tpu.memory_space<hbm>>
        %dma_start3A_717 = arith.constant 128 : i32
        %dma_start3A_718 = tpu.memref_slice %arg8[%dma_start3A_717] : memref<256xf32, #tpu.memory_space<hbm>> -> memref<16xf32, #tpu.memory_space<hbm>>
        tpu.enqueue_dma source(%dma_start3A_718 : memref<16xf32, #tpu.memory_space<hbm>>) target(%arg10 : memref<16xf32, #tpu.memory_space<vmem>>) target_semaphore(%run_scoped3A : memref<!tpu.dma_semaphore, #tpu.memory_space<semaphore_mem>>)
        %dma_wait3A_719 = arith.constant 128 : i32
        %dma_wait3A_720 = tpu.memref_slice %arg8[%dma_wait3A_719] : memref<256xf32, #tpu.memory_space<hbm>> -> memref<16xf32, #tpu.memory_space<hbm>>
        %dma_wait3A_721 = arith.constant 128 : i32
        %dma_wait3A_722 = tpu.memref_slice %arg8[%dma_wait3A_721] : memref<256xf32, #tpu.memory_space<hbm>> -> memref<16xf32, #tpu.memory_space<hbm>>
        tpu.wait_dma2 semaphore(%run_scoped3A : memref<!tpu.dma_semaphore, #tpu.memory_space<semaphore_mem>>) src(%dma_wait3A_722 : memref<16xf32, #tpu.memory_space<hbm>>) dst(%arg10 : memref<16xf32, #tpu.memory_space<vmem>>)
        tpu.yield
      }) : () -> ()
      %get3A_402 = arith.constant 0 : index
      %get3A_403 = tpu.vector_load %arg10[%get3A_402] {strides = array<i32>} : memref<16xf32, #tpu.memory_space<vmem>>, vector<16xf32>,
      %convert_element_type3A_404 = arith.fptosi %get3A_403 : vector<16xf32> to vector<16xi32>
      "tpu.region"() ({
        %run_scoped3A = tpu.sem_alloc : memref<!tpu.dma_semaphore, #tpu.memory_space<semaphore_mem>>
        %dma_start3A_715 = arith.constant 144 : i32
        %dma_start3A_716 = tpu.memref_slice %arg7[%dma_start3A_715] : memref<256xf32, #tpu.memory_space<hbm>> -> memref<16xf32, #tpu.memory_space<hbm>>
        %dma_start3A_717 = arith.constant 144 : i32
        %dma_start3A_718 = tpu.memref_slice %arg7[%dma_start3A_717] : memref<256xf32, #tpu.memory_space<hbm>> -> memref<16xf32, #tpu.memory_space<hbm>>
        tpu.enqueue_dma source(%dma_start3A_718 : memref<16xf32, #tpu.memory_space<hbm>>) target(%arg10 : memref<16xf32, #tpu.memory_space<vmem>>) target_semaphore(%run_scoped3A : memref<!tpu.dma_semaphore, #tpu.memory_space<semaphore_mem>>)
        %dma_wait3A_719 = arith.constant 144 : i32
        %dma_wait3A_720 = tpu.memref_slice %arg7[%dma_wait3A_719] : memref<256xf32, #tpu.memory_space<hbm>> -> memref<16xf32, #tpu.memory_space<hbm>>
        %dma_wait3A_721 = arith.constant 144 : i32
        %dma_wait3A_722 = tpu.memref_slice %arg7[%dma_wait3A_721] : memref<256xf32, #tpu.memory_space<hbm>> -> memref<16xf32, #tpu.memory_space<hbm>>
        tpu.wait_dma2 semaphore(%run_scoped3A : memref<!tpu.dma_semaphore, #tpu.memory_space<semaphore_mem>>) src(%dma_wait3A_722 : memref<16xf32, #tpu.memory_space<hbm>>) dst(%arg10 : memref<16xf32, #tpu.memory_space<vmem>>)
        tpu.yield
      }) : () -> ()
      %get3A_405 = arith.constant 0 : index
      %get3A_406 = tpu.vector_load %arg10[%get3A_405] {strides = array<i32>} : memref<16xf32, #tpu.memory_space<vmem>>, vector<16xf32>,
      "tpu.region"() ({
        %run_scoped3A = tpu.sem_alloc : memref<!tpu.dma_semaphore, #tpu.memory_space<semaphore_mem>>
        %dma_start3A_715 = arith.constant 144 : i32
        %dma_start3A_716 = tpu.memref_slice %arg8[%dma_start3A_715] : memref<256xf32, #tpu.memory_space<hbm>> -> memref<16xf32, #tpu.memory_space<hbm>>
        %dma_start3A_717 = arith.constant 144 : i32
        %dma_start3A_718 = tpu.memref_slice %arg8[%dma_start3A_717] : memref<256xf32, #tpu.memory_space<hbm>> -> memref<16xf32, #tpu.memory_space<hbm>>
        tpu.enqueue_dma source(%dma_start3A_718 : memref<16xf32, #tpu.memory_space<hbm>>) target(%arg10 : memref<16xf32, #tpu.memory_space<vmem>>) target_semaphore(%run_scoped3A : memref<!tpu.dma_semaphore, #tpu.memory_space<semaphore_mem>>)
        %dma_wait3A_719 = arith.constant 144 : i32
        %dma_wait3A_720 = tpu.memref_slice %arg8[%dma_wait3A_719] : memref<256xf32, #tpu.memory_space<hbm>> -> memref<16xf32, #tpu.memory_space<hbm>>
        %dma_wait3A_721 = arith.constant 144 : i32
        %dma_wait3A_722 = tpu.memref_slice %arg8[%dma_wait3A_721] : memref<256xf32, #tpu.memory_space<hbm>> -> memref<16xf32, #tpu.memory_space<hbm>>
        tpu.wait_dma2 semaphore(%run_scoped3A : memref<!tpu.dma_semaphore, #tpu.memory_space<semaphore_mem>>) src(%dma_wait3A_722 : memref<16xf32, #tpu.memory_space<hbm>>) dst(%arg10 : memref<16xf32, #tpu.memory_space<vmem>>)
        tpu.yield
      }) : () -> ()
      %get3A_407 = arith.constant 0 : index
      %get3A_408 = tpu.vector_load %arg10[%get3A_407] {strides = array<i32>} : memref<16xf32, #tpu.memory_space<vmem>>, vector<16xf32>,
      %convert_element_type3A_409 = arith.fptosi %get3A_408 : vector<16xf32> to vector<16xi32>
      "tpu.region"() ({
        %run_scoped3A = tpu.sem_alloc : memref<!tpu.dma_semaphore, #tpu.memory_space<semaphore_mem>>
        %dma_start3A_715 = arith.constant 160 : i32
        %dma_start3A_716 = tpu.memref_slice %arg7[%dma_start3A_715] : memref<256xf32, #tpu.memory_space<hbm>> -> memref<16xf32, #tpu.memory_space<hbm>>
        %dma_start3A_717 = arith.constant 160 : i32
        %dma_start3A_718 = tpu.memref_slice %arg7[%dma_start3A_717] : memref<256xf32, #tpu.memory_space<hbm>> -> memref<16xf32, #tpu.memory_space<hbm>>
        tpu.enqueue_dma source(%dma_start3A_718 : memref<16xf32, #tpu.memory_space<hbm>>) target(%arg10 : memref<16xf32, #tpu.memory_space<vmem>>) target_semaphore(%run_scoped3A : memref<!tpu.dma_semaphore, #tpu.memory_space<semaphore_mem>>)
        %dma_wait3A_719 = arith.constant 160 : i32
        %dma_wait3A_720 = tpu.memref_slice %arg7[%dma_wait3A_719] : memref<256xf32, #tpu.memory_space<hbm>> -> memref<16xf32, #tpu.memory_space<hbm>>
        %dma_wait3A_721 = arith.constant 160 : i32
        %dma_wait3A_722 = tpu.memref_slice %arg7[%dma_wait3A_721] : memref<256xf32, #tpu.memory_space<hbm>> -> memref<16xf32, #tpu.memory_space<hbm>>
        tpu.wait_dma2 semaphore(%run_scoped3A : memref<!tpu.dma_semaphore, #tpu.memory_space<semaphore_mem>>) src(%dma_wait3A_722 : memref<16xf32, #tpu.memory_space<hbm>>) dst(%arg10 : memref<16xf32, #tpu.memory_space<vmem>>)
        tpu.yield
      }) : () -> ()
      %get3A_410 = arith.constant 0 : index
      %get3A_411 = tpu.vector_load %arg10[%get3A_410] {strides = array<i32>} : memref<16xf32, #tpu.memory_space<vmem>>, vector<16xf32>,
      "tpu.region"() ({
        %run_scoped3A = tpu.sem_alloc : memref<!tpu.dma_semaphore, #tpu.memory_space<semaphore_mem>>
        %dma_start3A_715 = arith.constant 160 : i32
        %dma_start3A_716 = tpu.memref_slice %arg8[%dma_start3A_715] : memref<256xf32, #tpu.memory_space<hbm>> -> memref<16xf32, #tpu.memory_space<hbm>>
        %dma_start3A_717 = arith.constant 160 : i32
        %dma_start3A_718 = tpu.memref_slice %arg8[%dma_start3A_717] : memref<256xf32, #tpu.memory_space<hbm>> -> memref<16xf32, #tpu.memory_space<hbm>>
        tpu.enqueue_dma source(%dma_start3A_718 : memref<16xf32, #tpu.memory_space<hbm>>) target(%arg10 : memref<16xf32, #tpu.memory_space<vmem>>) target_semaphore(%run_scoped3A : memref<!tpu.dma_semaphore, #tpu.memory_space<semaphore_mem>>)
        %dma_wait3A_719 = arith.constant 160 : i32
        %dma_wait3A_720 = tpu.memref_slice %arg8[%dma_wait3A_719] : memref<256xf32, #tpu.memory_space<hbm>> -> memref<16xf32, #tpu.memory_space<hbm>>
        %dma_wait3A_721 = arith.constant 160 : i32
        %dma_wait3A_722 = tpu.memref_slice %arg8[%dma_wait3A_721] : memref<256xf32, #tpu.memory_space<hbm>> -> memref<16xf32, #tpu.memory_space<hbm>>
        tpu.wait_dma2 semaphore(%run_scoped3A : memref<!tpu.dma_semaphore, #tpu.memory_space<semaphore_mem>>) src(%dma_wait3A_722 : memref<16xf32, #tpu.memory_space<hbm>>) dst(%arg10 : memref<16xf32, #tpu.memory_space<vmem>>)
        tpu.yield
      }) : () -> ()
      %get3A_412 = arith.constant 0 : index
      %get3A_413 = tpu.vector_load %arg10[%get3A_412] {strides = array<i32>} : memref<16xf32, #tpu.memory_space<vmem>>, vector<16xf32>,
      %convert_element_type3A_414 = arith.fptosi %get3A_413 : vector<16xf32> to vector<16xi32>
      "tpu.region"() ({
        %run_scoped3A = tpu.sem_alloc : memref<!tpu.dma_semaphore, #tpu.memory_space<semaphore_mem>>
        %dma_start3A_715 = arith.constant 176 : i32
        %dma_start3A_716 = tpu.memref_slice %arg7[%dma_start3A_715] : memref<256xf32, #tpu.memory_space<hbm>> -> memref<16xf32, #tpu.memory_space<hbm>>
        %dma_start3A_717 = arith.constant 176 : i32
        %dma_start3A_718 = tpu.memref_slice %arg7[%dma_start3A_717] : memref<256xf32, #tpu.memory_space<hbm>> -> memref<16xf32, #tpu.memory_space<hbm>>
        tpu.enqueue_dma source(%dma_start3A_718 : memref<16xf32, #tpu.memory_space<hbm>>) target(%arg10 : memref<16xf32, #tpu.memory_space<vmem>>) target_semaphore(%run_scoped3A : memref<!tpu.dma_semaphore, #tpu.memory_space<semaphore_mem>>)
        %dma_wait3A_719 = arith.constant 176 : i32
        %dma_wait3A_720 = tpu.memref_slice %arg7[%dma_wait3A_719] : memref<256xf32, #tpu.memory_space<hbm>> -> memref<16xf32, #tpu.memory_space<hbm>>
        %dma_wait3A_721 = arith.constant 176 : i32
        %dma_wait3A_722 = tpu.memref_slice %arg7[%dma_wait3A_721] : memref<256xf32, #tpu.memory_space<hbm>> -> memref<16xf32, #tpu.memory_space<hbm>>
        tpu.wait_dma2 semaphore(%run_scoped3A : memref<!tpu.dma_semaphore, #tpu.memory_space<semaphore_mem>>) src(%dma_wait3A_722 : memref<16xf32, #tpu.memory_space<hbm>>) dst(%arg10 : memref<16xf32, #tpu.memory_space<vmem>>)
        tpu.yield
      }) : () -> ()
      %get3A_415 = arith.constant 0 : index
      %get3A_416 = tpu.vector_load %arg10[%get3A_415] {strides = array<i32>} : memref<16xf32, #tpu.memory_space<vmem>>, vector<16xf32>,
      "tpu.region"() ({
        %run_scoped3A = tpu.sem_alloc : memref<!tpu.dma_semaphore, #tpu.memory_space<semaphore_mem>>
        %dma_start3A_715 = arith.constant 176 : i32
        %dma_start3A_716 = tpu.memref_slice %arg8[%dma_start3A_715] : memref<256xf32, #tpu.memory_space<hbm>> -> memref<16xf32, #tpu.memory_space<hbm>>
        %dma_start3A_717 = arith.constant 176 : i32
        %dma_start3A_718 = tpu.memref_slice %arg8[%dma_start3A_717] : memref<256xf32, #tpu.memory_space<hbm>> -> memref<16xf32, #tpu.memory_space<hbm>>
        tpu.enqueue_dma source(%dma_start3A_718 : memref<16xf32, #tpu.memory_space<hbm>>) target(%arg10 : memref<16xf32, #tpu.memory_space<vmem>>) target_semaphore(%run_scoped3A : memref<!tpu.dma_semaphore, #tpu.memory_space<semaphore_mem>>)
        %dma_wait3A_719 = arith.constant 176 : i32
        %dma_wait3A_720 = tpu.memref_slice %arg8[%dma_wait3A_719] : memref<256xf32, #tpu.memory_space<hbm>> -> memref<16xf32, #tpu.memory_space<hbm>>
        %dma_wait3A_721 = arith.constant 176 : i32
        %dma_wait3A_722 = tpu.memref_slice %arg8[%dma_wait3A_721] : memref<256xf32, #tpu.memory_space<hbm>> -> memref<16xf32, #tpu.memory_space<hbm>>
        tpu.wait_dma2 semaphore(%run_scoped3A : memref<!tpu.dma_semaphore, #tpu.memory_space<semaphore_mem>>) src(%dma_wait3A_722 : memref<16xf32, #tpu.memory_space<hbm>>) dst(%arg10 : memref<16xf32, #tpu.memory_space<vmem>>)
        tpu.yield
      }) : () -> ()
      %get3A_417 = arith.constant 0 : index
      %get3A_418 = tpu.vector_load %arg10[%get3A_417] {strides = array<i32>} : memref<16xf32, #tpu.memory_space<vmem>>, vector<16xf32>,
      %convert_element_type3A_419 = arith.fptosi %get3A_418 : vector<16xf32> to vector<16xi32>
      "tpu.region"() ({
        %run_scoped3A = tpu.sem_alloc : memref<!tpu.dma_semaphore, #tpu.memory_space<semaphore_mem>>
        %dma_start3A_715 = arith.constant 192 : i32
        %dma_start3A_716 = tpu.memref_slice %arg7[%dma_start3A_715] : memref<256xf32, #tpu.memory_space<hbm>> -> memref<16xf32, #tpu.memory_space<hbm>>
        %dma_start3A_717 = arith.constant 192 : i32
        %dma_start3A_718 = tpu.memref_slice %arg7[%dma_start3A_717] : memref<256xf32, #tpu.memory_space<hbm>> -> memref<16xf32, #tpu.memory_space<hbm>>
        tpu.enqueue_dma source(%dma_start3A_718 : memref<16xf32, #tpu.memory_space<hbm>>) target(%arg10 : memref<16xf32, #tpu.memory_space<vmem>>) target_semaphore(%run_scoped3A : memref<!tpu.dma_semaphore, #tpu.memory_space<semaphore_mem>>)
        %dma_wait3A_719 = arith.constant 192 : i32
        %dma_wait3A_720 = tpu.memref_slice %arg7[%dma_wait3A_719] : memref<256xf32, #tpu.memory_space<hbm>> -> memref<16xf32, #tpu.memory_space<hbm>>
        %dma_wait3A_721 = arith.constant 192 : i32
        %dma_wait3A_722 = tpu.memref_slice %arg7[%dma_wait3A_721] : memref<256xf32, #tpu.memory_space<hbm>> -> memref<16xf32, #tpu.memory_space<hbm>>
        tpu.wait_dma2 semaphore(%run_scoped3A : memref<!tpu.dma_semaphore, #tpu.memory_space<semaphore_mem>>) src(%dma_wait3A_722 : memref<16xf32, #tpu.memory_space<hbm>>) dst(%arg10 : memref<16xf32, #tpu.memory_space<vmem>>)
        tpu.yield
      }) : () -> ()
      %get3A_420 = arith.constant 0 : index
      %get3A_421 = tpu.vector_load %arg10[%get3A_420] {strides = array<i32>} : memref<16xf32, #tpu.memory_space<vmem>>, vector<16xf32>,
      "tpu.region"() ({
        %run_scoped3A = tpu.sem_alloc : memref<!tpu.dma_semaphore, #tpu.memory_space<semaphore_mem>>
        %dma_start3A_715 = arith.constant 192 : i32
        %dma_start3A_716 = tpu.memref_slice %arg8[%dma_start3A_715] : memref<256xf32, #tpu.memory_space<hbm>> -> memref<16xf32, #tpu.memory_space<hbm>>
        %dma_start3A_717 = arith.constant 192 : i32
        %dma_start3A_718 = tpu.memref_slice %arg8[%dma_start3A_717] : memref<256xf32, #tpu.memory_space<hbm>> -> memref<16xf32, #tpu.memory_space<hbm>>
        tpu.enqueue_dma source(%dma_start3A_718 : memref<16xf32, #tpu.memory_space<hbm>>) target(%arg10 : memref<16xf32, #tpu.memory_space<vmem>>) target_semaphore(%run_scoped3A : memref<!tpu.dma_semaphore, #tpu.memory_space<semaphore_mem>>)
        %dma_wait3A_719 = arith.constant 192 : i32
        %dma_wait3A_720 = tpu.memref_slice %arg8[%dma_wait3A_719] : memref<256xf32, #tpu.memory_space<hbm>> -> memref<16xf32, #tpu.memory_space<hbm>>
        %dma_wait3A_721 = arith.constant 192 : i32
        %dma_wait3A_722 = tpu.memref_slice %arg8[%dma_wait3A_721] : memref<256xf32, #tpu.memory_space<hbm>> -> memref<16xf32, #tpu.memory_space<hbm>>
        tpu.wait_dma2 semaphore(%run_scoped3A : memref<!tpu.dma_semaphore, #tpu.memory_space<semaphore_mem>>) src(%dma_wait3A_722 : memref<16xf32, #tpu.memory_space<hbm>>) dst(%arg10 : memref<16xf32, #tpu.memory_space<vmem>>)
        tpu.yield
      }) : () -> ()
      %get3A_422 = arith.constant 0 : index
      %get3A_423 = tpu.vector_load %arg10[%get3A_422] {strides = array<i32>} : memref<16xf32, #tpu.memory_space<vmem>>, vector<16xf32>,
      %convert_element_type3A_424 = arith.fptosi %get3A_423 : vector<16xf32> to vector<16xi32>
      "tpu.region"() ({
        %run_scoped3A = tpu.sem_alloc : memref<!tpu.dma_semaphore, #tpu.memory_space<semaphore_mem>>
        %dma_start3A_715 = arith.constant 208 : i32
        %dma_start3A_716 = tpu.memref_slice %arg7[%dma_start3A_715] : memref<256xf32, #tpu.memory_space<hbm>> -> memref<16xf32, #tpu.memory_space<hbm>>
        %dma_start3A_717 = arith.constant 208 : i32
        %dma_start3A_718 = tpu.memref_slice %arg7[%dma_start3A_717] : memref<256xf32, #tpu.memory_space<hbm>> -> memref<16xf32, #tpu.memory_space<hbm>>
        tpu.enqueue_dma source(%dma_start3A_718 : memref<16xf32, #tpu.memory_space<hbm>>) target(%arg10 : memref<16xf32, #tpu.memory_space<vmem>>) target_semaphore(%run_scoped3A : memref<!tpu.dma_semaphore, #tpu.memory_space<semaphore_mem>>)
        %dma_wait3A_719 = arith.constant 208 : i32
        %dma_wait3A_720 = tpu.memref_slice %arg7[%dma_wait3A_719] : memref<256xf32, #tpu.memory_space<hbm>> -> memref<16xf32, #tpu.memory_space<hbm>>
        %dma_wait3A_721 = arith.constant 208 : i32
        %dma_wait3A_722 = tpu.memref_slice %arg7[%dma_wait3A_721] : memref<256xf32, #tpu.memory_space<hbm>> -> memref<16xf32, #tpu.memory_space<hbm>>
        tpu.wait_dma2 semaphore(%run_scoped3A : memref<!tpu.dma_semaphore, #tpu.memory_space<semaphore_mem>>) src(%dma_wait3A_722 : memref<16xf32, #tpu.memory_space<hbm>>) dst(%arg10 : memref<16xf32, #tpu.memory_space<vmem>>)
        tpu.yield
      }) : () -> ()
      %get3A_425 = arith.constant 0 : index
      %get3A_426 = tpu.vector_load %arg10[%get3A_425] {strides = array<i32>} : memref<16xf32, #tpu.memory_space<vmem>>, vector<16xf32>,
      "tpu.region"() ({
        %run_scoped3A = tpu.sem_alloc : memref<!tpu.dma_semaphore, #tpu.memory_space<semaphore_mem>>
        %dma_start3A_715 = arith.constant 208 : i32
        %dma_start3A_716 = tpu.memref_slice %arg8[%dma_start3A_715] : memref<256xf32, #tpu.memory_space<hbm>> -> memref<16xf32, #tpu.memory_space<hbm>>
        %dma_start3A_717 = arith.constant 208 : i32
        %dma_start3A_718 = tpu.memref_slice %arg8[%dma_start3A_717] : memref<256xf32, #tpu.memory_space<hbm>> -> memref<16xf32, #tpu.memory_space<hbm>>
        tpu.enqueue_dma source(%dma_start3A_718 : memref<16xf32, #tpu.memory_space<hbm>>) target(%arg10 : memref<16xf32, #tpu.memory_space<vmem>>) target_semaphore(%run_scoped3A : memref<!tpu.dma_semaphore, #tpu.memory_space<semaphore_mem>>)
        %dma_wait3A_719 = arith.constant 208 : i32
        %dma_wait3A_720 = tpu.memref_slice %arg8[%dma_wait3A_719] : memref<256xf32, #tpu.memory_space<hbm>> -> memref<16xf32, #tpu.memory_space<hbm>>
        %dma_wait3A_721 = arith.constant 208 : i32
        %dma_wait3A_722 = tpu.memref_slice %arg8[%dma_wait3A_721] : memref<256xf32, #tpu.memory_space<hbm>> -> memref<16xf32, #tpu.memory_space<hbm>>
        tpu.wait_dma2 semaphore(%run_scoped3A : memref<!tpu.dma_semaphore, #tpu.memory_space<semaphore_mem>>) src(%dma_wait3A_722 : memref<16xf32, #tpu.memory_space<hbm>>) dst(%arg10 : memref<16xf32, #tpu.memory_space<vmem>>)
        tpu.yield
      }) : () -> ()
      %get3A_427 = arith.constant 0 : index
      %get3A_428 = tpu.vector_load %arg10[%get3A_427] {strides = array<i32>} : memref<16xf32, #tpu.memory_space<vmem>>, vector<16xf32>,
      %convert_element_type3A_429 = arith.fptosi %get3A_428 : vector<16xf32> to vector<16xi32>
      "tpu.region"() ({
        %run_scoped3A = tpu.sem_alloc : memref<!tpu.dma_semaphore, #tpu.memory_space<semaphore_mem>>
        %dma_start3A_715 = arith.constant 224 : i32
        %dma_start3A_716 = tpu.memref_slice %arg7[%dma_start3A_715] : memref<256xf32, #tpu.memory_space<hbm>> -> memref<16xf32, #tpu.memory_space<hbm>>
        %dma_start3A_717 = arith.constant 224 : i32
        %dma_start3A_718 = tpu.memref_slice %arg7[%dma_start3A_717] : memref<256xf32, #tpu.memory_space<hbm>> -> memref<16xf32, #tpu.memory_space<hbm>>
        tpu.enqueue_dma source(%dma_start3A_718 : memref<16xf32, #tpu.memory_space<hbm>>) target(%arg10 : memref<16xf32, #tpu.memory_space<vmem>>) target_semaphore(%run_scoped3A : memref<!tpu.dma_semaphore, #tpu.memory_space<semaphore_mem>>)
        %dma_wait3A_719 = arith.constant 224 : i32
        %dma_wait3A_720 = tpu.memref_slice %arg7[%dma_wait3A_719] : memref<256xf32, #tpu.memory_space<hbm>> -> memref<16xf32, #tpu.memory_space<hbm>>
        %dma_wait3A_721 = arith.constant 224 : i32
        %dma_wait3A_722 = tpu.memref_slice %arg7[%dma_wait3A_721] : memref<256xf32, #tpu.memory_space<hbm>> -> memref<16xf32, #tpu.memory_space<hbm>>
        tpu.wait_dma2 semaphore(%run_scoped3A : memref<!tpu.dma_semaphore, #tpu.memory_space<semaphore_mem>>) src(%dma_wait3A_722 : memref<16xf32, #tpu.memory_space<hbm>>) dst(%arg10 : memref<16xf32, #tpu.memory_space<vmem>>)
        tpu.yield
      }) : () -> ()
      %get3A_430 = arith.constant 0 : index
      %get3A_431 = tpu.vector_load %arg10[%get3A_430] {strides = array<i32>} : memref<16xf32, #tpu.memory_space<vmem>>, vector<16xf32>,
      "tpu.region"() ({
        %run_scoped3A = tpu.sem_alloc : memref<!tpu.dma_semaphore, #tpu.memory_space<semaphore_mem>>
        %dma_start3A_715 = arith.constant 224 : i32
        %dma_start3A_716 = tpu.memref_slice %arg8[%dma_start3A_715] : memref<256xf32, #tpu.memory_space<hbm>> -> memref<16xf32, #tpu.memory_space<hbm>>
        %dma_start3A_717 = arith.constant 224 : i32
        %dma_start3A_718 = tpu.memref_slice %arg8[%dma_start3A_717] : memref<256xf32, #tpu.memory_space<hbm>> -> memref<16xf32, #tpu.memory_space<hbm>>
        tpu.enqueue_dma source(%dma_start3A_718 : memref<16xf32, #tpu.memory_space<hbm>>) target(%arg10 : memref<16xf32, #tpu.memory_space<vmem>>) target_semaphore(%run_scoped3A : memref<!tpu.dma_semaphore, #tpu.memory_space<semaphore_mem>>)
        %dma_wait3A_719 = arith.constant 224 : i32
        %dma_wait3A_720 = tpu.memref_slice %arg8[%dma_wait3A_719] : memref<256xf32, #tpu.memory_space<hbm>> -> memref<16xf32, #tpu.memory_space<hbm>>
        %dma_wait3A_721 = arith.constant 224 : i32
        %dma_wait3A_722 = tpu.memref_slice %arg8[%dma_wait3A_721] : memref<256xf32, #tpu.memory_space<hbm>> -> memref<16xf32, #tpu.memory_space<hbm>>
        tpu.wait_dma2 semaphore(%run_scoped3A : memref<!tpu.dma_semaphore, #tpu.memory_space<semaphore_mem>>) src(%dma_wait3A_722 : memref<16xf32, #tpu.memory_space<hbm>>) dst(%arg10 : memref<16xf32, #tpu.memory_space<vmem>>)
        tpu.yield
      }) : () -> ()
      %get3A_432 = arith.constant 0 : index
      %get3A_433 = tpu.vector_load %arg10[%get3A_432] {strides = array<i32>} : memref<16xf32, #tpu.memory_space<vmem>>, vector<16xf32>,
      %convert_element_type3A_434 = arith.fptosi %get3A_433 : vector<16xf32> to vector<16xi32>
      "tpu.region"() ({
        %run_scoped3A = tpu.sem_alloc : memref<!tpu.dma_semaphore, #tpu.memory_space<semaphore_mem>>
        %dma_start3A_715 = arith.constant 240 : i32
        %dma_start3A_716 = tpu.memref_slice %arg7[%dma_start3A_715] : memref<256xf32, #tpu.memory_space<hbm>> -> memref<16xf32, #tpu.memory_space<hbm>>
        %dma_start3A_717 = arith.constant 240 : i32
        %dma_start3A_718 = tpu.memref_slice %arg7[%dma_start3A_717] : memref<256xf32, #tpu.memory_space<hbm>> -> memref<16xf32, #tpu.memory_space<hbm>>
        tpu.enqueue_dma source(%dma_start3A_718 : memref<16xf32, #tpu.memory_space<hbm>>) target(%arg10 : memref<16xf32, #tpu.memory_space<vmem>>) target_semaphore(%run_scoped3A : memref<!tpu.dma_semaphore, #tpu.memory_space<semaphore_mem>>)
        %dma_wait3A_719 = arith.constant 240 : i32
        %dma_wait3A_720 = tpu.memref_slice %arg7[%dma_wait3A_719] : memref<256xf32, #tpu.memory_space<hbm>> -> memref<16xf32, #tpu.memory_space<hbm>>
        %dma_wait3A_721 = arith.constant 240 : i32
        %dma_wait3A_722 = tpu.memref_slice %arg7[%dma_wait3A_721] : memref<256xf32, #tpu.memory_space<hbm>> -> memref<16xf32, #tpu.memory_space<hbm>>
        tpu.wait_dma2 semaphore(%run_scoped3A : memref<!tpu.dma_semaphore, #tpu.memory_space<semaphore_mem>>) src(%dma_wait3A_722 : memref<16xf32, #tpu.memory_space<hbm>>) dst(%arg10 : memref<16xf32, #tpu.memory_space<vmem>>)
        tpu.yield
      }) : () -> ()
      %get3A_435 = arith.constant 0 : index
      %get3A_436 = tpu.vector_load %arg10[%get3A_435] {strides = array<i32>} : memref<16xf32, #tpu.memory_space<vmem>>, vector<16xf32>,
      "tpu.region"() ({
        %run_scoped3A = tpu.sem_alloc : memref<!tpu.dma_semaphore, #tpu.memory_space<semaphore_mem>>
        %dma_start3A_715 = arith.constant 240 : i32
        %dma_start3A_716 = tpu.memref_slice %arg8[%dma_start3A_715] : memref<256xf32, #tpu.memory_space<hbm>> -> memref<16xf32, #tpu.memory_space<hbm>>
        %dma_start3A_717 = arith.constant 240 : i32
        %dma_start3A_718 = tpu.memref_slice %arg8[%dma_start3A_717] : memref<256xf32, #tpu.memory_space<hbm>> -> memref<16xf32, #tpu.memory_space<hbm>>
        tpu.enqueue_dma source(%dma_start3A_718 : memref<16xf32, #tpu.memory_space<hbm>>) target(%arg10 : memref<16xf32, #tpu.memory_space<vmem>>) target_semaphore(%run_scoped3A : memref<!tpu.dma_semaphore, #tpu.memory_space<semaphore_mem>>)
        %dma_wait3A_719 = arith.constant 240 : i32
        %dma_wait3A_720 = tpu.memref_slice %arg8[%dma_wait3A_719] : memref<256xf32, #tpu.memory_space<hbm>> -> memref<16xf32, #tpu.memory_space<hbm>>
        %dma_wait3A_721 = arith.constant 240 : i32
        %dma_wait3A_722 = tpu.memref_slice %arg8[%dma_wait3A_721] : memref<256xf32, #tpu.memory_space<hbm>> -> memref<16xf32, #tpu.memory_space<hbm>>
        tpu.wait_dma2 semaphore(%run_scoped3A : memref<!tpu.dma_semaphore, #tpu.memory_space<semaphore_mem>>) src(%dma_wait3A_722 : memref<16xf32, #tpu.memory_space<hbm>>) dst(%arg10 : memref<16xf32, #tpu.memory_space<vmem>>)
        tpu.yield
      }) : () -> ()
      %get3A_437 = arith.constant 0 : index
      %get3A_438 = tpu.vector_load %arg10[%get3A_437] {strides = array<i32>} : memref<16xf32, #tpu.memory_space<vmem>>, vector<16xf32>,
      %convert_element_type3A_439 = arith.fptosi %get3A_438 : vector<16xf32> to vector<16xi32>
      %rev3A_440 = arith.constant 15 : i32
      %rev3A_441 = vector.broadcast %rev3A_440 : i32 to vector<16xi32>
      %rev3A_442 = tpu.iota {dimensions = array<i32: 0>} : vector<16xi32>
      %rev3A_443 = arith.subi %rev3A_441, %rev3A_442 : vector<16xi32>
      %rev3A_444 = tpu.dynamic_gather %get3A_366[%rev3A_443] in [0] : vector<16xf32>, vector<16xi32> -> vector<16xf32>
      %rev3A_445 = arith.constant 15 : i32
      %rev3A_446 = vector.broadcast %rev3A_445 : i32 to vector<16xi32>
      %rev3A_447 = tpu.iota {dimensions = array<i32: 0>} : vector<16xi32>
      %rev3A_448 = arith.subi %rev3A_446, %rev3A_447 : vector<16xi32>
      %rev3A_449 = tpu.dynamic_gather %convert_element_type3A_369[%rev3A_448] in [0] : vector<16xi32>, vector<16xi32> -> vector<16xi32>
      %ge3A_450 = arith.cmpf oge, %get3A_361, %rev3A_444 : vector<16xf32>
      %select_n3A_451 = arith.select %ge3A_450, %get3A_361, %rev3A_444 : vector<16xi1>, vector<16xf32>
      %select_n3A_452 = arith.select %ge3A_450, %convert_element_type3A_364, %rev3A_449 : vector<16xi1>, vector<16xi32>
      %masked_sort3A_453 = arith.constant dense<true> : vector<16xi1>
      %masked_sort3A_454, %masked_sort3A_455, %masked_sort3A_456 = tpu.sort %select_n3A_451, %select_n3A_452 masked %masked_sort3A_453 {descending = true} : (vector<16xf32>, vector<16xi32>, vector<16xi1>) -> (vector<16xi1>, vector<16xf32>, vector<16xi32>)
      %rev3A_457 = arith.constant 15 : i32
      %rev3A_458 = vector.broadcast %rev3A_457 : i32 to vector<16xi32>
      %rev3A_459 = tpu.iota {dimensions = array<i32: 0>} : vector<16xi32>
      %rev3A_460 = arith.subi %rev3A_458, %rev3A_459 : vector<16xi32>
      %rev3A_461 = tpu.dynamic_gather %get3A_376[%rev3A_460] in [0] : vector<16xf32>, vector<16xi32> -> vector<16xf32>
      %rev3A_462 = arith.constant 15 : i32
      %rev3A_463 = vector.broadcast %rev3A_462 : i32 to vector<16xi32>
      %rev3A_464 = tpu.iota {dimensions = array<i32: 0>} : vector<16xi32>
      %rev3A_465 = arith.subi %rev3A_463, %rev3A_464 : vector<16xi32>
      %rev3A_466 = tpu.dynamic_gather %convert_element_type3A_379[%rev3A_465] in [0] : vector<16xi32>, vector<16xi32> -> vector<16xi32>
      %ge3A_467 = arith.cmpf oge, %get3A_371, %rev3A_461 : vector<16xf32>
      %select_n3A_468 = arith.select %ge3A_467, %get3A_371, %rev3A_461 : vector<16xi1>, vector<16xf32>
      %select_n3A_469 = arith.select %ge3A_467, %convert_element_type3A_374, %rev3A_466 : vector<16xi1>, vector<16xi32>
      %masked_sort3A_470 = arith.constant dense<true> : vector<16xi1>
      %masked_sort3A_471, %masked_sort3A_472, %masked_sort3A_473 = tpu.sort %select_n3A_468, %select_n3A_469 masked %masked_sort3A_470 {descending = true} : (vector<16xf32>, vector<16xi32>, vector<16xi1>) -> (vector<16xi1>, vector<16xf32>, vector<16xi32>)
      %rev3A_474 = arith.constant 15 : i32
      %rev3A_475 = vector.broadcast %rev3A_474 : i32 to vector<16xi32>
      %rev3A_476 = tpu.iota {dimensions = array<i32: 0>} : vector<16xi32>
      %rev3A_477 = arith.subi %rev3A_475, %rev3A_476 : vector<16xi32>
      %rev3A_478 = tpu.dynamic_gather %get3A_386[%rev3A_477] in [0] : vector<16xf32>, vector<16xi32> -> vector<16xf32>
      %rev3A_479 = arith.constant 15 : i32
      %rev3A_480 = vector.broadcast %rev3A_479 : i32 to vector<16xi32>
      %rev3A_481 = tpu.iota {dimensions = array<i32: 0>} : vector<16xi32>
      %rev3A_482 = arith.subi %rev3A_480, %rev3A_481 : vector<16xi32>
      %rev3A_483 = tpu.dynamic_gather %convert_element_type3A_389[%rev3A_482] in [0] : vector<16xi32>, vector<16xi32> -> vector<16xi32>
      %ge3A_484 = arith.cmpf oge, %get3A_381, %rev3A_478 : vector<16xf32>
      %select_n3A_485 = arith.select %ge3A_484, %get3A_381, %rev3A_478 : vector<16xi1>, vector<16xf32>
      %select_n3A_486 = arith.select %ge3A_484, %convert_element_type3A_384, %rev3A_483 : vector<16xi1>, vector<16xi32>
      %masked_sort3A_487 = arith.constant dense<true> : vector<16xi1>
      %masked_sort3A_488, %masked_sort3A_489, %masked_sort3A_490 = tpu.sort %select_n3A_485, %select_n3A_486 masked %masked_sort3A_487 {descending = true} : (vector<16xf32>, vector<16xi32>, vector<16xi1>) -> (vector<16xi1>, vector<16xf32>, vector<16xi32>)
      %rev3A_491 = arith.constant 15 : i32
      %rev3A_492 = vector.broadcast %rev3A_491 : i32 to vector<16xi32>
      %rev3A_493 = tpu.iota {dimensions = array<i32: 0>} : vector<16xi32>
      %rev3A_494 = arith.subi %rev3A_492, %rev3A_493 : vector<16xi32>
      %rev3A_495 = tpu.dynamic_gather %get3A_396[%rev3A_494] in [0] : vector<16xf32>, vector<16xi32> -> vector<16xf32>
      %rev3A_496 = arith.constant 15 : i32
      %rev3A_497 = vector.broadcast %rev3A_496 : i32 to vector<16xi32>
      %rev3A_498 = tpu.iota {dimensions = array<i32: 0>} : vector<16xi32>
      %rev3A_499 = arith.subi %rev3A_497, %rev3A_498 : vector<16xi32>
      %rev3A_500 = tpu.dynamic_gather %convert_element_type3A_399[%rev3A_499] in [0] : vector<16xi32>, vector<16xi32> -> vector<16xi32>
      %ge3A_501 = arith.cmpf oge, %get3A_391, %rev3A_495 : vector<16xf32>
      %select_n3A_502 = arith.select %ge3A_501, %get3A_391, %rev3A_495 : vector<16xi1>, vector<16xf32>
      %select_n3A_503 = arith.select %ge3A_501, %convert_element_type3A_394, %rev3A_500 : vector<16xi1>, vector<16xi32>
      %masked_sort3A_504 = arith.constant dense<true> : vector<16xi1>
      %masked_sort3A_505, %masked_sort3A_506, %masked_sort3A_507 = tpu.sort %select_n3A_502, %select_n3A_503 masked %masked_sort3A_504 {descending = true} : (vector<16xf32>, vector<16xi32>, vector<16xi1>) -> (vector<16xi1>, vector<16xf32>, vector<16xi32>)
      %rev3A_508 = arith.constant 15 : i32
      %rev3A_509 = vector.broadcast %rev3A_508 : i32 to vector<16xi32>
      %rev3A_510 = tpu.iota {dimensions = array<i32: 0>} : vector<16xi32>
      %rev3A_511 = arith.subi %rev3A_509, %rev3A_510 : vector<16xi32>
      %rev3A_512 = tpu.dynamic_gather %get3A_406[%rev3A_511] in [0] : vector<16xf32>, vector<16xi32> -> vector<16xf32>
      %rev3A_513 = arith.constant 15 : i32
      %rev3A_514 = vector.broadcast %rev3A_513 : i32 to vector<16xi32>
      %rev3A_515 = tpu.iota {dimensions = array<i32: 0>} : vector<16xi32>
      %rev3A_516 = arith.subi %rev3A_514, %rev3A_515 : vector<16xi32>
      %rev3A_517 = tpu.dynamic_gather %convert_element_type3A_409[%rev3A_516] in [0] : vector<16xi32>, vector<16xi32> -> vector<16xi32>
      %ge3A_518 = arith.cmpf oge, %get3A_401, %rev3A_512 : vector<16xf32>
      %select_n3A_519 = arith.select %ge3A_518, %get3A_401, %rev3A_512 : vector<16xi1>, vector<16xf32>
      %select_n3A_520 = arith.select %ge3A_518, %convert_element_type3A_404, %rev3A_517 : vector<16xi1>, vector<16xi32>
      %masked_sort3A_521 = arith.constant dense<true> : vector<16xi1>
      %masked_sort3A_522, %masked_sort3A_523, %masked_sort3A_524 = tpu.sort %select_n3A_519, %select_n3A_520 masked %masked_sort3A_521 {descending = true} : (vector<16xf32>, vector<16xi32>, vector<16xi1>) -> (vector<16xi1>, vector<16xf32>, vector<16xi32>)
      %rev3A_525 = arith.constant 15 : i32
      %rev3A_526 = vector.broadcast %rev3A_525 : i32 to vector<16xi32>
      %rev3A_527 = tpu.iota {dimensions = array<i32: 0>} : vector<16xi32>
      %rev3A_528 = arith.subi %rev3A_526, %rev3A_527 : vector<16xi32>
      %rev3A_529 = tpu.dynamic_gather %get3A_416[%rev3A_528] in [0] : vector<16xf32>, vector<16xi32> -> vector<16xf32>
      %rev3A_530 = arith.constant 15 : i32
      %rev3A_531 = vector.broadcast %rev3A_530 : i32 to vector<16xi32>
      %rev3A_532 = tpu.iota {dimensions = array<i32: 0>} : vector<16xi32>
      %rev3A_533 = arith.subi %rev3A_531, %rev3A_532 : vector<16xi32>
      %rev3A_534 = tpu.dynamic_gather %convert_element_type3A_419[%rev3A_533] in [0] : vector<16xi32>, vector<16xi32> -> vector<16xi32>
      %ge3A_535 = arith.cmpf oge, %get3A_411, %rev3A_529 : vector<16xf32>
      %select_n3A_536 = arith.select %ge3A_535, %get3A_411, %rev3A_529 : vector<16xi1>, vector<16xf32>
      %select_n3A_537 = arith.select %ge3A_535, %convert_element_type3A_414, %rev3A_534 : vector<16xi1>, vector<16xi32>
      %masked_sort3A_538 = arith.constant dense<true> : vector<16xi1>
      %masked_sort3A_539, %masked_sort3A_540, %masked_sort3A_541 = tpu.sort %select_n3A_536, %select_n3A_537 masked %masked_sort3A_538 {descending = true} : (vector<16xf32>, vector<16xi32>, vector<16xi1>) -> (vector<16xi1>, vector<16xf32>, vector<16xi32>)
      %rev3A_542 = arith.constant 15 : i32
      %rev3A_543 = vector.broadcast %rev3A_542 : i32 to vector<16xi32>
      %rev3A_544 = tpu.iota {dimensions = array<i32: 0>} : vector<16xi32>
      %rev3A_545 = arith.subi %rev3A_543, %rev3A_544 : vector<16xi32>
      %rev3A_546 = tpu.dynamic_gather %get3A_426[%rev3A_545] in [0] : vector<16xf32>, vector<16xi32> -> vector<16xf32>
      %rev3A_547 = arith.constant 15 : i32
      %rev3A_548 = vector.broadcast %rev3A_547 : i32 to vector<16xi32>
      %rev3A_549 = tpu.iota {dimensions = array<i32: 0>} : vector<16xi32>
      %rev3A_550 = arith.subi %rev3A_548, %rev3A_549 : vector<16xi32>
      %rev3A_551 = tpu.dynamic_gather %convert_element_type3A_429[%rev3A_550] in [0] : vector<16xi32>, vector<16xi32> -> vector<16xi32>
      %ge3A_552 = arith.cmpf oge, %get3A_421, %rev3A_546 : vector<16xf32>
      %select_n3A_553 = arith.select %ge3A_552, %get3A_421, %rev3A_546 : vector<16xi1>, vector<16xf32>
      %select_n3A_554 = arith.select %ge3A_552, %convert_element_type3A_424, %rev3A_551 : vector<16xi1>, vector<16xi32>
      %masked_sort3A_555 = arith.constant dense<true> : vector<16xi1>
      %masked_sort3A_556, %masked_sort3A_557, %masked_sort3A_558 = tpu.sort %select_n3A_553, %select_n3A_554 masked %masked_sort3A_555 {descending = true} : (vector<16xf32>, vector<16xi32>, vector<16xi1>) -> (vector<16xi1>, vector<16xf32>, vector<16xi32>)
      %rev3A_559 = arith.constant 15 : i32
      %rev3A_560 = vector.broadcast %rev3A_559 : i32 to vector<16xi32>
      %rev3A_561 = tpu.iota {dimensions = array<i32: 0>} : vector<16xi32>
      %rev3A_562 = arith.subi %rev3A_560, %rev3A_561 : vector<16xi32>
      %rev3A_563 = tpu.dynamic_gather %get3A_436[%rev3A_562] in [0] : vector<16xf32>, vector<16xi32> -> vector<16xf32>
      %rev3A_564 = arith.constant 15 : i32
      %rev3A_565 = vector.broadcast %rev3A_564 : i32 to vector<16xi32>
      %rev3A_566 = tpu.iota {dimensions = array<i32: 0>} : vector<16xi32>
      %rev3A_567 = arith.subi %rev3A_565, %rev3A_566 : vector<16xi32>
      %rev3A_568 = tpu.dynamic_gather %convert_element_type3A_439[%rev3A_567] in [0] : vector<16xi32>, vector<16xi32> -> vector<16xi32>
      %ge3A_569 = arith.cmpf oge, %get3A_431, %rev3A_563 : vector<16xf32>
      %select_n3A_570 = arith.select %ge3A_569, %get3A_431, %rev3A_563 : vector<16xi1>, vector<16xf32>
      %select_n3A_571 = arith.select %ge3A_569, %convert_element_type3A_434, %rev3A_568 : vector<16xi1>, vector<16xi32>
      %masked_sort3A_572 = arith.constant dense<true> : vector<16xi1>
      %masked_sort3A_573, %masked_sort3A_574, %masked_sort3A_575 = tpu.sort %select_n3A_570, %select_n3A_571 masked %masked_sort3A_572 {descending = true} : (vector<16xf32>, vector<16xi32>, vector<16xi1>) -> (vector<16xi1>, vector<16xf32>, vector<16xi32>)
      %rev3A_576 = arith.constant 15 : i32
      %rev3A_577 = vector.broadcast %rev3A_576 : i32 to vector<16xi32>
      %rev3A_578 = tpu.iota {dimensions = array<i32: 0>} : vector<16xi32>
      %rev3A_579 = arith.subi %rev3A_577, %rev3A_578 : vector<16xi32>
      %rev3A_580 = tpu.dynamic_gather %masked_sort3A_472[%rev3A_579] in [0] : vector<16xf32>, vector<16xi32> -> vector<16xf32>
      %rev3A_581 = arith.constant 15 : i32
      %rev3A_582 = vector.broadcast %rev3A_581 : i32 to vector<16xi32>
      %rev3A_583 = tpu.iota {dimensions = array<i32: 0>} : vector<16xi32>
      %rev3A_584 = arith.subi %rev3A_582, %rev3A_583 : vector<16xi32>
      %rev3A_585 = tpu.dynamic_gather %masked_sort3A_473[%rev3A_584] in [0] : vector<16xi32>, vector<16xi32> -> vector<16xi32>
      %ge3A_586 = arith.cmpf oge, %masked_sort3A_455, %rev3A_580 : vector<16xf32>
      %select_n3A_587 = arith.select %ge3A_586, %masked_sort3A_455, %rev3A_580 : vector<16xi1>, vector<16xf32>
      %select_n3A_588 = arith.select %ge3A_586, %masked_sort3A_456, %rev3A_585 : vector<16xi1>, vector<16xi32>
      %masked_sort3A_589 = arith.constant dense<true> : vector<16xi1>
      %masked_sort3A_590, %masked_sort3A_591, %masked_sort3A_592 = tpu.sort %select_n3A_587, %select_n3A_588 masked %masked_sort3A_589 {descending = true} : (vector<16xf32>, vector<16xi32>, vector<16xi1>) -> (vector<16xi1>, vector<16xf32>, vector<16xi32>)
      %rev3A_593 = arith.constant 15 : i32
      %rev3A_594 = vector.broadcast %rev3A_593 : i32 to vector<16xi32>
      %rev3A_595 = tpu.iota {dimensions = array<i32: 0>} : vector<16xi32>
      %rev3A_596 = arith.subi %rev3A_594, %rev3A_595 : vector<16xi32>
      %rev3A_597 = tpu.dynamic_gather %masked_sort3A_506[%rev3A_596] in [0] : vector<16xf32>, vector<16xi32> -> vector<16xf32>
      %rev3A_598 = arith.constant 15 : i32
      %rev3A_599 = vector.broadcast %rev3A_598 : i32 to vector<16xi32>
      %rev3A_600 = tpu.iota {dimensions = array<i32: 0>} : vector<16xi32>
      %rev3A_601 = arith.subi %rev3A_599, %rev3A_600 : vector<16xi32>
      %rev3A_602 = tpu.dynamic_gather %masked_sort3A_507[%rev3A_601] in [0] : vector<16xi32>, vector<16xi32> -> vector<16xi32>
      %ge3A_603 = arith.cmpf oge, %masked_sort3A_489, %rev3A_597 : vector<16xf32>
      %select_n3A_604 = arith.select %ge3A_603, %masked_sort3A_489, %rev3A_597 : vector<16xi1>, vector<16xf32>
      %select_n3A_605 = arith.select %ge3A_603, %masked_sort3A_490, %rev3A_602 : vector<16xi1>, vector<16xi32>
      %masked_sort3A_606 = arith.constant dense<true> : vector<16xi1>
      %masked_sort3A_607, %masked_sort3A_608, %masked_sort3A_609 = tpu.sort %select_n3A_604, %select_n3A_605 masked %masked_sort3A_606 {descending = true} : (vector<16xf32>, vector<16xi32>, vector<16xi1>) -> (vector<16xi1>, vector<16xf32>, vector<16xi32>)
      %rev3A_610 = arith.constant 15 : i32
      %rev3A_611 = vector.broadcast %rev3A_610 : i32 to vector<16xi32>
      %rev3A_612 = tpu.iota {dimensions = array<i32: 0>} : vector<16xi32>
      %rev3A_613 = arith.subi %rev3A_611, %rev3A_612 : vector<16xi32>
      %rev3A_614 = tpu.dynamic_gather %masked_sort3A_540[%rev3A_613] in [0] : vector<16xf32>, vector<16xi32> -> vector<16xf32>
      %rev3A_615 = arith.constant 15 : i32
      %rev3A_616 = vector.broadcast %rev3A_615 : i32 to vector<16xi32>
      %rev3A_617 = tpu.iota {dimensions = array<i32: 0>} : vector<16xi32>
      %rev3A_618 = arith.subi %rev3A_616, %rev3A_617 : vector<16xi32>
      %rev3A_619 = tpu.dynamic_gather %masked_sort3A_541[%rev3A_618] in [0] : vector<16xi32>, vector<16xi32> -> vector<16xi32>
      %ge3A_620 = arith.cmpf oge, %masked_sort3A_523, %rev3A_614 : vector<16xf32>
      %select_n3A_621 = arith.select %ge3A_620, %masked_sort3A_523, %rev3A_614 : vector<16xi1>, vector<16xf32>
      %select_n3A_622 = arith.select %ge3A_620, %masked_sort3A_524, %rev3A_619 : vector<16xi1>, vector<16xi32>
      %masked_sort3A_623 = arith.constant dense<true> : vector<16xi1>
      %masked_sort3A_624, %masked_sort3A_625, %masked_sort3A_626 = tpu.sort %select_n3A_621, %select_n3A_622 masked %masked_sort3A_623 {descending = true} : (vector<16xf32>, vector<16xi32>, vector<16xi1>) -> (vector<16xi1>, vector<16xf32>, vector<16xi32>)
      %rev3A_627 = arith.constant 15 : i32
      %rev3A_628 = vector.broadcast %rev3A_627 : i32 to vector<16xi32>
      %rev3A_629 = tpu.iota {dimensions = array<i32: 0>} : vector<16xi32>
      %rev3A_630 = arith.subi %rev3A_628, %rev3A_629 : vector<16xi32>
      %rev3A_631 = tpu.dynamic_gather %masked_sort3A_574[%rev3A_630] in [0] : vector<16xf32>, vector<16xi32> -> vector<16xf32>
      %rev3A_632 = arith.constant 15 : i32
      %rev3A_633 = vector.broadcast %rev3A_632 : i32 to vector<16xi32>
      %rev3A_634 = tpu.iota {dimensions = array<i32: 0>} : vector<16xi32>
      %rev3A_635 = arith.subi %rev3A_633, %rev3A_634 : vector<16xi32>
      %rev3A_636 = tpu.dynamic_gather %masked_sort3A_575[%rev3A_635] in [0] : vector<16xi32>, vector<16xi32> -> vector<16xi32>
      %ge3A_637 = arith.cmpf oge, %masked_sort3A_557, %rev3A_631 : vector<16xf32>
      %select_n3A_638 = arith.select %ge3A_637, %masked_sort3A_557, %rev3A_631 : vector<16xi1>, vector<16xf32>
      %select_n3A_639 = arith.select %ge3A_637, %masked_sort3A_558, %rev3A_636 : vector<16xi1>, vector<16xi32>
      %masked_sort3A_640 = arith.constant dense<true> : vector<16xi1>
      %masked_sort3A_641, %masked_sort3A_642, %masked_sort3A_643 = tpu.sort %select_n3A_638, %select_n3A_639 masked %masked_sort3A_640 {descending = true} : (vector<16xf32>, vector<16xi32>, vector<16xi1>) -> (vector<16xi1>, vector<16xf32>, vector<16xi32>)
      %rev3A_644 = arith.constant 15 : i32
      %rev3A_645 = vector.broadcast %rev3A_644 : i32 to vector<16xi32>
      %rev3A_646 = tpu.iota {dimensions = array<i32: 0>} : vector<16xi32>
      %rev3A_647 = arith.subi %rev3A_645, %rev3A_646 : vector<16xi32>
      %rev3A_648 = tpu.dynamic_gather %masked_sort3A_608[%rev3A_647] in [0] : vector<16xf32>, vector<16xi32> -> vector<16xf32>
      %rev3A_649 = arith.constant 15 : i32
      %rev3A_650 = vector.broadcast %rev3A_649 : i32 to vector<16xi32>
      %rev3A_651 = tpu.iota {dimensions = array<i32: 0>} : vector<16xi32>
      %rev3A_652 = arith.subi %rev3A_650, %rev3A_651 : vector<16xi32>
      %rev3A_653 = tpu.dynamic_gather %masked_sort3A_609[%rev3A_652] in [0] : vector<16xi32>, vector<16xi32> -> vector<16xi32>
      %ge3A_654 = arith.cmpf oge, %masked_sort3A_591, %rev3A_648 : vector<16xf32>
      %select_n3A_655 = arith.select %ge3A_654, %masked_sort3A_591, %rev3A_648 : vector<16xi1>, vector<16xf32>
      %select_n3A_656 = arith.select %ge3A_654, %masked_sort3A_592, %rev3A_653 : vector<16xi1>, vector<16xi32>
      %masked_sort3A_657 = arith.constant dense<true> : vector<16xi1>
      %masked_sort3A_658, %masked_sort3A_659, %masked_sort3A_660 = tpu.sort %select_n3A_655, %select_n3A_656 masked %masked_sort3A_657 {descending = true} : (vector<16xf32>, vector<16xi32>, vector<16xi1>) -> (vector<16xi1>, vector<16xf32>, vector<16xi32>)
      %rev3A_661 = arith.constant 15 : i32
      %rev3A_662 = vector.broadcast %rev3A_661 : i32 to vector<16xi32>
      %rev3A_663 = tpu.iota {dimensions = array<i32: 0>} : vector<16xi32>
      %rev3A_664 = arith.subi %rev3A_662, %rev3A_663 : vector<16xi32>
      %rev3A_665 = tpu.dynamic_gather %masked_sort3A_642[%rev3A_664] in [0] : vector<16xf32>, vector<16xi32> -> vector<16xf32>
      %rev3A_666 = arith.constant 15 : i32
      %rev3A_667 = vector.broadcast %rev3A_666 : i32 to vector<16xi32>
      %rev3A_668 = tpu.iota {dimensions = array<i32: 0>} : vector<16xi32>
      %rev3A_669 = arith.subi %rev3A_667, %rev3A_668 : vector<16xi32>
      %rev3A_670 = tpu.dynamic_gather %masked_sort3A_643[%rev3A_669] in [0] : vector<16xi32>, vector<16xi32> -> vector<16xi32>
      %ge3A_671 = arith.cmpf oge, %masked_sort3A_625, %rev3A_665 : vector<16xf32>
      %select_n3A_672 = arith.select %ge3A_671, %masked_sort3A_625, %rev3A_665 : vector<16xi1>, vector<16xf32>
      %select_n3A_673 = arith.select %ge3A_671, %masked_sort3A_626, %rev3A_670 : vector<16xi1>, vector<16xi32>
      %masked_sort3A_674 = arith.constant dense<true> : vector<16xi1>
      %masked_sort3A_675, %masked_sort3A_676, %masked_sort3A_677 = tpu.sort %select_n3A_672, %select_n3A_673 masked %masked_sort3A_674 {descending = true} : (vector<16xf32>, vector<16xi32>, vector<16xi1>) -> (vector<16xi1>, vector<16xf32>, vector<16xi32>)
      %rev3A_678 = arith.constant 15 : i32
      %rev3A_679 = vector.broadcast %rev3A_678 : i32 to vector<16xi32>
      %rev3A_680 = tpu.iota {dimensions = array<i32: 0>} : vector<16xi32>
      %rev3A_681 = arith.subi %rev3A_679, %rev3A_680 : vector<16xi32>
      %rev3A_682 = tpu.dynamic_gather %masked_sort3A_676[%rev3A_681] in [0] : vector<16xf32>, vector<16xi32> -> vector<16xf32>
      %rev3A_683 = arith.constant 15 : i32
      %rev3A_684 = vector.broadcast %rev3A_683 : i32 to vector<16xi32>
      %rev3A_685 = tpu.iota {dimensions = array<i32: 0>} : vector<16xi32>
      %rev3A_686 = arith.subi %rev3A_684, %rev3A_685 : vector<16xi32>
      %rev3A_687 = tpu.dynamic_gather %masked_sort3A_677[%rev3A_686] in [0] : vector<16xi32>, vector<16xi32> -> vector<16xi32>
      %ge3A_688 = arith.cmpf oge, %masked_sort3A_659, %rev3A_682 : vector<16xf32>
      %select_n3A_689 = arith.select %ge3A_688, %masked_sort3A_659, %rev3A_682 : vector<16xi1>, vector<16xf32>
      %select_n3A_690 = arith.select %ge3A_688, %masked_sort3A_660, %rev3A_687 : vector<16xi1>, vector<16xi32>
      %masked_sort3A_691 = arith.constant dense<true> : vector<16xi1>
      %masked_sort3A_692, %masked_sort3A_693, %masked_sort3A_694 = tpu.sort %select_n3A_689, %select_n3A_690 masked %masked_sort3A_691 {descending = true} : (vector<16xf32>, vector<16xi32>, vector<16xi1>) -> (vector<16xi1>, vector<16xf32>, vector<16xi32>)
      %lt3A = arith.constant 8 : i32
      %lt3A_695 = vector.broadcast %lt3A : i32 to vector<16xi32>
      %lt3A_696 = arith.cmpi slt, %iota3A, %lt3A_695 : vector<16xi32>
      %jit3A = arith.constant 0 : i32
      %broadcast_in_dim3A_697 = vector.broadcast %jit3A : i32 to vector<16xi32>
      %select_n3A_698 = arith.select %lt3A_696, %masked_sort3A_359, %broadcast_in_dim3A_697 : vector<16xi1>, vector<16xi32>
      %lt3A_699 = arith.constant 8 : i32
      %lt3A_700 = vector.broadcast %lt3A_699 : i32 to vector<16xi32>
      %lt3A_701 = arith.cmpi slt, %iota3A, %lt3A_700 : vector<16xi32>
      %jit3A_702 = arith.constant 0 : i32
      %broadcast_in_dim3A_703 = vector.broadcast %jit3A_702 : i32 to vector<16xi32>
      %select_n3A_704 = arith.select %lt3A_701, %masked_sort3A_694, %broadcast_in_dim3A_703 : vector<16xi1>, vector<16xi32>
      %dma_start3A = arith.constant 0 : i32
      %dma_start3A_705 = arith.constant 0 : i32
      %dma_start3A_706 = tpu.memref_slice %arg3[%dma_start3A, %dma_start3A_705] : memref<20000x1024xf32, #tpu.memory_space<hbm>> -> memref<20000x1024xf32, #tpu.memory_space<hbm>>
      tpu.enqueue_indirect_dma source(%dma_start3A_706 : memref<20000x1024xf32, #tpu.memory_space<hbm>>) target(%arg11 : memref<16x1024xf32, #tpu.memory_space<vmem>>) offsets(%select_n3A_698 : vector<16xi32>) semaphore(%arg13 : memref<!tpu.dma_semaphore, #tpu.memory_space<semaphore_mem>>)
      %dma_wait3A = arith.constant 0 : i32
      %dma_wait3A_707 = arith.constant 0 : i32
      %dma_wait3A_708 = tpu.memref_slice %arg3[%dma_wait3A, %dma_wait3A_707] : memref<20000x1024xf32, #tpu.memory_space<hbm>> -> memref<20000x1024xf32, #tpu.memory_space<hbm>>
      tpu.wait_indirect_dma semaphore(%arg13 : memref<!tpu.dma_semaphore, #tpu.memory_space<semaphore_mem>>) src(%dma_wait3A_708 : memref<20000x1024xf32, #tpu.memory_space<hbm>>) dst(%arg11 : memref<16x1024xf32, #tpu.memory_space<vmem>>)
      %dma_start3A_709 = arith.constant 0 : i32
      %dma_start3A_710 = arith.constant 0 : i32
      %dma_start3A_711 = tpu.memref_slice %arg3[%dma_start3A_709, %dma_start3A_710] : memref<20000x1024xf32, #tpu.memory_space<hbm>> -> memref<20000x1024xf32, #tpu.memory_space<hbm>>
      tpu.enqueue_indirect_dma source(%dma_start3A_711 : memref<20000x1024xf32, #tpu.memory_space<hbm>>) target(%arg12 : memref<16x1024xf32, #tpu.memory_space<vmem>>) offsets(%select_n3A_704 : vector<16xi32>) semaphore(%arg13 : memref<!tpu.dma_semaphore, #tpu.memory_space<semaphore_mem>>)
      %dma_wait3A_712 = arith.constant 0 : i32
      %dma_wait3A_713 = arith.constant 0 : i32
      %dma_wait3A_714 = tpu.memref_slice %arg3[%dma_wait3A_712, %dma_wait3A_713] : memref<20000x1024xf32, #tpu.memory_space<hbm>> -> memref<20000x1024xf32, #tpu.memory_space<hbm>>
      tpu.wait_indirect_dma semaphore(%arg13 : memref<!tpu.dma_semaphore, #tpu.memory_space<semaphore_mem>>) src(%dma_wait3A_714 : memref<20000x1024xf32, #tpu.memory_space<hbm>>) dst(%arg12 : memref<16x1024xf32, #tpu.memory_space<vmem>>)
      "tpu.region"() ({
        %run_scoped3A = tpu.sem_alloc : memref<!tpu.dma_semaphore, #tpu.memory_space<semaphore_mem>>
        %dma_start3A_715 = arith.constant 0 : i32
        %dma_start3A_716 = arith.constant 0 : i32
        %dma_start3A_717 = tpu.memref_slice %arg11[%dma_start3A_715, %dma_start3A_716] : memref<16x1024xf32, #tpu.memory_space<vmem>> -> memref<8x1024xf32, #tpu.memory_space<vmem>>
        %dma_start3A_718 = arith.constant 0 : i32
        %dma_start3A_719 = arith.constant 0 : i32
        %dma_start3A_720 = tpu.memref_slice %arg4[%dma_start3A_718, %dma_start3A_719] : memref<16x1024xf32, #tpu.memory_space<hbm>> -> memref<8x1024xf32, #tpu.memory_space<hbm>>
        %dma_start3A_721 = arith.constant 0 : i32
        %dma_start3A_722 = arith.constant 0 : i32
        %dma_start3A_723 = tpu.memref_slice %arg4[%dma_start3A_721, %dma_start3A_722] : memref<16x1024xf32, #tpu.memory_space<hbm>> -> memref<8x1024xf32, #tpu.memory_space<hbm>>
        %dma_start3A_724 = arith.constant 0 : i32
        %dma_start3A_725 = arith.constant 0 : i32
        %dma_start3A_726 = tpu.memref_slice %arg11[%dma_start3A_724, %dma_start3A_725] : memref<16x1024xf32, #tpu.memory_space<vmem>> -> memref<8x1024xf32, #tpu.memory_space<vmem>>
        tpu.enqueue_dma source(%dma_start3A_726 : memref<8x1024xf32, #tpu.memory_space<vmem>>) target(%dma_start3A_723 : memref<8x1024xf32, #tpu.memory_space<hbm>>) target_semaphore(%run_scoped3A : memref<!tpu.dma_semaphore, #tpu.memory_space<semaphore_mem>>)
        %dma_wait3A_727 = arith.constant 0 : i32
        %dma_wait3A_728 = arith.constant 0 : i32
        %dma_wait3A_729 = tpu.memref_slice %arg11[%dma_wait3A_727, %dma_wait3A_728] : memref<16x1024xf32, #tpu.memory_space<vmem>> -> memref<8x1024xf32, #tpu.memory_space<vmem>>
        %dma_wait3A_730 = arith.constant 0 : i32
        %dma_wait3A_731 = arith.constant 0 : i32
        %dma_wait3A_732 = tpu.memref_slice %arg4[%dma_wait3A_730, %dma_wait3A_731] : memref<16x1024xf32, #tpu.memory_space<hbm>> -> memref<8x1024xf32, #tpu.memory_space<hbm>>
        %dma_wait3A_733 = arith.constant 0 : i32
        %dma_wait3A_734 = arith.constant 0 : i32
        %dma_wait3A_735 = tpu.memref_slice %arg4[%dma_wait3A_733, %dma_wait3A_734] : memref<16x1024xf32, #tpu.memory_space<hbm>> -> memref<8x1024xf32, #tpu.memory_space<hbm>>
        %dma_wait3A_736 = arith.constant 0 : i32
        %dma_wait3A_737 = arith.constant 0 : i32
        %dma_wait3A_738 = tpu.memref_slice %arg11[%dma_wait3A_736, %dma_wait3A_737] : memref<16x1024xf32, #tpu.memory_space<vmem>> -> memref<8x1024xf32, #tpu.memory_space<vmem>>
        tpu.wait_dma2 semaphore(%run_scoped3A : memref<!tpu.dma_semaphore, #tpu.memory_space<semaphore_mem>>) src(%dma_wait3A_738 : memref<8x1024xf32, #tpu.memory_space<vmem>>) dst(%dma_wait3A_735 : memref<8x1024xf32, #tpu.memory_space<hbm>>)
        tpu.yield
      }) : () -> ()
      "tpu.region"() ({
        %run_scoped3A = tpu.sem_alloc : memref<!tpu.dma_semaphore, #tpu.memory_space<semaphore_mem>>
        %dma_start3A_715 = arith.constant 0 : i32
        %dma_start3A_716 = arith.constant 0 : i32
        %dma_start3A_717 = tpu.memref_slice %arg12[%dma_start3A_715, %dma_start3A_716] : memref<16x1024xf32, #tpu.memory_space<vmem>> -> memref<8x1024xf32, #tpu.memory_space<vmem>>
        %dma_start3A_718 = arith.constant 8 : i32
        %dma_start3A_719 = arith.constant 0 : i32
        %dma_start3A_720 = tpu.memref_slice %arg4[%dma_start3A_718, %dma_start3A_719] : memref<16x1024xf32, #tpu.memory_space<hbm>> -> memref<8x1024xf32, #tpu.memory_space<hbm>>
        %dma_start3A_721 = arith.constant 8 : i32
        %dma_start3A_722 = arith.constant 0 : i32
        %dma_start3A_723 = tpu.memref_slice %arg4[%dma_start3A_721, %dma_start3A_722] : memref<16x1024xf32, #tpu.memory_space<hbm>> -> memref<8x1024xf32, #tpu.memory_space<hbm>>
        %dma_start3A_724 = arith.constant 0 : i32
        %dma_start3A_725 = arith.constant 0 : i32
        %dma_start3A_726 = tpu.memref_slice %arg12[%dma_start3A_724, %dma_start3A_725] : memref<16x1024xf32, #tpu.memory_space<vmem>> -> memref<8x1024xf32, #tpu.memory_space<vmem>>
        tpu.enqueue_dma source(%dma_start3A_726 : memref<8x1024xf32, #tpu.memory_space<vmem>>) target(%dma_start3A_723 : memref<8x1024xf32, #tpu.memory_space<hbm>>) target_semaphore(%run_scoped3A : memref<!tpu.dma_semaphore, #tpu.memory_space<semaphore_mem>>)
        %dma_wait3A_727 = arith.constant 0 : i32
        %dma_wait3A_728 = arith.constant 0 : i32
        %dma_wait3A_729 = tpu.memref_slice %arg12[%dma_wait3A_727, %dma_wait3A_728] : memref<16x1024xf32, #tpu.memory_space<vmem>> -> memref<8x1024xf32, #tpu.memory_space<vmem>>
        %dma_wait3A_730 = arith.constant 8 : i32
        %dma_wait3A_731 = arith.constant 0 : i32
        %dma_wait3A_732 = tpu.memref_slice %arg4[%dma_wait3A_730, %dma_wait3A_731] : memref<16x1024xf32, #tpu.memory_space<hbm>> -> memref<8x1024xf32, #tpu.memory_space<hbm>>
        %dma_wait3A_733 = arith.constant 8 : i32
        %dma_wait3A_734 = arith.constant 0 : i32
        %dma_wait3A_735 = tpu.memref_slice %arg4[%dma_wait3A_733, %dma_wait3A_734] : memref<16x1024xf32, #tpu.memory_space<hbm>> -> memref<8x1024xf32, #tpu.memory_space<hbm>>
        %dma_wait3A_736 = arith.constant 0 : i32
        %dma_wait3A_737 = arith.constant 0 : i32
        %dma_wait3A_738 = tpu.memref_slice %arg12[%dma_wait3A_736, %dma_wait3A_737] : memref<16x1024xf32, #tpu.memory_space<vmem>> -> memref<8x1024xf32, #tpu.memory_space<vmem>>
        tpu.wait_dma2 semaphore(%run_scoped3A : memref<!tpu.dma_semaphore, #tpu.memory_space<semaphore_mem>>) src(%dma_wait3A_738 : memref<8x1024xf32, #tpu.memory_space<vmem>>) dst(%dma_wait3A_735 : memref<8x1024xf32, #tpu.memory_space<hbm>>)
        tpu.yield
      }) : () -> ()
    } else {
    }
    return
  }
}

module attributes {stable_mosaic.version = 14 : i64} {
  func.func @_classify_kernel(%arg0: memref<1xi32, #tpu.memory_space<smem>>, %arg1: memref<16x1024xf32, #tpu.memory_space<vmem>>, %arg2: memref<1024x512xf32, #tpu.memory_space<vmem>>, %arg3: memref<1x512xf32, #tpu.memory_space<vmem>>, %arg4: memref<512x2xf32, #tpu.memory_space<vmem>>, %arg5: memref<1x2xf32, #tpu.memory_space<vmem>>, %arg6: memref<512x2xf32, #tpu.memory_space<vmem>>, %arg7: memref<1x2xf32, #tpu.memory_space<vmem>>, %arg8: memref<16x2xf32, #tpu.memory_space<vmem>>) attributes {dimension_semantics = [], scalar_prefetch = 0 : i64, scratch_operands = 0 : i64, tpu.core_type = #tpu.core_type<tc>} {
    %get3A = arith.constant 0 : index
    %get3A_0 = arith.constant 0 : index
    %get3A_1 = vector.load %arg1[%get3A, %get3A_0] : memref<16x1024xf32, #tpu.memory_space<vmem>>, vector<16x1024xf32>
    %convert_element_type3A = arith.truncf %get3A_1 : vector<16x1024xf32> to vector<16x1024xbf16>
    %get3A_2 = arith.constant 0 : index
    %get3A_3 = arith.constant 0 : index
    %get3A_4 = vector.load %arg2[%get3A_2, %get3A_3] : memref<1024x512xf32, #tpu.memory_space<vmem>>, vector<1024x512xf32>
    %convert_element_type3A_5 = arith.truncf %get3A_4 : vector<1024x512xf32> to vector<1024x512xbf16>
    %dot_general3A = arith.constant dense<0.000000e+00> : vector<16x512xf32>
    %dot_general3A_6 = tpu.matmul %convert_element_type3A, %convert_element_type3A_5, %dot_general3A {dimension_numbers = #tpu.dot_dimension_numbers<[1], [0], [0], [1], [0, 0, 1, 1], [], []>, transpose_lhs_hint = false} : vector<16x1024xbf16>, vector<1024x512xbf16>, vector<16x512xf32> -> vector<16x512xf32>
    %get3A_7 = arith.constant 0 : index
    %get3A_8 = arith.constant 0 : index
    %get3A_9 = vector.load %arg3[%get3A_7, %get3A_8] : memref<1x512xf32, #tpu.memory_space<vmem>>, vector<1x512xf32>
    %add3A = vector.broadcast %get3A_9 : vector<1x512xf32> to vector<16x512xf32>
    %add3A_10 = arith.addf %dot_general3A_6, %add3A : vector<16x512xf32>
    %max3A = arith.constant 0.000000e+00 : f32
    %max3A_11 = vector.broadcast %max3A : f32 to vector<16x512xf32>
    %max3A_12 = arith.maximumf %add3A_10, %max3A_11 : vector<16x512xf32>
    %convert_element_type3A_13 = arith.truncf %max3A_12 : vector<16x512xf32> to vector<16x512xbf16>
    %get3A_14 = arith.constant 0 : index
    %get3A_15 = arith.constant 0 : index
    %get3A_16 = vector.load %arg4[%get3A_14, %get3A_15] : memref<512x2xf32, #tpu.memory_space<vmem>>, vector<512x2xf32>
    %convert_element_type3A_17 = arith.truncf %get3A_16 : vector<512x2xf32> to vector<512x2xbf16>
    %dot_general3A_18 = arith.constant dense<0.000000e+00> : vector<16x2xf32>
    %dot_general3A_19 = tpu.matmul %convert_element_type3A_13, %convert_element_type3A_17, %dot_general3A_18 {dimension_numbers = #tpu.dot_dimension_numbers<[1], [0], [0], [1], [0, 0, 1, 1], [], []>, transpose_lhs_hint = false} : vector<16x512xbf16>, vector<512x2xbf16>, vector<16x2xf32> -> vector<16x2xf32>
    %get3A_20 = arith.constant 0 : index
    %get3A_21 = arith.constant 0 : index
    %get3A_22 = vector.load %arg5[%get3A_20, %get3A_21] : memref<1x2xf32, #tpu.memory_space<vmem>>, vector<1x2xf32>
    %add3A_23 = vector.broadcast %get3A_22 : vector<1x2xf32> to vector<16x2xf32>
    %add3A_24 = arith.addf %dot_general3A_19, %add3A_23 : vector<16x2xf32>
    %get3A_25 = arith.constant 0 : index
    %get3A_26 = arith.constant 0 : index
    %get3A_27 = vector.load %arg6[%get3A_25, %get3A_26] : memref<512x2xf32, #tpu.memory_space<vmem>>, vector<512x2xf32>
    %convert_element_type3A_28 = arith.truncf %get3A_27 : vector<512x2xf32> to vector<512x2xbf16>
    %dot_general3A_29 = arith.constant dense<0.000000e+00> : vector<16x2xf32>
    %dot_general3A_30 = tpu.matmul %convert_element_type3A_13, %convert_element_type3A_28, %dot_general3A_29 {dimension_numbers = #tpu.dot_dimension_numbers<[1], [0], [0], [1], [0, 0, 1, 1], [], []>, transpose_lhs_hint = false} : vector<16x512xbf16>, vector<512x2xbf16>, vector<16x2xf32> -> vector<16x2xf32>
    %get3A_31 = arith.constant 0 : index
    %get3A_32 = arith.constant 0 : index
    %get3A_33 = vector.load %arg7[%get3A_31, %get3A_32] : memref<1x2xf32, #tpu.memory_space<vmem>>, vector<1x2xf32>
    %add3A_34 = vector.broadcast %get3A_33 : vector<1x2xf32> to vector<16x2xf32>
    %add3A_35 = arith.addf %dot_general3A_30, %add3A_34 : vector<16x2xf32>
    %get3A_36 = arith.constant 0 : index
    %get3A_37 = memref.load %arg0[%get3A_36] : memref<1xi32, #tpu.memory_space<smem>>
    %eq3A = arith.constant 0 : i32
    %eq3A_38 = arith.cmpi eq, %get3A_37, %eq3A : i32
    %select_n3A = arith.select %eq3A_38, %add3A_24, %add3A_35 : vector<16x2xf32>
    %swap3A = arith.constant 0 : index
    %swap3A_39 = arith.constant 0 : index
    %swap3A_40 = vector.load %arg8[%swap3A, %swap3A_39] : memref<16x2xf32, #tpu.memory_space<vmem>>, vector<16x2xf32>
    tpu.vector_store %arg8[%swap3A, %swap3A_39], %select_n3A {strides = array<i32>} : memref<16x2xf32, #tpu.memory_space<vmem>>, vector<16x2xf32>,
    return
  }
}

module attributes {stable_mosaic.version = 14 : i64} {
  func.func @_pass1_kernel(%arg0: i32, %arg1: memref<2000x1024xf32, #tpu.memory_space<vmem>>, %arg2: memref<1024x512xf32, #tpu.memory_space<vmem>>, %arg3: memref<1x512xf32, #tpu.memory_space<vmem>>, %arg4: memref<512x256xf32, #tpu.memory_space<vmem>>, %arg5: memref<1x256xf32, #tpu.memory_space<vmem>>, %arg6: memref<512x256xf32, #tpu.memory_space<vmem>>, %arg7: memref<1x256xf32, #tpu.memory_space<vmem>>, %arg8: memref<256x1xf32, #tpu.memory_space<vmem>>, %arg9: memref<1x1xf32, #tpu.memory_space<vmem>>, %arg10: memref<2000x1xf32, #tpu.memory_space<vmem>>, %arg11: memref<1x512xf32, #tpu.memory_space<vmem>>, %arg12: memref<1x512xf32, #tpu.memory_space<vmem>>, %arg13: memref<1x1xf32, #tpu.memory_space<vmem>>, %arg14: memref<1x1xf32, #tpu.memory_space<vmem>>) attributes {dimension_semantics = [#tpu.dimension_semantics<arbitrary>], iteration_bounds = array<i64: 10>, scalar_prefetch = 0 : i64, scratch_operands = 3 : i64, tpu.core_type = #tpu.core_type<tc>, window_params = [{transform_indices = @transform_0, window_bounds = array<i64: 2000, 1024>}, {pipeline_mode = #tpu.pipeline_mode<synchronous>, transform_indices = @transform_1, window_bounds = array<i64: 1024, 512>}, {pipeline_mode = #tpu.pipeline_mode<synchronous>, transform_indices = @transform_2, window_bounds = array<i64: 1, 512>}, {pipeline_mode = #tpu.pipeline_mode<synchronous>, transform_indices = @transform_3, window_bounds = array<i64: 512, 256>}, {pipeline_mode = #tpu.pipeline_mode<synchronous>, transform_indices = @transform_4, window_bounds = array<i64: 1, 256>}, {pipeline_mode = #tpu.pipeline_mode<synchronous>, transform_indices = @transform_5, window_bounds = array<i64: 512, 256>}, {pipeline_mode = #tpu.pipeline_mode<synchronous>, transform_indices = @transform_6, window_bounds = array<i64: 1, 256>}, {pipeline_mode = #tpu.pipeline_mode<synchronous>, transform_indices = @transform_7, window_bounds = array<i64: 256, 1>}, {pipeline_mode = #tpu.pipeline_mode<synchronous>, transform_indices = @transform_8, window_bounds = array<i64: 1, 1>}, {transform_indices = @transform_9, window_bounds = array<i64: 2000, 1>}, {pipeline_mode = #tpu.pipeline_mode<synchronous>, transform_indices = @transform_10, window_bounds = array<i64: 1, 512>}]} {
    %eq3A = arith.constant 0 : i32
    %eq3A_0 = arith.cmpi eq, %arg0, %eq3A : i32
    %convert_element_type3A = arith.extui %eq3A_0 : i1 to i32
    %cond3A = arith.constant 0 : i32
    %cond3A_1 = arith.cmpi ne, %convert_element_type3A, %cond3A : i32
    scf.if %cond3A_1 {
      %broadcast_in_dim3A_99 = arith.constant 0.000000e+00 : f32
      %broadcast_in_dim3A_100 = vector.broadcast %broadcast_in_dim3A_99 : f32 to vector<1x512xf32>
      %swap3A_101 = arith.constant 0 : index
      %swap3A_102 = arith.constant 0 : index
      %swap3A_103 = vector.load %arg12[%swap3A_101, %swap3A_102] : memref<1x512xf32, #tpu.memory_space<vmem>>, vector<1x512xf32>
      tpu.vector_store %arg12[%swap3A_101, %swap3A_102], %broadcast_in_dim3A_100 {strides = array<i32>} : memref<1x512xf32, #tpu.memory_space<vmem>>, vector<1x512xf32>,
      %broadcast_in_dim3A_104 = arith.constant -1.000000e+30 : f32
      %broadcast_in_dim3A_105 = vector.broadcast %broadcast_in_dim3A_104 : f32 to vector<1x1xf32>
      %swap3A_106 = arith.constant 0 : index
      %swap3A_107 = arith.constant 0 : index
      %swap3A_108 = vector.load %arg13[%swap3A_106, %swap3A_107] : memref<1x1xf32, #tpu.memory_space<vmem>>, vector<1x1xf32>
      tpu.vector_store %arg13[%swap3A_106, %swap3A_107], %broadcast_in_dim3A_105 {strides = array<i32>} : memref<1x1xf32, #tpu.memory_space<vmem>>, vector<1x1xf32>,
      %broadcast_in_dim3A_109 = arith.constant 0.000000e+00 : f32
      %broadcast_in_dim3A_110 = vector.broadcast %broadcast_in_dim3A_109 : f32 to vector<1x1xf32>
      %swap3A_111 = arith.constant 0 : index
      %swap3A_112 = arith.constant 0 : index
      %swap3A_113 = vector.load %arg14[%swap3A_111, %swap3A_112] : memref<1x1xf32, #tpu.memory_space<vmem>>, vector<1x1xf32>
      tpu.vector_store %arg14[%swap3A_111, %swap3A_112], %broadcast_in_dim3A_110 {strides = array<i32>} : memref<1x1xf32, #tpu.memory_space<vmem>>, vector<1x1xf32>,
    } else {
    }
    %get3A = arith.constant 0 : index
    %get3A_2 = arith.constant 0 : index
    %get3A_3 = vector.load %arg1[%get3A, %get3A_2] : memref<2000x1024xf32, #tpu.memory_space<vmem>>, vector<2000x1024xf32>
    %convert_element_type3A_4 = arith.truncf %get3A_3 : vector<2000x1024xf32> to vector<2000x1024xbf16>
    %get3A_5 = arith.constant 0 : index
    %get3A_6 = arith.constant 0 : index
    %get3A_7 = vector.load %arg2[%get3A_5, %get3A_6] : memref<1024x512xf32, #tpu.memory_space<vmem>>, vector<1024x512xf32>
    %convert_element_type3A_8 = arith.truncf %get3A_7 : vector<1024x512xf32> to vector<1024x512xbf16>
    %dot_general3A = arith.constant dense<0.000000e+00> : vector<2000x512xf32>
    %dot_general3A_9 = tpu.matmul %convert_element_type3A_4, %convert_element_type3A_8, %dot_general3A {dimension_numbers = #tpu.dot_dimension_numbers<[1], [0], [0], [1], [0, 0, 1, 1], [], []>, transpose_lhs_hint = false} : vector<2000x1024xbf16>, vector<1024x512xbf16>, vector<2000x512xf32> -> vector<2000x512xf32>
    %get3A_10 = arith.constant 0 : index
    %get3A_11 = arith.constant 0 : index
    %get3A_12 = vector.load %arg3[%get3A_10, %get3A_11] : memref<1x512xf32, #tpu.memory_space<vmem>>, vector<1x512xf32>
    %add3A = vector.broadcast %get3A_12 : vector<1x512xf32> to vector<2000x512xf32>
    %add3A_13 = arith.addf %dot_general3A_9, %add3A : vector<2000x512xf32>
    %max3A = arith.constant 0.000000e+00 : f32
    %max3A_14 = vector.broadcast %max3A : f32 to vector<2000x512xf32>
    %max3A_15 = arith.maximumf %add3A_13, %max3A_14 : vector<2000x512xf32>
    %convert_element_type3A_16 = arith.truncf %max3A_15 : vector<2000x512xf32> to vector<2000x512xbf16>
    %get3A_17 = arith.constant 0 : index
    %get3A_18 = arith.constant 0 : index
    %get3A_19 = vector.load %arg4[%get3A_17, %get3A_18] : memref<512x256xf32, #tpu.memory_space<vmem>>, vector<512x256xf32>
    %convert_element_type3A_20 = arith.truncf %get3A_19 : vector<512x256xf32> to vector<512x256xbf16>
    %dot_general3A_21 = arith.constant dense<0.000000e+00> : vector<2000x256xf32>
    %dot_general3A_22 = tpu.matmul %convert_element_type3A_16, %convert_element_type3A_20, %dot_general3A_21 {dimension_numbers = #tpu.dot_dimension_numbers<[1], [0], [0], [1], [0, 0, 1, 1], [], []>, transpose_lhs_hint = false} : vector<2000x512xbf16>, vector<512x256xbf16>, vector<2000x256xf32> -> vector<2000x256xf32>
    %get3A_23 = arith.constant 0 : index
    %get3A_24 = arith.constant 0 : index
    %get3A_25 = vector.load %arg5[%get3A_23, %get3A_24] : memref<1x256xf32, #tpu.memory_space<vmem>>, vector<1x256xf32>
    %add3A_26 = vector.broadcast %get3A_25 : vector<1x256xf32> to vector<2000x256xf32>
    %add3A_27 = arith.addf %dot_general3A_22, %add3A_26 : vector<2000x256xf32>
    %tanh3A = math.tanh %add3A_27 : vector<2000x256xf32>
    %get3A_28 = arith.constant 0 : index
    %get3A_29 = arith.constant 0 : index
    %get3A_30 = vector.load %arg6[%get3A_28, %get3A_29] : memref<512x256xf32, #tpu.memory_space<vmem>>, vector<512x256xf32>
    %convert_element_type3A_31 = arith.truncf %get3A_30 : vector<512x256xf32> to vector<512x256xbf16>
    %dot_general3A_32 = arith.constant dense<0.000000e+00> : vector<2000x256xf32>
    %dot_general3A_33 = tpu.matmul %convert_element_type3A_16, %convert_element_type3A_31, %dot_general3A_32 {dimension_numbers = #tpu.dot_dimension_numbers<[1], [0], [0], [1], [0, 0, 1, 1], [], []>, transpose_lhs_hint = false} : vector<2000x512xbf16>, vector<512x256xbf16>, vector<2000x256xf32> -> vector<2000x256xf32>
    %get3A_34 = arith.constant 0 : index
    %get3A_35 = arith.constant 0 : index
    %get3A_36 = vector.load %arg7[%get3A_34, %get3A_35] : memref<1x256xf32, #tpu.memory_space<vmem>>, vector<1x256xf32>
    %add3A_37 = vector.broadcast %get3A_36 : vector<1x256xf32> to vector<2000x256xf32>
    %add3A_38 = arith.addf %dot_general3A_33, %add3A_37 : vector<2000x256xf32>
    %logistic3A = arith.negf %add3A_38 : vector<2000x256xf32>
    %logistic3A_39 = math.exp %logistic3A : vector<2000x256xf32>
    %logistic3A_40 = arith.constant 1.000000e+00 : f32
    %logistic3A_41 = vector.broadcast %logistic3A_40 : f32 to vector<2000x256xf32>
    %logistic3A_42 = arith.addf %logistic3A_41, %logistic3A_39 : vector<2000x256xf32>
    %logistic3A_43 = arith.divf %logistic3A_41, %logistic3A_42 : vector<2000x256xf32>
    %mul3A = arith.mulf %tanh3A, %logistic3A_43 : vector<2000x256xf32>
    %convert_element_type3A_44 = arith.truncf %mul3A : vector<2000x256xf32> to vector<2000x256xbf16>
    %get3A_45 = arith.constant 0 : index
    %get3A_46 = arith.constant 0 : index
    %get3A_47 = vector.load %arg8[%get3A_45, %get3A_46] : memref<256x1xf32, #tpu.memory_space<vmem>>, vector<256x1xf32>
    %convert_element_type3A_48 = arith.truncf %get3A_47 : vector<256x1xf32> to vector<256x1xbf16>
    %dot_general3A_49 = arith.constant dense<0.000000e+00> : vector<2000x1xf32>
    %dot_general3A_50 = tpu.matmul %convert_element_type3A_44, %convert_element_type3A_48, %dot_general3A_49 {dimension_numbers = #tpu.dot_dimension_numbers<[1], [0], [0], [1], [0, 0, 1, 1], [], []>, transpose_lhs_hint = false} : vector<2000x256xbf16>, vector<256x1xbf16>, vector<2000x1xf32> -> vector<2000x1xf32>
    %get3A_51 = arith.constant 0 : index
    %get3A_52 = arith.constant 0 : index
    %get3A_53 = vector.load %arg9[%get3A_51, %get3A_52] : memref<1x1xf32, #tpu.memory_space<vmem>>, vector<1x1xf32>
    %get3A_54 = vector.extract %get3A_53[0, 0] : f32 from vector<1x1xf32>
    %add3A_55 = vector.broadcast %get3A_54 : f32 to vector<2000x1xf32>
    %add3A_56 = arith.addf %dot_general3A_50, %add3A_55 : vector<2000x1xf32>
    %swap3A = arith.constant 0 : index
    %swap3A_57 = arith.constant 0 : index
    %swap3A_58 = vector.load %arg10[%swap3A, %swap3A_57] : memref<2000x1xf32, #tpu.memory_space<vmem>>, vector<2000x1xf32>
    tpu.vector_store %arg10[%swap3A, %swap3A_57], %add3A_56 {strides = array<i32>} : memref<2000x1xf32, #tpu.memory_space<vmem>>, vector<2000x1xf32>,
    %reduce_max3A = arith.constant dense<0xFF800000> : vector<1xf32>
    %reduce_max3A_59 = vector.multi_reduction <maximumf>, %add3A_56, %reduce_max3A [0] : vector<2000x1xf32> to vector<1xf32>
    %broadcast_in_dim3A = vector.shape_cast %reduce_max3A_59 : vector<1xf32> to vector<1x1xf32>
    %get3A_60 = arith.constant 0 : index
    %get3A_61 = arith.constant 0 : index
    %get3A_62 = vector.load %arg13[%get3A_60, %get3A_61] : memref<1x1xf32, #tpu.memory_space<vmem>>, vector<1x1xf32>
    %max3A_63 = arith.maximumf %get3A_62, %broadcast_in_dim3A : vector<1x1xf32>
    %sub3A = arith.subf %get3A_62, %max3A_63 : vector<1x1xf32>
    %exp3A = math.exp %sub3A : vector<1x1xf32>
    %sub3A_64 = vector.broadcast %max3A_63 : vector<1x1xf32> to vector<2000x1xf32>
    %sub3A_65 = arith.subf %add3A_56, %sub3A_64 : vector<2000x1xf32>
    %exp3A_66 = math.exp %sub3A_65 : vector<2000x1xf32>
    %get3A_67 = arith.constant 0 : index
    %get3A_68 = arith.constant 0 : index
    %get3A_69 = vector.load %arg14[%get3A_67, %get3A_68] : memref<1x1xf32, #tpu.memory_space<vmem>>, vector<1x1xf32>
    %mul3A_70 = arith.mulf %get3A_69, %exp3A : vector<1x1xf32>
    %reduce_sum3A = arith.constant dense<0.000000e+00> : vector<1xf32>
    %reduce_sum3A_71 = vector.multi_reduction <add>, %exp3A_66, %reduce_sum3A [0] : vector<2000x1xf32> to vector<1xf32>
    %broadcast_in_dim3A_72 = vector.shape_cast %reduce_sum3A_71 : vector<1xf32> to vector<1x1xf32>
    %add3A_73 = arith.addf %mul3A_70, %broadcast_in_dim3A_72 : vector<1x1xf32>
    %swap3A_74 = arith.constant 0 : index
    %swap3A_75 = arith.constant 0 : index
    %swap3A_76 = vector.load %arg14[%swap3A_74, %swap3A_75] : memref<1x1xf32, #tpu.memory_space<vmem>>, vector<1x1xf32>
    tpu.vector_store %arg14[%swap3A_74, %swap3A_75], %add3A_73 {strides = array<i32>} : memref<1x1xf32, #tpu.memory_space<vmem>>, vector<1x1xf32>,
    %mul3A_77 = vector.broadcast %exp3A_66 : vector<2000x1xf32> to vector<2000x512xf32>
    %mul3A_78 = arith.mulf %mul3A_77, %max3A_15 : vector<2000x512xf32>
    %reduce_sum3A_79 = arith.constant dense<0.000000e+00> : vector<512xf32>
    %reduce_sum3A_80 = vector.multi_reduction <add>, %mul3A_78, %reduce_sum3A_79 [0] : vector<2000x512xf32> to vector<512xf32>
    %broadcast_in_dim3A_81 = vector.shape_cast %reduce_sum3A_80 : vector<512xf32> to vector<1x512xf32>
    %get3A_82 = arith.constant 0 : index
    %get3A_83 = arith.constant 0 : index
    %get3A_84 = vector.load %arg12[%get3A_82, %get3A_83] : memref<1x512xf32, #tpu.memory_space<vmem>>, vector<1x512xf32>
    %mul3A_85 = vector.broadcast %exp3A : vector<1x1xf32> to vector<1x512xf32>
    %mul3A_86 = arith.mulf %get3A_84, %mul3A_85 : vector<1x512xf32>
    %add3A_87 = arith.addf %mul3A_86, %broadcast_in_dim3A_81 : vector<1x512xf32>
    %swap3A_88 = arith.constant 0 : index
    %swap3A_89 = arith.constant 0 : index
    %swap3A_90 = vector.load %arg12[%swap3A_88, %swap3A_89] : memref<1x512xf32, #tpu.memory_space<vmem>>, vector<1x512xf32>
    tpu.vector_store %arg12[%swap3A_88, %swap3A_89], %add3A_87 {strides = array<i32>} : memref<1x512xf32, #tpu.memory_space<vmem>>, vector<1x512xf32>,
    %swap3A_91 = arith.constant 0 : index
    %swap3A_92 = arith.constant 0 : index
    %swap3A_93 = vector.load %arg13[%swap3A_91, %swap3A_92] : memref<1x1xf32, #tpu.memory_space<vmem>>, vector<1x1xf32>
    tpu.vector_store %arg13[%swap3A_91, %swap3A_92], %max3A_63 {strides = array<i32>} : memref<1x1xf32, #tpu.memory_space<vmem>>, vector<1x1xf32>,
    %eq3A_94 = arith.constant 9 : i32
    %eq3A_95 = arith.cmpi eq, %arg0, %eq3A_94 : i32
    %convert_element_type3A_96 = arith.extui %eq3A_95 : i1 to i32
    %cond3A_97 = arith.constant 0 : i32
    %cond3A_98 = arith.cmpi ne, %convert_element_type3A_96, %cond3A_97 : i32
    scf.if %cond3A_98 {
      %get3A_99 = arith.constant 0 : index
      %get3A_100 = arith.constant 0 : index
      %get3A_101 = vector.load %arg12[%get3A_99, %get3A_100] : memref<1x512xf32, #tpu.memory_space<vmem>>, vector<1x512xf32>
      %get3A_102 = arith.constant 0 : index
      %get3A_103 = arith.constant 0 : index
      %get3A_104 = vector.load %arg14[%get3A_102, %get3A_103] : memref<1x1xf32, #tpu.memory_space<vmem>>, vector<1x1xf32>
      %div3A = vector.broadcast %get3A_104 : vector<1x1xf32> to vector<1x512xf32>
      %div3A_105 = arith.divf %get3A_101, %div3A : vector<1x512xf32>
      %swap3A_106 = arith.constant 0 : index
      %swap3A_107 = arith.constant 0 : index
      %swap3A_108 = vector.load %arg11[%swap3A_106, %swap3A_107] : memref<1x512xf32, #tpu.memory_space<vmem>>, vector<1x512xf32>
      tpu.vector_store %arg11[%swap3A_106, %swap3A_107], %div3A_105 {strides = array<i32>} : memref<1x512xf32, #tpu.memory_space<vmem>>, vector<1x512xf32>,
    } else {
    }
    return
  }
  func.func @transform_0(%arg0: i32) -> (i32, i32) {
    %c0_i32 = arith.constant 0 : i32
    %c0_i32_0 = arith.constant 0 : i32
    return %arg0, %c0_i32 : i32, i32
  }
  func.func @transform_1(%arg0: i32) -> (i32, i32) {
    %c0_i32 = arith.constant 0 : i32
    %c0_i32_0 = arith.constant 0 : i32
    %c0_i32_1 = arith.constant 0 : i32
    return %c0_i32, %c0_i32_0 : i32, i32
  }
  func.func @transform_2(%arg0: i32) -> (i32, i32) {
    %c0_i32 = arith.constant 0 : i32
    %c0_i32_0 = arith.constant 0 : i32
    %c0_i32_1 = arith.constant 0 : i32
    return %c0_i32, %c0_i32_0 : i32, i32
  }
  func.func @transform_3(%arg0: i32) -> (i32, i32) {
    %c0_i32 = arith.constant 0 : i32
    %c0_i32_0 = arith.constant 0 : i32
    %c0_i32_1 = arith.constant 0 : i32
    return %c0_i32, %c0_i32_0 : i32, i32
  }
  func.func @transform_4(%arg0: i32) -> (i32, i32) {
    %c0_i32 = arith.constant 0 : i32
    %c0_i32_0 = arith.constant 0 : i32
    %c0_i32_1 = arith.constant 0 : i32
    return %c0_i32, %c0_i32_0 : i32, i32
  }
  func.func @transform_5(%arg0: i32) -> (i32, i32) {
    %c0_i32 = arith.constant 0 : i32
    %c0_i32_0 = arith.constant 0 : i32
    %c0_i32_1 = arith.constant 0 : i32
    return %c0_i32, %c0_i32_0 : i32, i32
  }
  func.func @transform_6(%arg0: i32) -> (i32, i32) {
    %c0_i32 = arith.constant 0 : i32
    %c0_i32_0 = arith.constant 0 : i32
    %c0_i32_1 = arith.constant 0 : i32
    return %c0_i32, %c0_i32_0 : i32, i32
  }
  func.func @transform_7(%arg0: i32) -> (i32, i32) {
    %c0_i32 = arith.constant 0 : i32
    %c0_i32_0 = arith.constant 0 : i32
    %c0_i32_1 = arith.constant 0 : i32
    return %c0_i32, %c0_i32_0 : i32, i32
  }
  func.func @transform_8(%arg0: i32) -> (i32, i32) {
    %c0_i32 = arith.constant 0 : i32
    %c0_i32_0 = arith.constant 0 : i32
    %c0_i32_1 = arith.constant 0 : i32
    return %c0_i32, %c0_i32_0 : i32, i32
  }
  func.func @transform_9(%arg0: i32) -> (i32, i32) {
    %c0_i32 = arith.constant 0 : i32
    %c0_i32_0 = arith.constant 0 : i32
    return %arg0, %c0_i32 : i32, i32
  }
  func.func @transform_10(%arg0: i32) -> (i32, i32) {
    %c0_i32 = arith.constant 0 : i32
    %c0_i32_0 = arith.constant 0 : i32
    %c0_i32_1 = arith.constant 0 : i32
    return %c0_i32, %c0_i32_0 : i32, i32
  }
}

</mosaic_0001>

<sc_bundles>
// kernel: kernel.5.cloned.1.call-start
scs
__scs_entry_jumppad:
0x0: {  	(pc) =	sbr.rel $0x88, $3  }
0x1: {  	(tag) =	ssettag $0x0;
	lr =	simm.s32 $0x1  }
0x2: {  	[smem:$0x3F93] =	sst lr;
	_ =	strace $0xD0000000  }
0x3: {  	_ = 	snop  }
0x4: {  	_ = 	snop  }
0x5: {  	_ = 	snop  }
0x6: {  	_ = 	snop  }
0x7: {  	_ = 	snop  }
__scs_overlays_trampoline_lowered:
0x8: {  	[smem:$0x3FA2] =	sst s0  }
0x9: {  	[smem:$0x3FA3] =	sst s1  }
0xa: {  	[smem:$0x3FA4] =	sst s2  }
0xb: {  	[smem:$0x3FA5] =	sst s3  }
0xc: {  	[smem:$0x3FA6] =	sst s4  }
0xd: {  	[smem:$0x3FA7] =	sst s5  }
0xe: {  	[smem:$0x3FA8] =	sst s6  }
0xf: {  	[smem:$0x3FA9] =	sst s7  }
0x10: {  	[smem:$0x3FAA] =	sst s8  }
0x11: {  	[smem:$0x3FAB] =	sst s9;
	s0 =	simm.s32 @!p0 $0x0  }
0x12: {  	s1 =	sld [smem:$0x3F91];
	s0 =	simm.s32 @p0 $0x1  }
0x13: {  	[smem:$0x3FAC] =	sst s0;
	s0 =	simm.s32 @!p1 $0x0  }
0x14: {  	s2 =	sld [smem:$0x3F90];
	s0 =	simm.s32 @p1 $0x1  }
0x15: {  	[smem:$0x3FAD] =	sst s0;
	s0 =	simm.s32 @!p2 $0x0  }
0x16: {  	s3 =	sld [smem:$0x3FDB];
	s0 =	simm.s32 @p2 $0x1  }
0x17: {  	s4 =	simm.s32 $0x1BF5;
	[smem:$0x3FAF] =	sst s0  }
0x18: {  	s0 =	sld [smem:$0x3F92];
	_ =	swait.ge [sflag:s4], $0x0  }
0x19: {  	s7 =	sld [smem:$0x3F93]  }
0x1a: {  	s8 =	sadd.s32 $0xFFFFE003, lr  }
0x1b: {  	s9 =	sadd.s32 $0xFFFFFEF7, lr;
	s5 =	simm.s32 $0xFFFFFFFF;
	p2 =	slt.u32 s8, $0xFFFFF086  }
0x1c: {  	p1 =	slt.u32 s9, $0xF7A;
	s5 =	simm.s32 @!p2 $0x0  }
0x1d: {  	s5 =	simm.s32 @p1 $0x1;
	p0 =	seq.s32 s7, s2  }
0x1e: {  	s7 =	smul.u32 @!p0 $0xF7A, s2;
	p2 =	seq.s32 @!p0 s5, $0x0  }
0x1f: {  	s9 =	smul.u32 $0xF7A, s1;
	s8 =	simm.s32 @!p0 $0x1BF5;
	p2 =	por !p2, p0  }
0x20: {  	[sflag:s8] =	ssyncset.s32 @!p0 $0xFFFFF086;
	s6 =	sadd.s32 @!p0 s3, s7;
	s7 =	simm.s32 @!p0 $0x108  }
0x21: {  	s3 =	sadd.s32 s3, s9;
	s6 =	sadd.s32 @!p0 $0x88, s6;
	s7 =	simm.s32 @p2 $0x1082  }
0x22: {  	[simem:s7], [sflag:s8] =	dma.local @!p0 [hbm:s6], $0xF7A  }
0x23: {  	s9 =	sor.u32 $0xD0000000, s2;
	s6 =	simm.s32 $0x108;
	_ =	swait.ge @!p0 [sflag:s8], $0x0  }
0x24: {  	s3 =	sadd.s32 $0x88, s3;
	s6 =	simm.s32 @!p1 $0x1082;
	[sflag:s4] =	ssyncset.s32 $0xFFFFF086  }
0x25: {  	[simem:s6], [sflag:s4] =	dma.local [hbm:s3], $0xF7A  }
0x26: {  	[smem:$0x3F93] =	sst s1;
	(tag) =	ssettag s2;
	_ =	strace s9  }
0x27: {  	s1 =	sld [smem:$0x3FA3]  }
0x28: {  	s2 =	sld [smem:$0x3FA4]  }
0x29: {  	s4 =	sld [smem:$0x3FA6]  }
0x2a: {  	p0 =	seq.s32 s5, $0x0;
	s5 =	sld [smem:$0x3FA7]  }
0x2b: {  	s6 =	sld [smem:$0x3FA8]  }
0x2c: {  	s7 =	sld [smem:$0x3FA9]  }
0x2d: {  	s3 =	simm.s32 $0x108;
	s8 =	sld [smem:$0x3FAA]  }
0x2e: {  	s3 =	simm.s32 @!p0 $0x1082;
	s9 =	sld [smem:$0x3FAB]  }
0x2f: {  	lr =	sadd.s32 s0, s3;
	s0 =	sld [smem:$0x3FA2]  }
0x30: {  	s3 =	sld [smem:$0x3FA5]  }
0x31: {  	[smem:$0x3FAE] =	sst s10  }
0x32: {  	s10 =	sld [smem:$0x3FAC];
	_ =	sdelay $0x3  }
0x33: {  	p0 =	seq.s32 s10, $0x1;
	s10 =	sld [smem:$0x3FAE];
	_ =	sdelay $0x3  }
0x34: {  	[smem:$0x3FAE] =	sst s10  }
0x35: {  	s10 =	sld [smem:$0x3FAD];
	_ =	sdelay $0x3  }
0x36: {  	p1 =	seq.s32 s10, $0x1;
	s10 =	sld [smem:$0x3FAE];
	_ =	sdelay $0x3  }
0x37: {  	[smem:$0x3FAE] =	sst s10  }
0x38: {  	s10 =	sld [smem:$0x3FAF]  }
0x39: {  	_ = 	snop;
	(pc) =	sbr.ind lr, $3  }
0x3a: {  	_ = 	snop  }
0x3b: {  	_ = 	snop  }
0x3c: {  	p2 =	seq.s32 s10, $0x1;
	s10 =	sld [smem:$0x3FAE]  }
0x3d: {  	_ =	shalt  }
0x3e: {  	_ =	shalt  }
0x3f: {  	_ =	shalt  }
0x40: {  	_ =	shalt  }
0x41: {  	_ =	shalt  }
0x42: {  	_ =	shalt  }
0x43: {  	_ =	shalt  }
0x44: {  	_ =	shalt  }
0x45: {  	_ =	shalt  }
0x46: {  	_ =	shalt  }
0x47: {  	_ =	shalt  }
0x48: {  	_ =	shalt  }
0x49: {  	_ =	shalt  }
0x4a: {  	_ =	shalt  }
0x4b: {  	_ =	shalt  }
0x4c: {  	_ =	shalt  }
0x4d: {  	_ =	shalt  }
0x4e: {  	_ =	shalt  }
0x4f: {  	_ =	shalt  }
0x50: {  	_ =	shalt  }
0x51: {  	_ =	shalt  }
0x52: {  	_ =	shalt  }
0x53: {  	_ =	shalt  }
0x54: {  	_ =	shalt  }
0x55: {  	_ =	shalt  }
0x56: {  	_ =	shalt  }
0x57: {  	_ =	shalt  }
0x58: {  	_ =	shalt  }
0x59: {  	_ =	shalt  }
0x5a: {  	_ =	shalt  }
0x5b: {  	_ =	shalt  }
0x5c: {  	_ =	shalt  }
0x5d: {  	_ =	shalt  }
0x5e: {  	_ =	shalt  }
0x5f: {  	_ =	shalt  }
0x60: {  	_ =	shalt  }
0x61: {  	_ =	shalt  }
0x62: {  	_ =	shalt  }
0x63: {  	_ =	shalt  }
0x64: {  	_ =	shalt  }
0x65: {  	_ =	shalt  }
0x66: {  	_ =	shalt  }
0x67: {  	_ =	shalt  }
0x68: {  	_ =	shalt  }
0x69: {  	_ =	shalt  }
0x6a: {  	_ =	shalt  }
0x6b: {  	_ =	shalt  }
0x6c: {  	_ =	shalt  }
0x6d: {  	_ =	shalt  }
0x6e: {  	_ =	shalt  }
0x6f: {  	_ =	shalt  }
0x70: {  	_ =	shalt  }
0x71: {  	_ =	shalt  }
0x72: {  	_ =	shalt  }
0x73: {  	_ =	shalt  }
0x74: {  	_ =	shalt  }
0x75: {  	_ =	shalt  }
0x76: {  	_ =	shalt  }
0x77: {  	_ =	shalt  }
0x78: {  	_ =	shalt  }
0x79: {  	_ =	shalt  }
0x7a: {  	_ =	shalt  }
0x7b: {  	_ =	shalt  }
0x7c: {  	_ =	shalt  }
0x7d: {  	_ =	shalt  }
0x7e: {  	_ =	shalt  }
0x7f: {  	_ =	shalt  }
0x80: {  	_ =	shalt  }
0x81: {  	_ =	shalt  }
0x82: {  	_ =	shalt  }
0x83: {  	_ =	shalt  }
0x84: {  	_ =	shalt  }
0x85: {  	_ =	shalt  }
0x86: {  	_ =	shalt  }
0x87: {  	_ =	shalt  }
.Lfunc_end0:
.L_simem_size_0:
called_computation_lowered:
.L_overlay_start_0:
0x88: {  	s0 =	sld [smem:$0x3FD9]  }
0x89: {  	s1 =	sld [smem:$0x3FFE];
	_ =	sdelay $0x3  }
0x8a: {  	s0 =	sadd.s32 s1, s0  }
0x8b: {  	[smem:$0x3FBA] =	sst s0  }
0x8c: {  	_ = 	snop  }
0x8d: {  	s0 =	sld [smem:$0x3FC9]  }
0x8e: {  	s16 =	sld [smem:$0x3FD0];
	(tm) =	ssettm $0x1  }
0x8f: {  	s2 =	sld [smem:$0x3FFB];
	_ =	sdelay $0x3  }
0x90: {  	_ =	strace s2  }
0x91: {  	s2 =	sld [smem:$0x3FFC];
	_ =	sdelay $0x3  }
0x92: {  	_ =	strace s2  }
0x93: {  	s2 =	sld [smem:$0x3FFD];
	_ =	sdelay $0x3  }
0x94: {  	_ =	strace s2  }
0x95: {  	_ =	strace $0x8FFFFFFF  }
0x96: {  	s17 =	sld [smem:$0x3FDB];
	_ =	sdelay $0x1  }
0x97: {  	s3 =	simm.s32 $_scs_section_size  }
0x98: {  	s4 =	simm.s32 $_size__tile_overlayer_lowered;
	s5 =	simm.s32 $_tile_overlayer_lowered  }
0x99: {  	s20 =	simm.s32 $0x1BFF;
	s19 =	sshll.u32 s5, $0x1;
	s2 =	sadd.s32 s3, s17  }
0x9a: {  	s6 =	simm.s32 $0x0;
	s18 =	sshll.u32 s4, $0x1;
	s4 =	sadd.s32 s19, s2  }
0x9b: {  	[timem:s6], [sflag:s20] =	dma.local [hbm:s4], s18  }
0x9c: {  	_ =	swait.ge [sflag:s20], s18  }
0x9d: {  	s3 =	ssub.s32 $0x0, s18;
	[sflag:s20] =	ssyncset.done $0x0  }
0x9e: {  	[sflag:s20] =	ssyncadd.s32 s3;
	_ =	sdelay $0x1  }
0x9f: {  	s21 =	simm.s32 $0x1B8B  }
0xa0: {  	_ =	swait.ge [sflag:s21], $0x1  }
0xa1: {  	[sflag:s21] =	ssyncset.done $0x0  }
0xa2: {  	s23 =	simm.s32 $0x1B8E;
	s22 =	sld [smem:$0x3FFE];
	[sflag:s21] =	ssyncadd.s32 $0xFFFFFFFF  }
0xa3: {  	s24 =	simm.s32 $execute0_lowered;
	[smem:$0x3FD2] =	sst s23  }
0xa4: {  	s4 =	sshll.u32 s24, $0x1;
	_ =	strace $0x80000046;
	[dreg:$0x1] =	wrdreg $0xFFFFFFFF  }
0xa5: {  	s25 =	simm.s32 $_size_execute0_lowered;
	s2 =	sadd.s32 s2, s4;
	[dreg:$0x0] =	wrdreg $0x0  }
0xa6: {  	s4 =	sshll.u32 s25, $0x1;
	[dreg:$0x2] =	wrdreg s2  }
0xa7: {  	[dreg:$0x3] =	wrdreg s4  }
0xa8: {  	[dreg:$0x4] =	wrdreg $0xC0  }
0xa9: {  	_ =	task [dreg:s6], $0x5FFFF  }
0xaa: {  	[dreg:$0x1] =	wrdreg $0xFFFFFFFF  }
0xab: {  	[dreg:$0x0] =	wrdreg $0x60  }
0xac: {  	[dreg:$0x2] =	wrdreg s22  }
0xad: {  	[dreg:$0x3] =	wrdreg s0  }
0xae: {  	[dreg:$0x4] =	wrdreg s16  }
0xaf: {  	[dreg:$0x5] =	wrdreg $0x9  }
0xb0: {  	_ =	task.clear_ibuf [dreg:s6], $0x6FFFF;
	_ =	strace $0x90000046  }
0xb1: {  	s26 =	simm.s32 $0x9;
	_ =	strace $0x80000048  }
0xb2: {  	_ =	swait.ge [sflag:s26], $0x1  }
0xb3: {  	[sflag:s26] =	ssyncadd.s32 $0xFFFFFFFF  }
0xb4: {  	_ =	strace $0x90000048  }
0xb5: {  	_ =	sfence  }
0xb6: {  	s28 =	sld [smem:$0x0];
	_ =	sdelay $0x1  }
0xb7: {  	s29 =	srdreg.scid  }
0xb8: {  	s30 =	sshll.u32 s29, $0xD;
	s31 =	sshrl.u32 s29, $0x2  }
0xb9: {  	s1 =	sand.u32 $0x1, s29;
	s2 =	sand.u32 $0x4000, s30;
	s0 =	sadd.s32 s31, s28  }
0xba: {  	s1 =	sor.u32 s2, s1;
	s0 =	sshll.u32 s0, $0x11  }
0xbb: {  	s0 =	sor.u32 s0, s1  }
0xbc: {  	s0 =	sadd.s32 $0x8F2B, s0  }
0xbd: {  	[sflag:s0] =	ssyncadd.remote.s32 $0x1  }
0xbe: {  	_ =	sfence.sel $0xFFFF  }
0xbf: {  	[dreg:$0x0] =	wrdreg $0xFFFFFFFF;
	(pc) =	sbr.abs _section_cstart, $3  }
0xc0: {  	[dreg:$0x1] =	wrdreg $0xFFFFFFFF  }
0xc1: {  	_ =	task.clear_ibuf [dreg:s6], $0x2FFFF;
	_ =	strace $0x9FFFFFFF  }
0xc2: {  	(tm) =	ssettm $0x7FFFFFFF  }
0xc3: {  	_ =	shalt  }
tec
execute0_lowered:
.L_overlay_start_1:
0x0: {  	(tag) =	ssettag $0x1  }
0x1: {  	s4 =	rddreg [dreg:$0x0]  }
0x2: {  	s1 =	rddreg [dreg:$0x1];
	s10 =	stileid.u32  }
0x3: {  	s8 =	rddreg [dreg:$0x2];
	s2 =	smul.u32 $0xA0, s10  }
0x4: {  	s0 =	rddreg [dreg:$0x3];
	s3 =	simm.s32 $0x0  }
0x5: {  	[smem:$0x7FF] =	sst s3;
	s2 =	sadd.s32 s2, s4  }
0x6: {  	s28 =	simm.s32 $0x2;
	_ =	strace $0x80000047;
	s2 =	sadd.s32 $0x2000, s2  }
0x7: {  	[tilespmem:s3], [sflag:$0x2] =	stream.linear.gather [hbm4b:s2+s3], $0x500, $0x38;
	[tilespmem:$0x8580] =	vst v63  }
0x8: {  	_ =	swait.ge [sflag:s28], $0x500  }
0x9: {  	[sflag:s28] =	ssyncset.done $0x0  }
0xa: {  	s29 =	simm.s32 $0x0;
	[sflag:s28] =	ssyncadd.s32 $0xFFFFFB00  }
0xb: {  	v1 =	vld [tilespmem:s29+$0x0];
	_ =	sdelay $0x1  }
0xc: {  	s30 =	smul.u32 $0x500, s10;
	_ =	sdelay $0x1  }
0xd: {  	v2 =	vmov s30  }
0xe: {  	v0 =	vlaneseq.u32;
	vm0 =	vlt.u32 v2, $0x4E20;
	v2 =	vsub.f32 $0.0e+00, v1  }
0xf: {  	v3 =	vor.u32 s30, v0;
	v1 =	vnsel vm0, $0xFF61B1E6, v1  }
0x10: {  	(xrf1) =	vsort.ascd.msk.f32 $0xffff, v1, v3;
	v2 =	vnsel vm0, $0xFF61B1E6, v2  }
0x11: {  	(xrf1) =	vsort.ascd.msk.f32 $0xffff, v2, v3;
	_ =	sdelay $0x4  }
0x12: {  	s31 =	simm.s32 $0x10  }
0x13: {  	v1 =	vld [tilespmem:s31+$0x0];
	_ =	sdelay $0x2  }
0x14: {  	s3 =	sadd.s32 $0x10, s30  }
0x15: {  	v2 =	vmov s3  }
0x16: {  	vm13 =	vlt.u32 v2, $0x4E20;
	v2 =	vsub.f32 $0.0e+00, v1  }
0x17: {  	v3 =	vor.u32 s3, v0;
	v1 =	vnsel vm13, $0xFF61B1E6, v1  }
0x18: {  	v4 =	vimm.f32 $-3.000000010e+38;
	(xrf1) =	vsort.ascd.msk.f32 $0xffff, v1, v3;
	v2 =	vnsel vm13, $0xFF61B1E6, v2;
	v5, v6, _ =	vpop (xrf1)  }
0x19: {  	v1 =	vimm.s32 $0x0;
	(xrf1) =	vsort.ascd.msk.f32 $0xffff, v2, v3;
	vm14 =	vge.f32 v4, v5;
	v7, v8, _ =	vpop (xrf1)  }
0x1a: {  	v2 =	vsel vm14, v4, v5;
	v3 =	vsel vm14, v1, v6;
	vm15 =	vge.f32 v4, v7  }
0x1b: {  	(xrf1) =	vsort.dscd.msk.f32 $0xffff, v2, v3;
	v4 =	vsel vm15, v4, v7;
	v1 =	vsel vm15, v1, v8  }
0x1c: {  	(xrf1) =	vsort.dscd.msk.f32 $0xffff, v4, v1;
	_ =	sdelay $0x4  }
0x1d: {  	s7 =	simm.s32 $0x20  }
0x1e: {  	v1 =	vld [tilespmem:s7+$0x0]  }
0x1f: {  	s9 =	sadd.s32 $0x2A00, s4;
	s6 =	sadd.s32 $0x2C00, s4  }
0x20: {  	s5 =	sadd.s32 $0x2E00, s4;
	s2 =	sadd.s32 $0x3000, s4;
	s4 =	simm.s32 $0xC0  }
.LBB2_1:
0x21: {  	p0 =	sne.s32 s4, $0x13C0;
	s3 =	sadd.s32 $0x10, s3  }
0x22: {  	v2 =	vmov s3;
	v3, v4, _ =	vpop (xrf1)  }
0x23: {  	vm0 =	vlt.u32 v2, $0x4E20;
	v12 =	vsub.f32 $0.0e+00, v1;
	v5, v6, _ =	vpop (xrf1)  }
0x24: {  	v11 =	vor.u32 s3, v0;
	v9 =	vnsel vm0, $0xFF61B1E6, v1  }
0x25: {  	v10 =	vnsel vm0, $0xFF61B1E6, v12;
	(xrf1) =	vsort.ascd.msk.f32 $0xffff, v9, v11;
	v1, v8, _ =	vpop (xrf1)  }
0x26: {  	(xrf1) =	vsort.ascd.msk.f32 $0xffff, v10, v11;
	vm0 =	vge.f32 v1, v3;
	v2, v7, _ =	vpop (xrf1)  }
0x27: {  	v1 =	vsel vm0, v1, v3;
	v3 =	vsel vm0, v8, v4;
	vm0 =	vge.f32 v2, v5  }
0x28: {  	v2 =	vsel vm0, v2, v5;
	v4 =	vsel vm0, v7, v6;
	(xrf1) =	vsort.dscd.msk.f32 $0xffff, v1, v3  }
0x29: {  	(xrf1) =	vsort.dscd.msk.f32 $0xffff, v2, v4;
	_ =	sdelay $0x3  }
.Ltmp0:
0x2a: {  	(pc) =	sbr.rel @p0 .LBB2_1-.Ltmp0, $3  }
0x2b: {  	s7 =	sshra.s32 s4, $0x2  }
0x2c: {  	v1 =	vld [tilespmem:s7+$0x0];
	_ =	sdelay $0x1  }
0x2d: {  	s4 =	sadd.s32 $0x40, s4  }
0x2e: {  	_ = 	snop  }
0x2f: {  	s3 =	sadd.s32 $0x10, s3  }
0x30: {  	v2 =	vmov s3;
	v3, v4, _ =	vpop (xrf1)  }
0x31: {  	vm0 =	vlt.u32 v2, $0x4E20;
	v44 =	vsub.f32 $0.0e+00, v1;
	v5, v6, _ =	vpop (xrf1)  }
0x32: {  	v0 =	vor.u32 s3, v0;
	v45 =	vnsel vm0, $0xFF61B1E6, v1;
	v7, v8, _ =	vpop (xrf1)  }
0x33: {  	(xrf1) =	vsort.ascd.msk.f32 $0xffff, v45, v0;
	v46 =	vnsel vm0, $0xFF61B1E6, v44;
	vm12 =	vge.f32 v7, v3  }
0x34: {  	(xrf1) =	vsort.ascd.msk.f32 $0xffff, v46, v0;
	v47 =	vsel vm12, v7, v3;
	v48 =	vsel vm12, v8, v4  }
0x35: {  	v49, v50, _ =	vpop (xrf1);
	(xrf1) =	vsort.dscd.msk.f32 $0xffff, v47, v48  }
0x36: {  	vm13 =	vge.f32 v49, v5  }
0x37: {  	v51 =	vsel vm13, v49, v5;
	v52 =	vsel vm13, v50, v6  }
0x38: {  	(xrf1) =	vsort.dscd.msk.f32 $0xffff, v51, v52;
	_ =	sdelay $0x8  }
0x39: {  	v0, v1, _ =	vpop (xrf1)  }
0x3a: {  	v53, v54, _ =	vpop (xrf1)  }
0x3b: {  	v55, v56, _ =	vpop (xrf1)  }
0x3c: {  	vm14 =	vge.f32 v55, v0  }
0x3d: {  	v0 =	vsel vm14, v55, v0;
	v1 =	vsel vm14, v56, v1  }
0x3e: {  	v57, v58, _ =	vpop (xrf1);
	(xrf1) =	vsort.dscd.msk.f32 $0xffff, v0, v1  }
0x3f: {  	vm15 =	vge.f32 v57, v53  }
0x40: {  	v59 =	vsel vm15, v57, v53;
	v60 =	vsel vm15, v58, v54  }
0x41: {  	(xrf1) =	vsort.dscd.msk.f32 $0xffff, v59, v60;
	_ =	sdelay $0xa  }
0x42: {  	s11 =	sshll.u32 s10, $0x1;
	v0, v1, _ =	vpop (xrf1)  }
0x43: {  	s7 =	simm.s32 $0x500;
	s4 =	sadd.s32 s8, s11;
	s3 =	simm.s32 $0x0;
	[tilespmem:$0x500] =	vst v0  }
0x44: {  	[hbm4b:s4+s3] =	stream.linear.scatter [tilespmem:s7], [sflag:$0x2], $0x10, $0x38;
	[tilespmem:$0x8580] =	vst v63  }
0x45: {  	v62, v61, _ =	vpop (xrf1);
	s4 =	simm.s32 $0x2  }
0x46: {  	_ =	swait.ge [sflag:s4], $0x10  }
0x47: {  	v1 =	vcvt.s32.f32 v1;
	[sflag:s4] =	ssyncset.done $0x0  }
0x48: {  	[sflag:s4] =	ssyncadd.s32 $0xFFFFFFF0  }
0x49: {  	s12 =	sadd.s32 s9, s11;
	[tilespmem:$0x500] =	vst v1  }
0x4a: {  	[hbm4b:s12+s3] =	stream.linear.scatter [tilespmem:s7], [sflag:$0x2], $0x10, $0x38;
	[tilespmem:$0x8580] =	vst v63  }
0x4b: {  	_ =	swait.ge [sflag:s4], $0x10  }
0x4c: {  	[sflag:s4] =	ssyncset.done $0x0  }
0x4d: {  	[sflag:s4] =	ssyncadd.s32 $0xFFFFFFF0  }
0x4e: {  	s31 =	sadd.s32 s6, s11;
	[tilespmem:$0x500] =	vst v62  }
0x4f: {  	[hbm4b:s31+s3] =	stream.linear.scatter [tilespmem:s7], [sflag:$0x2], $0x10, $0x38;
	[tilespmem:$0x8580] =	vst v63  }
0x50: {  	_ =	swait.ge [sflag:s4], $0x10  }
0x51: {  	v63 =	vcvt.s32.f32 v61;
	[sflag:s4] =	ssyncset.done $0x0  }
0x52: {  	[sflag:s4] =	ssyncadd.s32 $0xFFFFFFF0  }
0x53: {  	s11 =	sadd.s32 s5, s11;
	[tilespmem:$0x500] =	vst v63  }
0x54: {  	[hbm4b:s11+s3] =	stream.linear.scatter [tilespmem:s7], [sflag:$0x2], $0x10, $0x38;
	[tilespmem:$0x8580] =	vst v63  }
0x55: {  	_ =	swait.ge [sflag:s4], $0x10  }
0x56: {  	[sflag:s4] =	ssyncset.done $0x0  }
0x57: {  	[sflag:s4] =	ssyncadd.s32 $0xFFFFFFF0  }
0x58: {  	p0 =	sne.s32 s10, $0x0;
	[bflag:$0x0] =	sbarrier.arrive $0xFFFF  }
0x59: {  	_ =	sfence.sel @p0 $0x180000  }
0x5a: {  	[bflag:$0x0] =	sbarrier.arrive @p0 $0xFFFF  }
0x5b: {  	_ =	strace @p0 $0x90000047  }
0x5c: {  	[bflag:$0x2] =	sbarrier.arrive @p0 $0xFFFF  }
0x5d: {  	_ =	shalt @p0  }
.LBB2_3:
0x5e: {  	[tilespmem:s7], [sflag:$0x2] =	stream.linear.gather [hbm4b:s8+s3], $0x10, $0x38;
	[tilespmem:$0x8580] =	vst v63  }
0x5f: {  	_ =	swait.ge [sflag:s4], $0x10  }
0x60: {  	[sflag:s4] =	ssyncset.done $0x0  }
0x61: {  	[sflag:s4] =	ssyncadd.s32 $0xFFFFFFF0  }
0x62: {  	v2 =	vld [tilespmem:$0x500];
	[tilespmem:s7], [sflag:$0x2] =	stream.linear.gather [hbm4b:s9+s3], $0x10, $0x38  }
0x63: {  	_ =	swait.ge [sflag:s4], $0x10  }
0x64: {  	[sflag:s4] =	ssyncset.done $0x0  }
0x65: {  	s10 =	sadd.s32 $0x2, s8;
	[sflag:s4] =	ssyncadd.s32 $0xFFFFFFF0  }
0x66: {  	v0 =	vld [tilespmem:$0x500];
	[tilespmem:s7], [sflag:$0x2] =	stream.linear.gather [hbm4b:s10+s3], $0x10, $0x38  }
0x67: {  	_ =	swait.ge [sflag:s4], $0x10  }
0x68: {  	[sflag:s4] =	ssyncset.done $0x0  }
0x69: {  	s16 =	sadd.s32 $0x2, s9;
	[sflag:s4] =	ssyncadd.s32 $0xFFFFFFF0  }
0x6a: {  	v4 =	vld [tilespmem:$0x500];
	[tilespmem:s7], [sflag:$0x2] =	stream.linear.gather [hbm4b:s16+s3], $0x10, $0x38  }
0x6b: {  	_ =	swait.ge [sflag:s4], $0x10  }
0x6c: {  	[sflag:s4] =	ssyncset.done $0x0  }
0x6d: {  	s17 =	sadd.s32 $0x4, s8;
	[sflag:s4] =	ssyncadd.s32 $0xFFFFFFF0  }
0x6e: {  	v1 =	vld [tilespmem:$0x500];
	[tilespmem:s7], [sflag:$0x2] =	stream.linear.gather [hbm4b:s17+s3], $0x10, $0x38  }
0x6f: {  	_ =	swait.ge [sflag:s4], $0x10  }
0x70: {  	[sflag:s4] =	ssyncset.done $0x0  }
0x71: {  	s18 =	sadd.s32 $0x4, s9;
	[sflag:s4] =	ssyncadd.s32 $0xFFFFFFF0  }
0x72: {  	v3 =	vld [tilespmem:$0x500];
	[tilespmem:s7], [sflag:$0x2] =	stream.linear.gather [hbm4b:s18+s3], $0x10, $0x38  }
0x73: {  	_ =	swait.ge [sflag:s4], $0x10  }
0x74: {  	[sflag:s4] =	ssyncset.done $0x0  }
0x75: {  	s19 =	sadd.s32 $0x6, s8;
	[sflag:s4] =	ssyncadd.s32 $0xFFFFFFF0  }
0x76: {  	v11 =	vld [tilespmem:$0x500];
	[tilespmem:s7], [sflag:$0x2] =	stream.linear.gather [hbm4b:s19+s3], $0x10, $0x38  }
0x77: {  	_ =	swait.ge [sflag:s4], $0x10  }
0x78: {  	[sflag:s4] =	ssyncset.done $0x0  }
0x79: {  	s20 =	sadd.s32 $0x6, s9;
	[sflag:s4] =	ssyncadd.s32 $0xFFFFFFF0  }
0x7a: {  	v6 =	vld [tilespmem:$0x500];
	[tilespmem:s7], [sflag:$0x2] =	stream.linear.gather [hbm4b:s20+s3], $0x10, $0x38  }
0x7b: {  	_ =	swait.ge [sflag:s4], $0x10  }
0x7c: {  	[sflag:s4] =	ssyncset.done $0x0  }
0x7d: {  	s21 =	sadd.s32 $0x8, s8;
	[sflag:s4] =	ssyncadd.s32 $0xFFFFFFF0  }
0x7e: {  	v12 =	vld [tilespmem:$0x500];
	[tilespmem:s7], [sflag:$0x2] =	stream.linear.gather [hbm4b:s21+s3], $0x10, $0x38  }
0x7f: {  	_ =	swait.ge [sflag:s4], $0x10  }
0x80: {  	[sflag:s4] =	ssyncset.done $0x0  }
0x81: {  	s22 =	sadd.s32 $0x8, s9;
	[sflag:s4] =	ssyncadd.s32 $0xFFFFFFF0  }
0x82: {  	v5 =	vld [tilespmem:$0x500];
	[tilespmem:s7], [sflag:$0x2] =	stream.linear.gather [hbm4b:s22+s3], $0x10, $0x38  }
0x83: {  	_ =	swait.ge [sflag:s4], $0x10  }
0x84: {  	[sflag:s4] =	ssyncset.done $0x0  }
0x85: {  	s23 =	sadd.s32 $0xA, s8;
	[sflag:s4] =	ssyncadd.s32 $0xFFFFFFF0  }
0x86: {  	v14 =	vld [tilespmem:$0x500];
	[tilespmem:s7], [sflag:$0x2] =	stream.linear.gather [hbm4b:s23+s3], $0x10, $0x38  }
0x87: {  	_ =	swait.ge [sflag:s4], $0x10  }
0x88: {  	[sflag:s4] =	ssyncset.done $0x0  }
0x89: {  	s24 =	sadd.s32 $0xA, s9;
	[sflag:s4] =	ssyncadd.s32 $0xFFFFFFF0  }
0x8a: {  	v8 =	vld [tilespmem:$0x500];
	[tilespmem:s7], [sflag:$0x2] =	stream.linear.gather [hbm4b:s24+s3], $0x10, $0x38  }
0x8b: {  	_ =	swait.ge [sflag:s4], $0x10  }
0x8c: {  	[sflag:s4] =	ssyncset.done $0x0  }
0x8d: {  	s25 =	sadd.s32 $0xC, s8;
	[sflag:s4] =	ssyncadd.s32 $0xFFFFFFF0  }
0x8e: {  	v15 =	vld [tilespmem:$0x500];
	[tilespmem:s7], [sflag:$0x2] =	stream.linear.gather [hbm4b:s25+s3], $0x10, $0x38  }
0x8f: {  	_ =	swait.ge [sflag:s4], $0x10  }
0x90: {  	[sflag:s4] =	ssyncset.done $0x0  }
0x91: {  	s26 =	sadd.s32 $0xC, s9;
	[sflag:s4] =	ssyncadd.s32 $0xFFFFFFF0  }
0x92: {  	v7 =	vld [tilespmem:$0x500];
	[tilespmem:s7], [sflag:$0x2] =	stream.linear.gather [hbm4b:s26+s3], $0x10, $0x38  }
0x93: {  	_ =	swait.ge [sflag:s4], $0x10  }
0x94: {  	[sflag:s4] =	ssyncset.done $0x0  }
0x95: {  	s28 =	sadd.s32 $0xE, s8;
	[sflag:s4] =	ssyncadd.s32 $0xFFFFFFF0  }
0x96: {  	v16 =	vld [tilespmem:$0x500];
	[tilespmem:s7], [sflag:$0x2] =	stream.linear.gather [hbm4b:s28+s3], $0x10, $0x38  }
0x97: {  	_ =	swait.ge [sflag:s4], $0x10  }
0x98: {  	[sflag:s4] =	ssyncset.done $0x0  }
0x99: {  	s29 =	sadd.s32 $0xE, s9;
	[sflag:s4] =	ssyncadd.s32 $0xFFFFFFF0  }
0x9a: {  	v10 =	vld [tilespmem:$0x500];
	[tilespmem:s7], [sflag:$0x2] =	stream.linear.gather [hbm4b:s29+s3], $0x10, $0x38  }
0x9b: {  	_ =	swait.ge [sflag:s4], $0x10  }
0x9c: {  	[sflag:s4] =	ssyncset.done $0x0  }
0x9d: {  	s30 =	sadd.s32 $0x10, s8;
	[sflag:s4] =	ssyncadd.s32 $0xFFFFFFF0  }
0x9e: {  	v17 =	vld [tilespmem:$0x500];
	[tilespmem:s7], [sflag:$0x2] =	stream.linear.gather [hbm4b:s30+s3], $0x10, $0x38  }
0x9f: {  	_ =	swait.ge [sflag:s4], $0x10  }
0xa0: {  	[sflag:s4] =	ssyncset.done $0x0  }
0xa1: {  	s31 =	sadd.s32 $0x10, s9;
	[sflag:s4] =	ssyncadd.s32 $0xFFFFFFF0  }
0xa2: {  	v9 =	vld [tilespmem:$0x500];
	[tilespmem:s7], [sflag:$0x2] =	stream.linear.gather [hbm4b:s31+s3], $0x10, $0x38  }
0xa3: {  	_ =	swait.ge [sflag:s4], $0x10  }
0xa4: {  	[sflag:s4] =	ssyncset.done $0x0  }
0xa5: {  	s11 =	sadd.s32 $0x12, s8;
	[sflag:s4] =	ssyncadd.s32 $0xFFFFFFF0  }
0xa6: {  	v18 =	vld [tilespmem:$0x500];
	[tilespmem:s7], [sflag:$0x2] =	stream.linear.gather [hbm4b:s11+s3], $0x10, $0x38  }
0xa7: {  	_ =	swait.ge [sflag:s4], $0x10  }
0xa8: {  	[sflag:s4] =	ssyncset.done $0x0  }
0xa9: {  	s12 =	sadd.s32 $0x12, s9;
	[sflag:s4] =	ssyncadd.s32 $0xFFFFFFF0  }
0xaa: {  	v19 =	vld [tilespmem:$0x500];
	[tilespmem:s7], [sflag:$0x2] =	stream.linear.gather [hbm4b:s12+s3], $0x10, $0x38  }
0xab: {  	_ =	swait.ge [sflag:s4], $0x10  }
0xac: {  	[sflag:s4] =	ssyncset.done $0x0  }
0xad: {  	s13 =	sadd.s32 $0x14, s8;
	[sflag:s4] =	ssyncadd.s32 $0xFFFFFFF0  }
0xae: {  	v20 =	vld [tilespmem:$0x500];
	[tilespmem:s7], [sflag:$0x2] =	stream.linear.gather [hbm4b:s13+s3], $0x10, $0x38  }
0xaf: {  	_ =	swait.ge [sflag:s4], $0x10  }
0xb0: {  	[sflag:s4] =	ssyncset.done $0x0  }
0xb1: {  	s14 =	sadd.s32 $0x14, s9;
	[sflag:s4] =	ssyncadd.s32 $0xFFFFFFF0  }
0xb2: {  	v13 =	vld [tilespmem:$0x500];
	[tilespmem:s7], [sflag:$0x2] =	stream.linear.gather [hbm4b:s14+s3], $0x10, $0x38  }
0xb3: {  	_ =	swait.ge [sflag:s4], $0x10  }
0xb4: {  	[sflag:s4] =	ssyncset.done $0x0  }
0xb5: {  	s15 =	sadd.s32 $0x16, s8;
	[sflag:s4] =	ssyncadd.s32 $0xFFFFFFF0  }
0xb6: {  	v21 =	vld [tilespmem:$0x500];
	[tilespmem:s7], [sflag:$0x2] =	stream.linear.gather [hbm4b:s15+s3], $0x10, $0x38  }
0xb7: {  	_ =	swait.ge [sflag:s4], $0x10  }
0xb8: {  	[sflag:s4] =	ssyncset.done $0x0  }
0xb9: {  	s16 =	sadd.s32 $0x16, s9;
	[sflag:s4] =	ssyncadd.s32 $0xFFFFFFF0  }
0xba: {  	v22 =	vld [tilespmem:$0x500];
	[tilespmem:s7], [sflag:$0x2] =	stream.linear.gather [hbm4b:s16+s3], $0x10, $0x38  }
0xbb: {  	_ =	swait.ge [sflag:s4], $0x10  }
0xbc: {  	[sflag:s4] =	ssyncset.done $0x0  }
0xbd: {  	s17 =	sadd.s32 $0x18, s8;
	[sflag:s4] =	ssyncadd.s32 $0xFFFFFFF0  }
0xbe: {  	v23 =	vld [tilespmem:$0x500];
	[tilespmem:s7], [sflag:$0x2] =	stream.linear.gather [hbm4b:s17+s3], $0x10, $0x38  }
0xbf: {  	_ =	swait.ge [sflag:s4], $0x10  }
0xc0: {  	[sflag:s4] =	ssyncset.done $0x0  }
0xc1: {  	s18 =	sadd.s32 $0x18, s9;
	[sflag:s4] =	ssyncadd.s32 $0xFFFFFFF0  }
0xc2: {  	v24 =	vld [tilespmem:$0x500];
	[tilespmem:s7], [sflag:$0x2] =	stream.linear.gather [hbm4b:s18+s3], $0x10, $0x38  }
0xc3: {  	_ =	swait.ge [sflag:s4], $0x10  }
0xc4: {  	[sflag:s4] =	ssyncset.done $0x0  }
0xc5: {  	s19 =	sadd.s32 $0x1A, s8;
	[sflag:s4] =	ssyncadd.s32 $0xFFFFFFF0  }
0xc6: {  	v25 =	vld [tilespmem:$0x500];
	[tilespmem:s7], [sflag:$0x2] =	stream.linear.gather [hbm4b:s19+s3], $0x10, $0x38  }
0xc7: {  	_ =	swait.ge [sflag:s4], $0x10  }
0xc8: {  	[sflag:s4] =	ssyncset.done $0x0  }
0xc9: {  	s20 =	sadd.s32 $0x1A, s9;
	[sflag:s4] =	ssyncadd.s32 $0xFFFFFFF0  }
0xca: {  	v26 =	vld [tilespmem:$0x500];
	[tilespmem:s7], [sflag:$0x2] =	stream.linear.gather [hbm4b:s20+s3], $0x10, $0x38  }
0xcb: {  	_ =	swait.ge [sflag:s4], $0x10  }
0xcc: {  	v0 =	vtrunc.f32 v0;
	[sflag:s4] =	ssyncset.done $0x0  }
0xcd: {  	v28 =	vcvt.f32.s32 v0;
	v0 =	vlaneseq.u32;
	s21 =	sadd.s32 $0x1C, s8;
	[sflag:s4] =	ssyncadd.s32 $0xFFFFFFF0  }
0xce: {  	v61 =	vmul.u32 $0xFFFFFFFF, v0;
	v27 =	vld [tilespmem:$0x500];
	[tilespmem:s7], [sflag:$0x2] =	stream.linear.gather [hbm4b:s21+s3], $0x10, $0x38  }
0xcf: {  	v52 =	vtrunc.f32 v1;
	_ =	swait.ge [sflag:s4], $0x10  }
0xd0: {  	v1 =	vadd.s32 $0xF, v61;
	v29 =	vcvt.f32.s32 v52;
	[sflag:s4] =	ssyncset.done $0x0  }
0xd1: {  	v4 =	vperm.xlane v4, v1;
	v53 =	vtrunc.f32 v11;
	s22 =	sadd.s32 $0x1C, s9;
	[sflag:s4] =	ssyncadd.s32 $0xFFFFFFF0  }
0xd2: {  	v29 =	vperm.xlane v29, v1;
	v30 =	vcvt.f32.s32 v53;
	v11 =	vld [tilespmem:$0x500];
	[tilespmem:s7], [sflag:$0x2] =	stream.linear.gather [hbm4b:s22+s3], $0x10, $0x38  }
0xd3: {  	vm0 =	vge.f32 v2, v4;
	v6 =	vperm.xlane v6, v1;
	v54 =	vtrunc.f32 v12;
	_ =	swait.ge [sflag:s4], $0x10  }
0xd4: {  	v2 =	vsel vm0, v2, v4;
	v12 =	vcvt.f32.s32 v54;
	v56 =	vtrunc.f32 v15;
	[sflag:s4] =	ssyncset.done $0x0  }
0xd5: {  	v35 =	vsel vm0, v28, v29;
	s23 =	sadd.s32 $0x1E, s8;
	v55 =	vtrunc.f32 v14;
	v15 =	vcvt.f32.s32 v56;
	[sflag:s4] =	ssyncadd.s32 $0xFFFFFFF0  }
0xd6: {  	vm10 =	vge.f32 v3, v6;
	v34 =	vperm.xlane v12, v1;
	v14 =	vcvt.f32.s32 v55;
	v59 =	vld [tilespmem:$0x500];
	[tilespmem:s7], [sflag:$0x2] =	stream.linear.gather [hbm4b:s23+s3], $0x10, $0x38  }
0xd7: {  	v36 =	vsel vm10, v3, v6;
	v8 =	vperm.xlane v8, v1;
	v39 =	vperm.xlane v15, v1;
	_ =	swait.ge [sflag:s4], $0x10  }
0xd8: {  	v37 =	vsel vm10, v30, v34;
	v57 =	vtrunc.f32 v16;
	v58 =	vtrunc.f32 v17;
	[sflag:s4] =	ssyncset.done $0x0  }
0xd9: {  	s24 =	sadd.s32 $0x1E, s9;
	vm11 =	vge.f32 v5, v8;
	v16 =	vcvt.f32.s32 v57;
	v31 =	vcvt.f32.s32 v58;
	[sflag:s4] =	ssyncadd.s32 $0xFFFFFFF0  }
0xda: {  	v41 =	vsel vm11, v5, v8;
	v10 =	vperm.xlane v10, v1;
	v60 =	vtrunc.f32 v18;
	v33 =	vld [tilespmem:$0x500];
	[tilespmem:s7], [sflag:$0x2] =	stream.linear.gather [hbm4b:s24+s3], $0x10, $0x38  }
0xdb: {  	v43 =	vsel vm11, v14, v39;
	v42 =	vperm.xlane v31, v1;
	v32 =	vcvt.f32.s32 v60;
	_ =	swait.ge [sflag:s4], $0x10  }
0xdc: {  	vm12 =	vge.f32 v7, v10;
	v44 =	vperm.xlane v19, v1;
	v62 =	vtrunc.f32 v20;
	[sflag:s4] =	ssyncset.done $0x0  }
0xdd: {  	v46 =	vsel vm12, v7, v10;
	v20 =	vcvt.f32.s32 v62;
	v63 =	vtrunc.f32 v23;
	[sflag:s4] =	ssyncadd.s32 $0xFFFFFFF0  }
0xde: {  	v3 =	vsel vm12, v16, v42;
	v21 =	vtrunc.f32 v21;
	v18 =	vcvt.f32.s32 v63;
	v38 =	vld [tilespmem:$0x500]  }
0xdf: {  	vm13 =	vge.f32 v9, v44;
	v47 =	vperm.xlane v20, v1;
	v21 =	vcvt.f32.s32 v21  }
0xe0: {  	v50 =	vsel vm13, v9, v44;
	v48 =	vperm.xlane v22, v1;
	v52 =	vperm.xlane v18, v1  }
0xe1: {  	v51 =	vsel vm13, v32, v47;
	v25 =	vtrunc.f32 v25;
	v40 =	vtrunc.f32 v27  }
0xe2: {  	vm14 =	vge.f32 v13, v48;
	v25 =	vcvt.f32.s32 v25;
	v45 =	vcvt.f32.s32 v40;
	(xrf1) =	vsort.dscd.msk.f32 $0xffff, v2, v35  }
0xe3: {  	v53 =	vsel vm14, v13, v48;
	v54 =	vperm.xlane v26, v1;
	(xrf1) =	vsort.dscd.msk.f32 $0xffff, v36, v37;
	v4 =	vtrunc.f32 v38  }
0xe4: {  	v5 =	vsel vm14, v21, v52;
	v55 =	vperm.xlane v45, v1;
	(xrf1) =	vsort.dscd.msk.f32 $0xffff, v41, v43;
	v4 =	vcvt.f32.s32 v4  }
0xe5: {  	vm15 =	vge.f32 v24, v54;
	v49 =	vtrunc.f32 v59;
	(xrf1) =	vsort.dscd.msk.f32 $0xffff, v46, v3;
	v56 =	vperm.xlane v33, v1  }
0xe6: {  	v59 =	vsel vm15, v25, v55;
	v57 =	vcvt.f32.s32 v49;
	(xrf1) =	vsort.dscd.msk.f32 $0xffff, v50, v51;
	v58 =	vperm.xlane v4, v1  }
0xe7: {  	v3 =	vsel vm15, v24, v54;
	(xrf1) =	vsort.dscd.msk.f32 $0xffff, v53, v5;
	vm4 =	vge.f32 v11, v56  }
0xe8: {  	(xrf1) =	vsort.dscd.msk.f32 $0xffff, v3, v59;
	v60 =	vsel vm4, v11, v56;
	v2 =	vsel vm4, v57, v58  }
0xe9: {  	(xrf1) =	vsort.dscd.msk.f32 $0xffff, v60, v2;
	_ =	sdelay $0x6  }
0xea: {  	v2, v3, _ =	vpop (xrf1)  }
0xeb: {  	v62, v61, _ =	vpop (xrf1)  }
0xec: {  	v63, v18, _ =	vpop (xrf1)  }
0xed: {  	v4 =	vperm.xlane v62, v1;
	v20, v19, _ =	vpop (xrf1)  }
0xee: {  	v5 =	vperm.xlane v61, v1;
	v21, v22, _ =	vpop (xrf1);
	v8 =	vperm.xlane v20, v1  }
0xef: {  	vm5 =	vge.f32 v2, v4;
	v27 =	vperm.xlane v19, v1;
	v23, v24, _ =	vpop (xrf1)  }
0xf0: {  	v2 =	vsel vm5, v2, v4;
	v3 =	vsel vm5, v3, v5;
	v26, v25, _ =	vpop (xrf1);
	vm6 =	vge.f32 v63, v8  }
0xf1: {  	(xrf1) =	vsort.dscd.msk.f32 $0xffff, v2, v3;
	v31 =	vperm.xlane v23, v1;
	v32 =	vperm.xlane v24, v1;
	v29, v28, _ =	vpop (xrf1)  }
0xf2: {  	v30 =	vsel vm6, v63, v8;
	v5 =	vsel vm6, v18, v27;
	v33 =	vperm.xlane v29, v1  }
0xf3: {  	(xrf1) =	vsort.dscd.msk.f32 $0xffff, v30, v5;
	vm7 =	vge.f32 v21, v31;
	v34 =	vperm.xlane v28, v1  }
0xf4: {  	v3 =	vsel vm7, v21, v31;
	v35 =	vsel vm7, v22, v32;
	vm8 =	vge.f32 v26, v33  }
0xf5: {  	(xrf1) =	vsort.dscd.msk.f32 $0xffff, v3, v35;
	v36 =	vsel vm8, v26, v33;
	v2 =	vsel vm8, v25, v34  }
0xf6: {  	(xrf1) =	vsort.dscd.msk.f32 $0xffff, v36, v2;
	_ =	sdelay $0xa  }
0xf7: {  	v2, v3, _ =	vpop (xrf1)  }
0xf8: {  	v38, v37, _ =	vpop (xrf1)  }
0xf9: {  	v39, v40, _ =	vpop (xrf1)  }
0xfa: {  	v4 =	vperm.xlane v38, v1;
	v41, v42, _ =	vpop (xrf1)  }
0xfb: {  	v5 =	vperm.xlane v37, v1;
	v8 =	vperm.xlane v41, v1  }
0xfc: {  	vm9 =	vge.f32 v2, v4;
	v9 =	vperm.xlane v42, v1  }
0xfd: {  	v2 =	vsel vm9, v2, v4;
	v3 =	vsel vm9, v3, v5;
	vm10 =	vge.f32 v39, v8  }
0xfe: {  	(xrf1) =	vsort.dscd.msk.f32 $0xffff, v2, v3;
	v43 =	vsel vm10, v39, v8;
	v44 =	vsel vm10, v40, v9  }
0xff: {  	(xrf1) =	vsort.dscd.msk.f32 $0xffff, v43, v44;
	_ =	sdelay $0xc  }
0x100: {  	v2, v3, _ =	vpop (xrf1)  }
0x101: {  	v45, v46, _ =	vpop (xrf1)  }
0x102: {  	v4 =	vperm.xlane v45, v1  }
0x103: {  	v5 =	vperm.xlane v46, v1  }
0x104: {  	vm11 =	vge.f32 v2, v4  }
0x105: {  	v2 =	vsel vm11, v2, v4;
	v3 =	vsel vm11, v3, v5  }
0x106: {  	(xrf1) =	vsort.dscd.msk.f32 $0xffff, v2, v3;
	_ =	sdelay $0xd  }
0x107: {  	[tilespmem:s7], [sflag:$0x2] =	stream.linear.gather [hbm4b:s6+s3], $0x10, $0x38;
	_, v2, _ =	vpop (xrf1);
	[tilespmem:$0x8580] =	vst v63  }
0x108: {  	_ =	swait.ge [sflag:s4], $0x10  }
0x109: {  	[sflag:s4] =	ssyncset.done $0x0  }
0x10a: {  	[sflag:s4] =	ssyncadd.s32 $0xFFFFFFF0  }
0x10b: {  	v47 =	vld [tilespmem:$0x500];
	[tilespmem:s7], [sflag:$0x2] =	stream.linear.gather [hbm4b:s5+s3], $0x10, $0x38  }
0x10c: {  	_ =	swait.ge [sflag:s4], $0x10  }
0x10d: {  	[sflag:s4] =	ssyncset.done $0x0  }
0x10e: {  	s25 =	sadd.s32 $0x2, s6;
	[sflag:s4] =	ssyncadd.s32 $0xFFFFFFF0  }
0x10f: {  	v48 =	vld [tilespmem:$0x500];
	[tilespmem:s7], [sflag:$0x2] =	stream.linear.gather [hbm4b:s25+s3], $0x10, $0x38  }
0x110: {  	_ =	swait.ge [sflag:s4], $0x10  }
0x111: {  	[sflag:s4] =	ssyncset.done $0x0  }
0x112: {  	s26 =	sadd.s32 $0x2, s5;
	[sflag:s4] =	ssyncadd.s32 $0xFFFFFFF0  }
0x113: {  	v49 =	vld [tilespmem:$0x500];
	[tilespmem:s7], [sflag:$0x2] =	stream.linear.gather [hbm4b:s26+s3], $0x10, $0x38  }
0x114: {  	_ =	swait.ge [sflag:s4], $0x10  }
0x115: {  	[sflag:s4] =	ssyncset.done $0x0  }
0x116: {  	s28 =	sadd.s32 $0x4, s6;
	[sflag:s4] =	ssyncadd.s32 $0xFFFFFFF0  }
0x117: {  	v50 =	vld [tilespmem:$0x500];
	[tilespmem:s7], [sflag:$0x2] =	stream.linear.gather [hbm4b:s28+s3], $0x10, $0x38  }
0x118: {  	_ =	swait.ge [sflag:s4], $0x10  }
0x119: {  	[sflag:s4] =	ssyncset.done $0x0  }
0x11a: {  	s29 =	sadd.s32 $0x4, s5;
	[sflag:s4] =	ssyncadd.s32 $0xFFFFFFF0  }
0x11b: {  	v51 =	vld [tilespmem:$0x500];
	[tilespmem:s7], [sflag:$0x2] =	stream.linear.gather [hbm4b:s29+s3], $0x10, $0x38  }
0x11c: {  	_ =	swait.ge [sflag:s4], $0x10  }
0x11d: {  	[sflag:s4] =	ssyncset.done $0x0  }
0x11e: {  	s30 =	sadd.s32 $0x6, s6;
	[sflag:s4] =	ssyncadd.s32 $0xFFFFFFF0  }
0x11f: {  	v52 =	vld [tilespmem:$0x500];
	[tilespmem:s7], [sflag:$0x2] =	stream.linear.gather [hbm4b:s30+s3], $0x10, $0x38  }
0x120: {  	_ =	swait.ge [sflag:s4], $0x10  }
0x121: {  	[sflag:s4] =	ssyncset.done $0x0  }
0x122: {  	s31 =	sadd.s32 $0x6, s5;
	[sflag:s4] =	ssyncadd.s32 $0xFFFFFFF0  }
0x123: {  	v53 =	vld [tilespmem:$0x500];
	[tilespmem:s7], [sflag:$0x2] =	stream.linear.gather [hbm4b:s31+s3], $0x10, $0x38  }
0x124: {  	_ =	swait.ge [sflag:s4], $0x10  }
0x125: {  	[sflag:s4] =	ssyncset.done $0x0  }
0x126: {  	s9 =	sadd.s32 $0x8, s6;
	[sflag:s4] =	ssyncadd.s32 $0xFFFFFFF0  }
0x127: {  	v54 =	vld [tilespmem:$0x500];
	[tilespmem:s7], [sflag:$0x2] =	stream.linear.gather [hbm4b:s9+s3], $0x10, $0x38  }
0x128: {  	_ =	swait.ge [sflag:s4], $0x10  }
0x129: {  	[sflag:s4] =	ssyncset.done $0x0  }
0x12a: {  	s10 =	sadd.s32 $0x8, s5;
	[sflag:s4] =	ssyncadd.s32 $0xFFFFFFF0  }
0x12b: {  	v55 =	vld [tilespmem:$0x500];
	[tilespmem:s7], [sflag:$0x2] =	stream.linear.gather [hbm4b:s10+s3], $0x10, $0x38  }
0x12c: {  	_ =	swait.ge [sflag:s4], $0x10  }
0x12d: {  	[sflag:s4] =	ssyncset.done $0x0  }
0x12e: {  	s11 =	sadd.s32 $0xA, s6;
	[sflag:s4] =	ssyncadd.s32 $0xFFFFFFF0  }
0x12f: {  	v56 =	vld [tilespmem:$0x500];
	[tilespmem:s7], [sflag:$0x2] =	stream.linear.gather [hbm4b:s11+s3], $0x10, $0x38  }
0x130: {  	_ =	swait.ge [sflag:s4], $0x10  }
0x131: {  	[sflag:s4] =	ssyncset.done $0x0  }
0x132: {  	s12 =	sadd.s32 $0xA, s5;
	[sflag:s4] =	ssyncadd.s32 $0xFFFFFFF0  }
0x133: {  	v57 =	vld [tilespmem:$0x500];
	[tilespmem:s7], [sflag:$0x2] =	stream.linear.gather [hbm4b:s12+s3], $0x10, $0x38  }
0x134: {  	_ =	swait.ge [sflag:s4], $0x10  }
0x135: {  	[sflag:s4] =	ssyncset.done $0x0  }
0x136: {  	s13 =	sadd.s32 $0xC, s6;
	[sflag:s4] =	ssyncadd.s32 $0xFFFFFFF0  }
0x137: {  	v58 =	vld [tilespmem:$0x500];
	[tilespmem:s7], [sflag:$0x2] =	stream.linear.gather [hbm4b:s13+s3], $0x10, $0x38  }
0x138: {  	_ =	swait.ge [sflag:s4], $0x10  }
0x139: {  	[sflag:s4] =	ssyncset.done $0x0  }
0x13a: {  	s14 =	sadd.s32 $0xC, s5;
	[sflag:s4] =	ssyncadd.s32 $0xFFFFFFF0  }
0x13b: {  	v8 =	vld [tilespmem:$0x500];
	[tilespmem:s7], [sflag:$0x2] =	stream.linear.gather [hbm4b:s14+s3], $0x10, $0x38  }
0x13c: {  	_ =	swait.ge [sflag:s4], $0x10  }
0x13d: {  	[sflag:s4] =	ssyncset.done $0x0  }
0x13e: {  	s15 =	sadd.s32 $0xE, s6;
	[sflag:s4] =	ssyncadd.s32 $0xFFFFFFF0  }
0x13f: {  	v59 =	vld [tilespmem:$0x500];
	[tilespmem:s7], [sflag:$0x2] =	stream.linear.gather [hbm4b:s15+s3], $0x10, $0x38  }
0x140: {  	_ =	swait.ge [sflag:s4], $0x10  }
0x141: {  	[sflag:s4] =	ssyncset.done $0x0  }
0x142: {  	s16 =	sadd.s32 $0xE, s5;
	[sflag:s4] =	ssyncadd.s32 $0xFFFFFFF0  }
0x143: {  	v60 =	vld [tilespmem:$0x500];
	[tilespmem:s7], [sflag:$0x2] =	stream.linear.gather [hbm4b:s16+s3], $0x10, $0x38  }
0x144: {  	_ =	swait.ge [sflag:s4], $0x10  }
0x145: {  	[sflag:s4] =	ssyncset.done $0x0  }
0x146: {  	s17 =	sadd.s32 $0x10, s6;
	[sflag:s4] =	ssyncadd.s32 $0xFFFFFFF0  }
0x147: {  	v61 =	vld [tilespmem:$0x500];
	[tilespmem:s7], [sflag:$0x2] =	stream.linear.gather [hbm4b:s17+s3], $0x10, $0x38  }
0x148: {  	_ =	swait.ge [sflag:s4], $0x10  }
0x149: {  	[sflag:s4] =	ssyncset.done $0x0  }
0x14a: {  	s18 =	sadd.s32 $0x10, s5;
	[sflag:s4] =	ssyncadd.s32 $0xFFFFFFF0  }
0x14b: {  	v12 =	vld [tilespmem:$0x500];
	[tilespmem:s7], [sflag:$0x2] =	stream.linear.gather [hbm4b:s18+s3], $0x10, $0x38  }
0x14c: {  	_ =	swait.ge [sflag:s4], $0x10  }
0x14d: {  	[sflag:s4] =	ssyncset.done $0x0  }
0x14e: {  	s19 =	sadd.s32 $0x12, s6;
	[sflag:s4] =	ssyncadd.s32 $0xFFFFFFF0  }
0x14f: {  	v62 =	vld [tilespmem:$0x500];
	[tilespmem:s7], [sflag:$0x2] =	stream.linear.gather [hbm4b:s19+s3], $0x10, $0x38  }
0x150: {  	_ =	swait.ge [sflag:s4], $0x10  }
0x151: {  	[sflag:s4] =	ssyncset.done $0x0  }
0x152: {  	s20 =	sadd.s32 $0x12, s5;
	[sflag:s4] =	ssyncadd.s32 $0xFFFFFFF0  }
0x153: {  	v63 =	vld [tilespmem:$0x500];
	[tilespmem:s7], [sflag:$0x2] =	stream.linear.gather [hbm4b:s20+s3], $0x10, $0x38  }
0x154: {  	_ =	swait.ge [sflag:s4], $0x10  }
0x155: {  	[sflag:s4] =	ssyncset.done $0x0  }
0x156: {  	s21 =	sadd.s32 $0x14, s6;
	[sflag:s4] =	ssyncadd.s32 $0xFFFFFFF0  }
0x157: {  	v36 =	vld [tilespmem:$0x500];
	[tilespmem:s7], [sflag:$0x2] =	stream.linear.gather [hbm4b:s21+s3], $0x10, $0x38  }
0x158: {  	_ =	swait.ge [sflag:s4], $0x10  }
0x159: {  	[sflag:s4] =	ssyncset.done $0x0  }
0x15a: {  	s22 =	sadd.s32 $0x14, s5;
	[sflag:s4] =	ssyncadd.s32 $0xFFFFFFF0  }
0x15b: {  	v37 =	vld [tilespmem:$0x500];
	[tilespmem:s7], [sflag:$0x2] =	stream.linear.gather [hbm4b:s22+s3], $0x10, $0x38  }
0x15c: {  	_ =	swait.ge [sflag:s4], $0x10  }
0x15d: {  	[sflag:s4] =	ssyncset.done $0x0  }
0x15e: {  	s23 =	sadd.s32 $0x16, s6;
	[sflag:s4] =	ssyncadd.s32 $0xFFFFFFF0  }
0x15f: {  	v38 =	vld [tilespmem:$0x500];
	[tilespmem:s7], [sflag:$0x2] =	stream.linear.gather [hbm4b:s23+s3], $0x10, $0x38  }
0x160: {  	_ =	swait.ge [sflag:s4], $0x10  }
0x161: {  	[sflag:s4] =	ssyncset.done $0x0  }
0x162: {  	s24 =	sadd.s32 $0x16, s5;
	[sflag:s4] =	ssyncadd.s32 $0xFFFFFFF0  }
0x163: {  	v39 =	vld [tilespmem:$0x500];
	[tilespmem:s7], [sflag:$0x2] =	stream.linear.gather [hbm4b:s24+s3], $0x10, $0x38  }
0x164: {  	_ =	swait.ge [sflag:s4], $0x10  }
0x165: {  	[sflag:s4] =	ssyncset.done $0x0  }
0x166: {  	s25 =	sadd.s32 $0x18, s6;
	[sflag:s4] =	ssyncadd.s32 $0xFFFFFFF0  }
0x167: {  	v40 =	vld [tilespmem:$0x500];
	[tilespmem:s7], [sflag:$0x2] =	stream.linear.gather [hbm4b:s25+s3], $0x10, $0x38  }
0x168: {  	_ =	swait.ge [sflag:s4], $0x10  }
0x169: {  	[sflag:s4] =	ssyncset.done $0x0  }
0x16a: {  	s26 =	sadd.s32 $0x18, s5;
	[sflag:s4] =	ssyncadd.s32 $0xFFFFFFF0  }
0x16b: {  	v41 =	vld [tilespmem:$0x500];
	[tilespmem:s7], [sflag:$0x2] =	stream.linear.gather [hbm4b:s26+s3], $0x10, $0x38  }
0x16c: {  	_ =	swait.ge [sflag:s4], $0x10  }
0x16d: {  	[sflag:s4] =	ssyncset.done $0x0  }
0x16e: {  	s28 =	sadd.s32 $0x1A, s6;
	[sflag:s4] =	ssyncadd.s32 $0xFFFFFFF0  }
0x16f: {  	v42 =	vld [tilespmem:$0x500];
	[tilespmem:s7], [sflag:$0x2] =	stream.linear.gather [hbm4b:s28+s3], $0x10, $0x38  }
0x170: {  	_ =	swait.ge [sflag:s4], $0x10  }
0x171: {  	[sflag:s4] =	ssyncset.done $0x0  }
0x172: {  	s29 =	sadd.s32 $0x1A, s5;
	[sflag:s4] =	ssyncadd.s32 $0xFFFFFFF0  }
0x173: {  	v43 =	vld [tilespmem:$0x500];
	[tilespmem:s7], [sflag:$0x2] =	stream.linear.gather [hbm4b:s29+s3], $0x10, $0x38  }
0x174: {  	_ =	swait.ge [sflag:s4], $0x10  }
0x175: {  	[sflag:s4] =	ssyncset.done $0x0  }
0x176: {  	s30 =	sadd.s32 $0x1C, s6;
	[sflag:s4] =	ssyncadd.s32 $0xFFFFFFF0  }
0x177: {  	v44 =	vld [tilespmem:$0x500];
	[tilespmem:s7], [sflag:$0x2] =	stream.linear.gather [hbm4b:s30+s3], $0x10, $0x38  }
0x178: {  	v9 =	vtrunc.f32 v48;
	v11 =	vtrunc.f32 v50;
	_ =	swait.ge [sflag:s4], $0x10  }
0x179: {  	v9 =	vcvt.f32.s32 v9;
	v11 =	vcvt.f32.s32 v11;
	[sflag:s4] =	ssyncset.done $0x0  }
0x17a: {  	v5 =	vperm.xlane v49, v1;
	s31 =	sadd.s32 $0x1C, s5;
	v13 =	vtrunc.f32 v52;
	[sflag:s4] =	ssyncadd.s32 $0xFFFFFFF0  }
0x17b: {  	v11 =	vperm.xlane v11, v1;
	v13 =	vcvt.f32.s32 v13;
	v45 =	vld [tilespmem:$0x500];
	[tilespmem:s7], [sflag:$0x2] =	stream.linear.gather [hbm4b:s31+s3], $0x10, $0x38  }
0x17c: {  	vm12 =	vge.f32 v47, v5;
	v7 =	vperm.xlane v53, v1;
	v15 =	vtrunc.f32 v54;
	_ =	swait.ge [sflag:s4], $0x10  }
0x17d: {  	v3 =	vsel vm12, v47, v5;
	v15 =	vcvt.f32.s32 v15;
	v18 =	vtrunc.f32 v58;
	[sflag:s4] =	ssyncset.done $0x0  }
0x17e: {  	s8 =	sadd.s32 $0x1E, s6;
	v9 =	vsel vm12, v9, v11;
	v17 =	vtrunc.f32 v56;
	v18 =	vcvt.f32.s32 v18;
	[sflag:s4] =	ssyncadd.s32 $0xFFFFFFF0  }
0x17f: {  	vm13 =	vge.f32 v51, v7;
	v47 =	vperm.xlane v15, v1;
	v17 =	vcvt.f32.s32 v17;
	v46 =	vld [tilespmem:$0x500];
	[tilespmem:s7], [sflag:$0x2] =	stream.linear.gather [hbm4b:s8+s3], $0x10, $0x38  }
0x180: {  	v49 =	vsel vm13, v51, v7;
	v10 =	vperm.xlane v57, v1;
	v52 =	vperm.xlane v18, v1;
	_ =	swait.ge [sflag:s4], $0x10  }
0x181: {  	v50 =	vsel vm13, v13, v47;
	v19 =	vtrunc.f32 v59;
	v20 =	vtrunc.f32 v61;
	[sflag:s4] =	ssyncset.done $0x0  }
0x182: {  	s9 =	sadd.s32 $0x1E, s5;
	vm14 =	vge.f32 v55, v10;
	v19 =	vcvt.f32.s32 v19;
	v20 =	vcvt.f32.s32 v20;
	[sflag:s4] =	ssyncadd.s32 $0xFFFFFFF0  }
0x183: {  	v55 =	vsel vm14, v55, v10;
	v53 =	vperm.xlane v60, v1;
	v21 =	vtrunc.f32 v62;
	v33 =	vld [tilespmem:$0x500];
	[tilespmem:s7], [sflag:$0x2] =	stream.linear.gather [hbm4b:s9+s3], $0x10, $0x38  }
0x184: {  	v57 =	vsel vm14, v17, v52;
	v56 =	vperm.xlane v20, v1;
	v21 =	vcvt.f32.s32 v21;
	_ =	swait.ge [sflag:s4], $0x10  }
0x185: {  	vm15 =	vge.f32 v8, v53;
	v58 =	vperm.xlane v63, v1;
	v23 =	vtrunc.f32 v36;
	[sflag:s4] =	ssyncset.done $0x0  }
0x186: {  	v60 =	vsel vm15, v8, v53;
	v23 =	vcvt.f32.s32 v23;
	v26 =	vtrunc.f32 v40;
	[sflag:s4] =	ssyncadd.s32 $0xFFFFFFF0  }
0x187: {  	v4 =	vsel vm15, v19, v56;
	v24 =	vtrunc.f32 v38;
	v26 =	vcvt.f32.s32 v26;
	v51 =	vld [tilespmem:$0x500]  }
0x188: {  	vm4 =	vge.f32 v12, v58;
	v61 =	vperm.xlane v23, v1;
	v24 =	vcvt.f32.s32 v24  }
0x189: {  	v13 =	vsel vm4, v12, v58;
	v62 =	vperm.xlane v39, v1;
	v15 =	vperm.xlane v26, v1  }
0x18a: {  	v14 =	vsel vm4, v21, v61;
	v28 =	vtrunc.f32 v42;
	v54 =	vtrunc.f32 v44  }
0x18b: {  	vm5 =	vge.f32 v37, v62;
	v48 =	vcvt.f32.s32 v28;
	v59 =	vcvt.f32.s32 v54;
	(xrf1) =	vsort.dscd.msk.f32 $0xffff, v3, v9  }
0x18c: {  	v16 =	vsel vm5, v37, v62;
	v17 =	vperm.xlane v43, v1;
	(xrf1) =	vsort.dscd.msk.f32 $0xffff, v49, v50;
	v5 =	vtrunc.f32 v51  }
0x18d: {  	v6 =	vsel vm5, v24, v15;
	v18 =	vperm.xlane v59, v1;
	(xrf1) =	vsort.dscd.msk.f32 $0xffff, v55, v57;
	v5 =	vcvt.f32.s32 v5  }
0x18e: {  	vm6 =	vge.f32 v41, v17;
	v63 =	vtrunc.f32 v46;
	(xrf1) =	vsort.dscd.msk.f32 $0xffff, v60, v4;
	v19 =	vperm.xlane v33, v1  }
0x18f: {  	v21 =	vsel vm6, v48, v18;
	v9 =	vcvt.f32.s32 v63;
	(xrf1) =	vsort.dscd.msk.f32 $0xffff, v13, v14;
	v20 =	vperm.xlane v5, v1  }
0x190: {  	v4 =	vsel vm6, v41, v17;
	(xrf1) =	vsort.dscd.msk.f32 $0xffff, v16, v6;
	vm7 =	vge.f32 v45, v19  }
0x191: {  	(xrf1) =	vsort.dscd.msk.f32 $0xffff, v4, v21;
	v22 =	vsel vm7, v45, v19;
	v3 =	vsel vm7, v9, v20  }
0x192: {  	(xrf1) =	vsort.dscd.msk.f32 $0xffff, v22, v3;
	_ =	sdelay $0x6  }
0x193: {  	v3, v4, _ =	vpop (xrf1)  }
0x194: {  	v24, v23, _ =	vpop (xrf1)  }
0x195: {  	v25, v26, _ =	vpop (xrf1)  }
0x196: {  	v5 =	vperm.xlane v24, v1;
	v28, v27, _ =	vpop (xrf1)  }
0x197: {  	v6 =	vperm.xlane v23, v1;
	v30, v29, _ =	vpop (xrf1);
	v9 =	vperm.xlane v28, v1  }
0x198: {  	vm8 =	vge.f32 v3, v5;
	v35 =	vperm.xlane v27, v1;
	v32, v31, _ =	vpop (xrf1)  }
0x199: {  	v3 =	vsel vm8, v3, v5;
	v4 =	vsel vm8, v4, v6;
	v34, v33, _ =	vpop (xrf1);
	vm9 =	vge.f32 v25, v9  }
0x19a: {  	(xrf1) =	vsort.dscd.msk.f32 $0xffff, v3, v4;
	v39 =	vperm.xlane v32, v1;
	v40 =	vperm.xlane v31, v1;
	v37, v36, _ =	vpop (xrf1)  }
0x19b: {  	v38 =	vsel vm9, v25, v9;
	v6 =	vsel vm9, v26, v35;
	v41 =	vperm.xlane v37, v1  }
0x19c: {  	(xrf1) =	vsort.dscd.msk.f32 $0xffff, v38, v6;
	vm10 =	vge.f32 v30, v39;
	v42 =	vperm.xlane v36, v1  }
0x19d: {  	v4 =	vsel vm10, v30, v39;
	v43 =	vsel vm10, v29, v40;
	vm11 =	vge.f32 v34, v41  }
0x19e: {  	(xrf1) =	vsort.dscd.msk.f32 $0xffff, v4, v43;
	v44 =	vsel vm11, v34, v41;
	v3 =	vsel vm11, v33, v42  }
0x19f: {  	(xrf1) =	vsort.dscd.msk.f32 $0xffff, v44, v3;
	_ =	sdelay $0xa  }
0x1a0: {  	v3, v4, _ =	vpop (xrf1)  }
0x1a1: {  	v46, v45, _ =	vpop (xrf1)  }
0x1a2: {  	v47, v48, _ =	vpop (xrf1)  }
0x1a3: {  	v5 =	vperm.xlane v46, v1;
	v49, v50, _ =	vpop (xrf1)  }
0x1a4: {  	v6 =	vperm.xlane v45, v1;
	v9 =	vperm.xlane v49, v1  }
0x1a5: {  	vm12 =	vge.f32 v3, v5;
	v10 =	vperm.xlane v50, v1  }
0x1a6: {  	v3 =	vsel vm12, v3, v5;
	v4 =	vsel vm12, v4, v6;
	vm13 =	vge.f32 v47, v9  }
0x1a7: {  	(xrf1) =	vsort.dscd.msk.f32 $0xffff, v3, v4;
	v51 =	vsel vm13, v47, v9;
	v52 =	vsel vm13, v48, v10  }
0x1a8: {  	(xrf1) =	vsort.dscd.msk.f32 $0xffff, v51, v52;
	_ =	sdelay $0xc  }
0x1a9: {  	v3, v4, _ =	vpop (xrf1)  }
0x1aa: {  	v53, v54, _ =	vpop (xrf1)  }
0x1ab: {  	vm1 =	vmmov $0xff;
	v5 =	vperm.xlane v53, v1  }
0x1ac: {  	v2 =	vnsel vm1, $0x0, v2;
	v1 =	vperm.xlane v54, v1  }
0x1ad: {  	v55 =	vshll.u32 v2, $0x3;
	v2 =	vand.u32 $0x7, v2;
	vm14 =	vge.f32 v3, v5  }
0x1ae: {  	v56 =	vand.u32 $0xFFFFFFC0, v55;
	v3 =	vsel vm14, v3, v5;
	v1 =	vsel vm14, v4, v1  }
0x1af: {  	v58 =	vshrl.u32 v0, $0x3;
	v57 =	vand.u32 $0x7, v0;
	v2 =	vor.u32 v2, v56;
	(xrf1) =	vsort.dscd.msk.f32 $0xffff, v3, v1  }
0x1b0: {  	v60 =	vmul.u32 $0x8, v58;
	v59 =	vperm.xlane v2, v57;
	_ =	sdelay $0x1  }
0x1b1: {  	v1 =	vadd.s32 v60, v59;
	_ =	sdelay $0x3  }
0x1b2: {  	s10 =	simm.s32 $0x580;
	vm15 =	vmmov $0xffff  }
0x1b3: {  	v0 =	vor.u32 $0x8, v0;
	[tilespmem:s10], [sflag:$0x1] =	stream.indirect_vreg.gather [hbm4b:s1+s3], $0x80, v1, vm15, $0xb8;
	[tilespmem:$0x8580] =	vst v63  }
0x1b4: {  	s12 =	sadd.s32 $0x100, s1;
	s13 =	simm.s32 $0xD80;
	v2 =	vperm.xlane v2, v0  }
0x1b5: {  	[tilespmem:s13], [sflag:$0x1] =	stream.indirect_vreg.gather [hbm4b:s12+s3], $0x80, v1, vm15, $0xb8;
	[tilespmem:$0x8580] =	vst v63  }
0x1b6: {  	s14 =	sadd.s32 $0x200, s1;
	s15 =	simm.s32 $0x1580;
	v2 =	vadd.s32 v60, v2  }
0x1b7: {  	[tilespmem:s15], [sflag:$0x1] =	stream.indirect_vreg.gather [hbm4b:s14+s3], $0x80, v1, vm15, $0xb8;
	[tilespmem:$0x8580] =	vst v63  }
0x1b8: {  	s16 =	sadd.s32 $0x300, s1;
	s17 =	simm.s32 $0x1D80  }
0x1b9: {  	[tilespmem:s17], [sflag:$0x1] =	stream.indirect_vreg.gather [hbm4b:s16+s3], $0x80, v1, vm15, $0xb8;
	_, v61, _ =	vpop (xrf1);
	[tilespmem:$0x8580] =	vst v63  }
0x1ba: {  	s18 =	simm.s32 $0x2580;
	v1 =	vnsel vm1, $0x0, v61  }
0x1bb: {  	[tilespmem:s18], [sflag:$0x1] =	stream.indirect_vreg.gather [hbm4b:s1+s3], $0x80, v2, vm15, $0xb8;
	v62 =	vshll.u32 v1, $0x3;
	[tilespmem:$0x8580] =	vst v63  }
0x1bc: {  	s19 =	simm.s32 $0x2D80;
	v1 =	vand.u32 $0x7, v1;
	v5 =	vand.u32 $0xFFFFFFC0, v62  }
0x1bd: {  	[tilespmem:s19], [sflag:$0x1] =	stream.indirect_vreg.gather [hbm4b:s12+s3], $0x80, v2, vm15, $0xb8;
	v1 =	vor.u32 v1, v5;
	[tilespmem:$0x8580] =	vst v63  }
0x1be: {  	s20 =	simm.s32 $0x3580;
	v4 =	vperm.xlane v1, v57  }
0x1bf: {  	[tilespmem:s20], [sflag:$0x1] =	stream.indirect_vreg.gather [hbm4b:s14+s3], $0x80, v2, vm15, $0xb8;
	[tilespmem:$0x8580] =	vst v63  }
0x1c0: {  	s21 =	simm.s32 $0x3D80;
	s22 =	simm.s32 $0x1;
	v63 =	vadd.s32 v60, v4  }
0x1c1: {  	[tilespmem:s21], [sflag:$0x1] =	stream.indirect_vreg.gather [hbm4b:s16+s3], $0x80, v2, vm15, $0xb8;
	[tilespmem:$0x8580] =	vst v63  }
0x1c2: {  	_ =	swait.ge [sflag:s22], $0x4000  }
0x1c3: {  	[sflag:s22] =	ssyncset.done $0x0  }
0x1c4: {  	s23 =	simm.s32 $0x4580;
	[sflag:s22] =	ssyncadd.s32 $0xFFFFC000  }
0x1c5: {  	[tilespmem:s23], [sflag:$0x1] =	stream.indirect_vreg.gather [hbm4b:s1+s3], $0x80, v63, vm15, $0xb8;
	[tilespmem:$0x8580] =	vst v63  }
0x1c6: {  	s11 =	simm.s32 $0x4D80;
	v0 =	vperm.xlane v1, v0  }
0x1c7: {  	[tilespmem:s11], [sflag:$0x1] =	stream.indirect_vreg.gather [hbm4b:s12+s3], $0x80, v63, vm15, $0xb8;
	[tilespmem:$0x8580] =	vst v63  }
0x1c8: {  	s24 =	simm.s32 $0x5580;
	v0 =	vadd.s32 v60, v0  }
0x1c9: {  	[tilespmem:s24], [sflag:$0x1] =	stream.indirect_vreg.gather [hbm4b:s14+s3], $0x80, v63, vm15, $0xb8;
	[tilespmem:$0x8580] =	vst v63  }
0x1ca: {  	s25 =	simm.s32 $0x5D80  }
0x1cb: {  	[tilespmem:s25], [sflag:$0x1] =	stream.indirect_vreg.gather [hbm4b:s16+s3], $0x80, v63, vm15, $0xb8;
	[tilespmem:$0x8580] =	vst v63  }
0x1cc: {  	s26 =	simm.s32 $0x6580  }
0x1cd: {  	[tilespmem:s26], [sflag:$0x1] =	stream.indirect_vreg.gather [hbm4b:s1+s3], $0x80, v0, vm15, $0xb8;
	[tilespmem:$0x8580] =	vst v63  }
0x1ce: {  	s28 =	simm.s32 $0x6D80  }
0x1cf: {  	[tilespmem:s28], [sflag:$0x1] =	stream.indirect_vreg.gather [hbm4b:s12+s3], $0x80, v0, vm15, $0xb8;
	[tilespmem:$0x8580] =	vst v63  }
0x1d0: {  	s29 =	simm.s32 $0x7580  }
0x1d1: {  	[tilespmem:s29], [sflag:$0x1] =	stream.indirect_vreg.gather [hbm4b:s14+s3], $0x80, v0, vm15, $0xb8;
	[tilespmem:$0x8580] =	vst v63  }
0x1d2: {  	s30 =	simm.s32 $0x7D80  }
0x1d3: {  	[tilespmem:s30], [sflag:$0x1] =	stream.indirect_vreg.gather [hbm4b:s16+s3], $0x80, v0, vm15, $0xb8;
	[tilespmem:$0x8580] =	vst v63  }
0x1d4: {  	_ =	swait.ge [sflag:s22], $0x4000  }
0x1d5: {  	[sflag:s22] =	ssyncset.done $0x0  }
0x1d6: {  	[sflag:s22] =	ssyncadd.s32 $0xFFFFC000  }
0x1d7: {  	[hbm4b:s2+s3] =	stream.linear.scatter [tilespmem:s10], [sflag:$0x2], $0x2000, $0x38;
	[tilespmem:$0x8580] =	vst v63  }
0x1d8: {  	_ =	swait.ge [sflag:s4], $0x2000  }
0x1d9: {  	[sflag:s4] =	ssyncset.done $0x0  }
0x1da: {  	s31 =	sadd.s32 $0x400, s2;
	[sflag:s4] =	ssyncadd.s32 $0xFFFFE000  }
0x1db: {  	[hbm4b:s31+s3] =	stream.linear.scatter [tilespmem:s23], [sflag:$0x2], $0x2000, $0x38;
	[tilespmem:$0x8580] =	vst v63  }
0x1dc: {  	_ =	swait.ge [sflag:s4], $0x2000  }
0x1dd: {  	[sflag:s4] =	ssyncset.done $0x0  }
0x1de: {  	[sflag:s4] =	ssyncadd.s32 $0xFFFFE000  }
0x1df: {  	_ =	sfence.sel $0x180000  }
0x1e0: {  	[bflag:$0x0] =	sbarrier.arrive $0xFFFF  }
0x1e1: {  	_ =	strace $0x90000047  }
0x1e2: {  	s0 =	sadd.s32 $0x100000, s0;
	[bflag:$0x2] =	sbarrier.arrive $0xFFFF  }
0x1e3: {  	[sflag:s0] =	ssyncadd.tile.s32 $0x1;
	_ =	shalt  }
.Lfunc_end2:
_tile_overlayer_lowered:
.L_overlay_start_2:
0x1e4: {  	(tag) =	ssettag $0x2  }
0x1e5: {  	s0 =	rddreg [dreg:$0x0];
	s2 =	stileid.u32  }
0x1e6: {  	s1 =	rddreg [dreg:$0x1];
	p0 =	sne.s32 s2, $0x0  }
0x1e7: {  	s3 =	rddreg [dreg:$0x2];
	[bflag:$0x3] =	sbarrier.arrive $0xFFFF;
	s2 =	simm.s32 @!p0 $0x1C02  }
0x1e8: {  	[timem:s3], [sflag:s2] =	dma.local @!p0 [hbm:s0], s1  }
0x1e9: {  	s0 =	simm.s32 @!p0 $0x2  }
0x1ea: {  	_ =	swait.ge @!p0 [sflag:s0], s1  }
0x1eb: {  	s1 =	ssub.s32 @!p0 $0x0, s1;
	[sflag:s0] =	ssyncset.done @!p0 $0x0  }
0x1ec: {  	[sflag:s0] =	ssyncadd.s32 @!p0 s1  }
0x1ed: {  	[bflag:$0x3] =	sbarrier.arrive $0xFFFF  }
0x1ee: {  	_ =	shalt  }

</sc_bundles>
